<compile_context>
chip_gen: v7x
topology: tpu7x:2x2x1
jax: 0.10.2.dev20260603
libtpu: 0.0.44.dev20260713+nightly
codegen_flags: <defaults>
</compile_context>

<pallas_src>
import functools

import jax
import jax.numpy as jnp
import numpy as np
from jax import lax
from jax.experimental import pallas as pl
from jax.experimental.pallas import tpu as pltpu
from jax.experimental.pallas import tpu_sc as plsc

_B = 8
_NI = 2048
_NS = 512
_BJ = 128


def _sort_key(x):
    i = lax.bitcast_convert_type(x, jnp.int32)
    return i ^ ((i >> 31) & jnp.int32(0x7FFFFFFF))


def _noised(s, sf, m, nz):
    x = jnp.where(m > 0, jnp.maximum(s, sf), s)
    return jnp.clip(x, -1.0, 1.0) + nz


def _tri_mask():
    return (np.arange(_BJ)[:, None] < np.arange(_BJ)[None, :]).astype(np.int32)


_RP = 4


def _rank_one_row(ki, kT, tri):
    shr = lax.shift_right_logical
    accs = [jnp.zeros((_BJ, _NI), jnp.int32), jnp.zeros((_BJ, _NI), jnp.int32)]
    for jc in range(_NI // _BJ):
        lo = jc * _BJ
        kj = kT[:, jc:jc + 1]
        kj1 = kj - 1
        parts = []
        if lo > 0:
            parts.append(shr(kj - ki[:, :lo], 31))
        parts.append(shr(kj - ki[:, lo:lo + _BJ] - tri, 31))
        if lo + _BJ < _NI:
            parts.append(shr(kj1 - ki[:, lo + _BJ:], 31))
        accs[jc % 2] += jnp.concatenate(parts, axis=1)
    return jnp.sum(accs[0] + accs[1], axis=0, keepdims=True)


def _rank_body(n_ref, s_r, sf_r, m_r, nz_r, s_c, sf_c, m_c, nz_c, g_ref,
               rank_ref, w_ref):
    tri = g_ref[...]
    for r in range(_RP):
        xi = _noised(s_r[r], sf_r[r], m_r[r], nz_r[r])
        xc = _noised(s_c[r], sf_c[r], m_c[r], nz_c[r])
        ki = _sort_key(xi)
        kT = jnp.transpose(_sort_key(xc))
        rank_ref[r] = _rank_one_row(ki, kT, tri)

    nv = n_ref[0]
    pos = lax.broadcasted_iota(jnp.int32, (1, _NS), 1).astype(jnp.float32)
    dr = pos + float(_NI - _NS)
    w_ref[...] = jnp.broadcast_to(
        jnp.minimum((dr - (float(_NI) - nv)) / (0.1 * nv), 1.0), (_RP, 1, _NS))


def _tc_rank(n_arr, s, sflip, maskf, noise):
    nc = _NI // _BJ
    row = pl.BlockSpec((_RP, 1, _NI), lambda b: (b, 0, 0))
    col = pl.BlockSpec((_RP, nc, _BJ), lambda b: (b, 0, 0))
    sr, sfr, mr, nzr = (a.reshape(_B, 1, _NI) for a in (s, sflip, maskf, noise))
    s3, sf3, m3, nz3 = (a.reshape(_B, nc, _BJ) for a in (s, sflip, maskf, noise))
    rank3, w3 = pl.pallas_call(
        _rank_body,
        grid=(_B // _RP,),
        in_specs=[pl.BlockSpec(memory_space=pltpu.SMEM),
                  row, row, row, row, col, col, col, col,
                  pl.BlockSpec((_BJ, _BJ), lambda b: (0, 0))],
        out_specs=[pl.BlockSpec((_RP, 1, _NI), lambda b: (b, 0, 0)),
                   pl.BlockSpec((_RP, 1, _NS), lambda b: (b, 0, 0))],
        out_shape=[jax.ShapeDtypeStruct((_B, 1, _NI), jnp.int32),
                   jax.ShapeDtypeStruct((_B, 1, _NS), jnp.float32)],
    )(n_arr, sr, sfr, mr, nzr, s3, sf3, m3, nz3, _tri_mask())
    return rank3.reshape(_B, _NI), w3.reshape(_B, _NS)


@functools.lru_cache(maxsize=None)
def _make_sc_invert():
    mesh = plsc.VectorSubcoreMesh(core_axis_name="c", subcore_axis_name="s",
                                  num_cores=1, num_subcores=_B)

    @functools.partial(
        pl.kernel,
        out_type=jax.ShapeDtypeStruct((_B, _NS), jnp.int32),
        mesh=mesh,
        scratch_types=[pltpu.VMEM((_NI,), jnp.int32),
                       pltpu.VMEM((_NI,), jnp.int32)],
        compiler_params=pltpu.CompilerParams(needs_layout_passes=False),
    )
    def _sc_invert(rank_hbm, out_hbm, rank_v, inv_v):
        cid = lax.axis_index("c")
        sid = lax.axis_index("s")

        @pl.when((cid == 0) & (sid < _B))
        def _():
            pltpu.sync_copy(rank_hbm.at[sid], rank_v)
            base = lax.iota(jnp.int32, 16)
            for k in range(_NI // 16):
                rk = rank_v[pl.ds(k * 16, 16)]
                plsc.store_scatter(inv_v, [rk], base + (k * 16))
            pltpu.sync_copy(inv_v.at[pl.ds(_NI - _NS, _NS)], out_hbm.at[sid])

    return _sc_invert


@functools.lru_cache(maxsize=None)
def _prng_consts():
    with jax.ensure_compile_time_eval():
        k1, k2, k3 = jax.random.split(jax.random.key(42), 3)
        mask = jax.random.uniform(k1, (_B, _NI)) < 0.1
        bmask = jax.random.uniform(k2, (_B, 1)) < 0.75
        maskf = jnp.logical_and(mask, bmask).astype(jnp.float32)
        noise = jax.random.normal(k3, (_B, _NI), dtype=jnp.float32) * (4.0 / _NI)
    return np.asarray(maskf), np.asarray(noise)


def kernel(scores, N):
    maskf, noise = _prng_consts()
    sflip = jnp.flip(scores, (0, 1))
    n_arr = jnp.asarray(N, jnp.float32).reshape(1)
    rank, weight = _tc_rank(n_arr, scores, sflip, maskf, noise)
    idx_keep = _make_sc_invert()(rank)
    return idx_keep, weight

# --- scband reference (transcript-rebuilt; emitter-appended) ---
"""Pipeline reference for scband-subset-items-36155034698000 (READ-ONLY COPY).

The authoritative reference and input builder live on the scoring server;
editing this copy changes nothing except your own understanding.
"""

import jax, jax.numpy as jnp
import numpy as np

NOISED_FRACTION = 0.1
STDDEV_FACTOR = 4.0
RANDOM_FRACTION = 0.1
USE_RANDOM_RANK = True


def _forward(scores, N, key, n_static):
    # Faithful jax translation of SubsetItems.forward in training mode
    # (the gradient-capable path of the torch module), with fixed PRNG keys
    # replacing torch's global RNG.
    B, num_items = scores.shape
    k1, k2, k3 = jax.random.split(key, 3)

    # _randomize_some(scores, random_fraction)
    mask = jax.random.uniform(k1, scores.shape) < RANDOM_FRACTION
    batch_mask = jax.random.uniform(k2, (B, 1)) < 0.75
    mask = jnp.logical_and(mask, batch_mask)
    x_rand = jnp.flip(scores, axis=(0, 1))
    x = jnp.where(mask, jnp.maximum(scores, x_rand), scores)

    # Sort.forward (training path)
    x = jnp.clip(x, -1.0, 1.0)
    stddev = STDDEV_FACTOR / num_items
    diffs = x[:, :, None] - x[:, None, :]
    diffs = 0.5 + 0.5 * jax.lax.erf(diffs / (2.0 ** 0.5 * stddev))
    diff_ranks = jnp.sum(diffs, axis=-1)
    if USE_RANDOM_RANK:
        x = x + jax.random.normal(k3, x.shape, dtype=x.dtype) * stddev
    indexes = jnp.argsort(x, axis=-1)
    diff_ranks = jnp.take_along_axis(diff_ranks, indexes, axis=-1)
    arange = jnp.arange(num_items, dtype=jnp.float32)
    diff_ranks = diff_ranks + jax.lax.stop_gradient(arange[None, :] - diff_ranks)

    # SubsetItems tail: keep top-N by score
    idx_keep = indexes[:, -n_static:]
    num_discarded = num_items - N
    weight = jnp.minimum((diff_ranks[:, -n_static:] - num_discarded) / (NOISED_FRACTION * N), 1.0)
    return idx_keep, weight


def setup_inputs(seed: int = 0) -> dict:
    key = jax.random.key(seed)
    scores = jax.random.normal(key, (8, 2048), dtype=jnp.float32)
    return {"scores": scores, "N": 512}


def reference(scores, N):
    return _forward(scores, N, jax.random.key(42), 512)

if __name__ == "__main__":
    import jax
    _d = setup_inputs()
    print(jax.jit(kernel)(*tuple(_d.values())))

</pallas_src>

<mosaic_0001>
#map = affine_map<(d0, d1) -> (0, 0)>
module attributes {stable_mosaic.version = 14 : i64} {
  func.func @_sc_invert(%arg0: i32, %arg1: i32, %arg2: memref<8x2048xi32, #tpu.memory_space<hbm>>, %arg3: memref<8x512xi32, #tpu.memory_space<hbm>>, %arg4: memref<2048xi32, #tpu.memory_space<vmem>>, %arg5: memref<2048xi32, #tpu.memory_space<vmem>>) attributes {dimension_semantics = [#tpu.dimension_semantics<core_parallel>, #tpu.dimension_semantics<subcore_parallel>], iteration_bounds = array<i64: 1, 8>, scalar_prefetch = 0 : i64, scratch_operands = 2 : i64, tpu.core_type = #tpu.core_type<sc_vector_subcore>, window_params = [{transform_indices = #map}, {transform_indices = #map}]} {
    %eq3A = arith.constant 0 : i32
    %eq3A_0 = arith.cmpi eq, %arg0, %eq3A : i32
    %lt3A = arith.constant 8 : i32
    %lt3A_1 = arith.cmpi slt, %arg1, %lt3A : i32
    %and3A = arith.andi %eq3A_0, %lt3A_1 : i1
    %convert_element_type3A = arith.extui %and3A : i1 to i32
    %cond3A = arith.constant 0 : i32
    %cond3A_2 = arith.cmpi ne, %convert_element_type3A, %cond3A : i32
    scf.if %cond3A_2 {
      "tpu.region"() ({
        %run_scoped3A = tpu.sem_alloc : memref<!tpu.dma_semaphore, #tpu.memory_space<semaphore_mem>>
        %dma_start3A = arith.constant 0 : i32
        %dma_start3A_641 = tpu.memref_slice %arg2[%arg1, %dma_start3A] : memref<8x2048xi32, #tpu.memory_space<hbm>> -> memref<1x2048xi32, #tpu.memory_space<hbm>>
        %dma_start3A_642 = tpu.memref_squeeze %dma_start3A_641 : memref<1x2048xi32, #tpu.memory_space<hbm>> -> memref<2048xi32, #tpu.memory_space<hbm>>
        %dma_start3A_643 = arith.constant 0 : i32
        %dma_start3A_644 = tpu.memref_slice %arg2[%arg1, %dma_start3A_643] : memref<8x2048xi32, #tpu.memory_space<hbm>> -> memref<1x2048xi32, #tpu.memory_space<hbm>>
        %dma_start3A_645 = tpu.memref_squeeze %dma_start3A_644 : memref<1x2048xi32, #tpu.memory_space<hbm>> -> memref<2048xi32, #tpu.memory_space<hbm>>
        tpu.enqueue_dma source(%dma_start3A_645 : memref<2048xi32, #tpu.memory_space<hbm>>) target(%arg4 : memref<2048xi32, #tpu.memory_space<vmem>>) target_semaphore(%run_scoped3A : memref<!tpu.dma_semaphore, #tpu.memory_space<semaphore_mem>>)
        %dma_wait3A = arith.constant 0 : i32
        %dma_wait3A_646 = tpu.memref_slice %arg2[%arg1, %dma_wait3A] : memref<8x2048xi32, #tpu.memory_space<hbm>> -> memref<1x2048xi32, #tpu.memory_space<hbm>>
        %dma_wait3A_647 = tpu.memref_squeeze %dma_wait3A_646 : memref<1x2048xi32, #tpu.memory_space<hbm>> -> memref<2048xi32, #tpu.memory_space<hbm>>
        %dma_wait3A_648 = arith.constant 0 : i32
        %dma_wait3A_649 = tpu.memref_slice %arg2[%arg1, %dma_wait3A_648] : memref<8x2048xi32, #tpu.memory_space<hbm>> -> memref<1x2048xi32, #tpu.memory_space<hbm>>
        %dma_wait3A_650 = tpu.memref_squeeze %dma_wait3A_649 : memref<1x2048xi32, #tpu.memory_space<hbm>> -> memref<2048xi32, #tpu.memory_space<hbm>>
        tpu.wait_dma2 semaphore(%run_scoped3A : memref<!tpu.dma_semaphore, #tpu.memory_space<semaphore_mem>>) src(%dma_wait3A_650 : memref<2048xi32, #tpu.memory_space<hbm>>) dst(%arg4 : memref<2048xi32, #tpu.memory_space<vmem>>)
        tpu.yield
      }) : () -> ()
      %iota3A = tpu.iota {dimensions = array<i32: 0>} : vector<16xi32>
      %get3A = arith.constant 0 : index
      %get3A_3 = tpu.vector_load %arg4[%get3A] {strides = array<i32>} : memref<2048xi32, #tpu.memory_space<vmem>>, vector<16xi32>,
      %add3A = arith.constant 0 : i32
      %add3A_4 = vector.broadcast %add3A : i32 to vector<16xi32>
      %add3A_5 = arith.addi %iota3A, %add3A_4 : vector<16xi32>
      tpu.vector_store_idx %arg5[%get3A_3], %add3A_5 : memref<2048xi32, #tpu.memory_space<vmem>>[vector<16xi32>], vector<16xi32>,
      %get3A_6 = arith.constant 16 : index
      %get3A_7 = tpu.vector_load %arg4[%get3A_6] {strides = array<i32>} : memref<2048xi32, #tpu.memory_space<vmem>>, vector<16xi32>,
      %add3A_8 = arith.constant 16 : i32
      %add3A_9 = vector.broadcast %add3A_8 : i32 to vector<16xi32>
      %add3A_10 = arith.addi %iota3A, %add3A_9 : vector<16xi32>
      tpu.vector_store_idx %arg5[%get3A_7], %add3A_10 : memref<2048xi32, #tpu.memory_space<vmem>>[vector<16xi32>], vector<16xi32>,
      %get3A_11 = arith.constant 32 : index
      %get3A_12 = tpu.vector_load %arg4[%get3A_11] {strides = array<i32>} : memref<2048xi32, #tpu.memory_space<vmem>>, vector<16xi32>,
      %add3A_13 = arith.constant 32 : i32
      %add3A_14 = vector.broadcast %add3A_13 : i32 to vector<16xi32>
      %add3A_15 = arith.addi %iota3A, %add3A_14 : vector<16xi32>
      tpu.vector_store_idx %arg5[%get3A_12], %add3A_15 : memref<2048xi32, #tpu.memory_space<vmem>>[vector<16xi32>], vector<16xi32>,
      %get3A_16 = arith.constant 48 : index
      %get3A_17 = tpu.vector_load %arg4[%get3A_16] {strides = array<i32>} : memref<2048xi32, #tpu.memory_space<vmem>>, vector<16xi32>,
      %add3A_18 = arith.constant 48 : i32
      %add3A_19 = vector.broadcast %add3A_18 : i32 to vector<16xi32>
      %add3A_20 = arith.addi %iota3A, %add3A_19 : vector<16xi32>
      tpu.vector_store_idx %arg5[%get3A_17], %add3A_20 : memref<2048xi32, #tpu.memory_space<vmem>>[vector<16xi32>], vector<16xi32>,
      %get3A_21 = arith.constant 64 : index
      %get3A_22 = tpu.vector_load %arg4[%get3A_21] {strides = array<i32>} : memref<2048xi32, #tpu.memory_space<vmem>>, vector<16xi32>,
      %add3A_23 = arith.constant 64 : i32
      %add3A_24 = vector.broadcast %add3A_23 : i32 to vector<16xi32>
      %add3A_25 = arith.addi %iota3A, %add3A_24 : vector<16xi32>
      tpu.vector_store_idx %arg5[%get3A_22], %add3A_25 : memref<2048xi32, #tpu.memory_space<vmem>>[vector<16xi32>], vector<16xi32>,
      %get3A_26 = arith.constant 80 : index
      %get3A_27 = tpu.vector_load %arg4[%get3A_26] {strides = array<i32>} : memref<2048xi32, #tpu.memory_space<vmem>>, vector<16xi32>,
      %add3A_28 = arith.constant 80 : i32
      %add3A_29 = vector.broadcast %add3A_28 : i32 to vector<16xi32>
      %add3A_30 = arith.addi %iota3A, %add3A_29 : vector<16xi32>
      tpu.vector_store_idx %arg5[%get3A_27], %add3A_30 : memref<2048xi32, #tpu.memory_space<vmem>>[vector<16xi32>], vector<16xi32>,
      %get3A_31 = arith.constant 96 : index
      %get3A_32 = tpu.vector_load %arg4[%get3A_31] {strides = array<i32>} : memref<2048xi32, #tpu.memory_space<vmem>>, vector<16xi32>,
      %add3A_33 = arith.constant 96 : i32
      %add3A_34 = vector.broadcast %add3A_33 : i32 to vector<16xi32>
      %add3A_35 = arith.addi %iota3A, %add3A_34 : vector<16xi32>
      tpu.vector_store_idx %arg5[%get3A_32], %add3A_35 : memref<2048xi32, #tpu.memory_space<vmem>>[vector<16xi32>], vector<16xi32>,
      %get3A_36 = arith.constant 112 : index
      %get3A_37 = tpu.vector_load %arg4[%get3A_36] {strides = array<i32>} : memref<2048xi32, #tpu.memory_space<vmem>>, vector<16xi32>,
      %add3A_38 = arith.constant 112 : i32
      %add3A_39 = vector.broadcast %add3A_38 : i32 to vector<16xi32>
      %add3A_40 = arith.addi %iota3A, %add3A_39 : vector<16xi32>
      tpu.vector_store_idx %arg5[%get3A_37], %add3A_40 : memref<2048xi32, #tpu.memory_space<vmem>>[vector<16xi32>], vector<16xi32>,
      %get3A_41 = arith.constant 128 : index
      %get3A_42 = tpu.vector_load %arg4[%get3A_41] {strides = array<i32>} : memref<2048xi32, #tpu.memory_space<vmem>>, vector<16xi32>,
      %add3A_43 = arith.constant 128 : i32
      %add3A_44 = vector.broadcast %add3A_43 : i32 to vector<16xi32>
      %add3A_45 = arith.addi %iota3A, %add3A_44 : vector<16xi32>
      tpu.vector_store_idx %arg5[%get3A_42], %add3A_45 : memref<2048xi32, #tpu.memory_space<vmem>>[vector<16xi32>], vector<16xi32>,
      %get3A_46 = arith.constant 144 : index
      %get3A_47 = tpu.vector_load %arg4[%get3A_46] {strides = array<i32>} : memref<2048xi32, #tpu.memory_space<vmem>>, vector<16xi32>,
      %add3A_48 = arith.constant 144 : i32
      %add3A_49 = vector.broadcast %add3A_48 : i32 to vector<16xi32>
      %add3A_50 = arith.addi %iota3A, %add3A_49 : vector<16xi32>
      tpu.vector_store_idx %arg5[%get3A_47], %add3A_50 : memref<2048xi32, #tpu.memory_space<vmem>>[vector<16xi32>], vector<16xi32>,
      %get3A_51 = arith.constant 160 : index
      %get3A_52 = tpu.vector_load %arg4[%get3A_51] {strides = array<i32>} : memref<2048xi32, #tpu.memory_space<vmem>>, vector<16xi32>,
      %add3A_53 = arith.constant 160 : i32
      %add3A_54 = vector.broadcast %add3A_53 : i32 to vector<16xi32>
      %add3A_55 = arith.addi %iota3A, %add3A_54 : vector<16xi32>
      tpu.vector_store_idx %arg5[%get3A_52], %add3A_55 : memref<2048xi32, #tpu.memory_space<vmem>>[vector<16xi32>], vector<16xi32>,
      %get3A_56 = arith.constant 176 : index
      %get3A_57 = tpu.vector_load %arg4[%get3A_56] {strides = array<i32>} : memref<2048xi32, #tpu.memory_space<vmem>>, vector<16xi32>,
      %add3A_58 = arith.constant 176 : i32
      %add3A_59 = vector.broadcast %add3A_58 : i32 to vector<16xi32>
      %add3A_60 = arith.addi %iota3A, %add3A_59 : vector<16xi32>
      tpu.vector_store_idx %arg5[%get3A_57], %add3A_60 : memref<2048xi32, #tpu.memory_space<vmem>>[vector<16xi32>], vector<16xi32>,
      %get3A_61 = arith.constant 192 : index
      %get3A_62 = tpu.vector_load %arg4[%get3A_61] {strides = array<i32>} : memref<2048xi32, #tpu.memory_space<vmem>>, vector<16xi32>,
      %add3A_63 = arith.constant 192 : i32
      %add3A_64 = vector.broadcast %add3A_63 : i32 to vector<16xi32>
      %add3A_65 = arith.addi %iota3A, %add3A_64 : vector<16xi32>
      tpu.vector_store_idx %arg5[%get3A_62], %add3A_65 : memref<2048xi32, #tpu.memory_space<vmem>>[vector<16xi32>], vector<16xi32>,
      %get3A_66 = arith.constant 208 : index
      %get3A_67 = tpu.vector_load %arg4[%get3A_66] {strides = array<i32>} : memref<2048xi32, #tpu.memory_space<vmem>>, vector<16xi32>,
      %add3A_68 = arith.constant 208 : i32
      %add3A_69 = vector.broadcast %add3A_68 : i32 to vector<16xi32>
      %add3A_70 = arith.addi %iota3A, %add3A_69 : vector<16xi32>
      tpu.vector_store_idx %arg5[%get3A_67], %add3A_70 : memref<2048xi32, #tpu.memory_space<vmem>>[vector<16xi32>], vector<16xi32>,
      %get3A_71 = arith.constant 224 : index
      %get3A_72 = tpu.vector_load %arg4[%get3A_71] {strides = array<i32>} : memref<2048xi32, #tpu.memory_space<vmem>>, vector<16xi32>,
      %add3A_73 = arith.constant 224 : i32
      %add3A_74 = vector.broadcast %add3A_73 : i32 to vector<16xi32>
      %add3A_75 = arith.addi %iota3A, %add3A_74 : vector<16xi32>
      tpu.vector_store_idx %arg5[%get3A_72], %add3A_75 : memref<2048xi32, #tpu.memory_space<vmem>>[vector<16xi32>], vector<16xi32>,
      %get3A_76 = arith.constant 240 : index
      %get3A_77 = tpu.vector_load %arg4[%get3A_76] {strides = array<i32>} : memref<2048xi32, #tpu.memory_space<vmem>>, vector<16xi32>,
      %add3A_78 = arith.constant 240 : i32
      %add3A_79 = vector.broadcast %add3A_78 : i32 to vector<16xi32>
      %add3A_80 = arith.addi %iota3A, %add3A_79 : vector<16xi32>
      tpu.vector_store_idx %arg5[%get3A_77], %add3A_80 : memref<2048xi32, #tpu.memory_space<vmem>>[vector<16xi32>], vector<16xi32>,
      %get3A_81 = arith.constant 256 : index
      %get3A_82 = tpu.vector_load %arg4[%get3A_81] {strides = array<i32>} : memref<2048xi32, #tpu.memory_space<vmem>>, vector<16xi32>,
      %add3A_83 = arith.constant 256 : i32
      %add3A_84 = vector.broadcast %add3A_83 : i32 to vector<16xi32>
      %add3A_85 = arith.addi %iota3A, %add3A_84 : vector<16xi32>
      tpu.vector_store_idx %arg5[%get3A_82], %add3A_85 : memref<2048xi32, #tpu.memory_space<vmem>>[vector<16xi32>], vector<16xi32>,
      %get3A_86 = arith.constant 272 : index
      %get3A_87 = tpu.vector_load %arg4[%get3A_86] {strides = array<i32>} : memref<2048xi32, #tpu.memory_space<vmem>>, vector<16xi32>,
      %add3A_88 = arith.constant 272 : i32
      %add3A_89 = vector.broadcast %add3A_88 : i32 to vector<16xi32>
      %add3A_90 = arith.addi %iota3A, %add3A_89 : vector<16xi32>
      tpu.vector_store_idx %arg5[%get3A_87], %add3A_90 : memref<2048xi32, #tpu.memory_space<vmem>>[vector<16xi32>], vector<16xi32>,
      %get3A_91 = arith.constant 288 : index
      %get3A_92 = tpu.vector_load %arg4[%get3A_91] {strides = array<i32>} : memref<2048xi32, #tpu.memory_space<vmem>>, vector<16xi32>,
      %add3A_93 = arith.constant 288 : i32
      %add3A_94 = vector.broadcast %add3A_93 : i32 to vector<16xi32>
      %add3A_95 = arith.addi %iota3A, %add3A_94 : vector<16xi32>
      tpu.vector_store_idx %arg5[%get3A_92], %add3A_95 : memref<2048xi32, #tpu.memory_space<vmem>>[vector<16xi32>], vector<16xi32>,
      %get3A_96 = arith.constant 304 : index
      %get3A_97 = tpu.vector_load %arg4[%get3A_96] {strides = array<i32>} : memref<2048xi32, #tpu.memory_space<vmem>>, vector<16xi32>,
      %add3A_98 = arith.constant 304 : i32
      %add3A_99 = vector.broadcast %add3A_98 : i32 to vector<16xi32>
      %add3A_100 = arith.addi %iota3A, %add3A_99 : vector<16xi32>
      tpu.vector_store_idx %arg5[%get3A_97], %add3A_100 : memref<2048xi32, #tpu.memory_space<vmem>>[vector<16xi32>], vector<16xi32>,
      %get3A_101 = arith.constant 320 : index
      %get3A_102 = tpu.vector_load %arg4[%get3A_101] {strides = array<i32>} : memref<2048xi32, #tpu.memory_space<vmem>>, vector<16xi32>,
      %add3A_103 = arith.constant 320 : i32
      %add3A_104 = vector.broadcast %add3A_103 : i32 to vector<16xi32>
      %add3A_105 = arith.addi %iota3A, %add3A_104 : vector<16xi32>
      tpu.vector_store_idx %arg5[%get3A_102], %add3A_105 : memref<2048xi32, #tpu.memory_space<vmem>>[vector<16xi32>], vector<16xi32>,
      %get3A_106 = arith.constant 336 : index
      %get3A_107 = tpu.vector_load %arg4[%get3A_106] {strides = array<i32>} : memref<2048xi32, #tpu.memory_space<vmem>>, vector<16xi32>,
      %add3A_108 = arith.constant 336 : i32
      %add3A_109 = vector.broadcast %add3A_108 : i32 to vector<16xi32>
      %add3A_110 = arith.addi %iota3A, %add3A_109 : vector<16xi32>
      tpu.vector_store_idx %arg5[%get3A_107], %add3A_110 : memref<2048xi32, #tpu.memory_space<vmem>>[vector<16xi32>], vector<16xi32>,
      %get3A_111 = arith.constant 352 : index
      %get3A_112 = tpu.vector_load %arg4[%get3A_111] {strides = array<i32>} : memref<2048xi32, #tpu.memory_space<vmem>>, vector<16xi32>,
      %add3A_113 = arith.constant 352 : i32
      %add3A_114 = vector.broadcast %add3A_113 : i32 to vector<16xi32>
      %add3A_115 = arith.addi %iota3A, %add3A_114 : vector<16xi32>
      tpu.vector_store_idx %arg5[%get3A_112], %add3A_115 : memref<2048xi32, #tpu.memory_space<vmem>>[vector<16xi32>], vector<16xi32>,
      %get3A_116 = arith.constant 368 : index
      %get3A_117 = tpu.vector_load %arg4[%get3A_116] {strides = array<i32>} : memref<2048xi32, #tpu.memory_space<vmem>>, vector<16xi32>,
      %add3A_118 = arith.constant 368 : i32
      %add3A_119 = vector.broadcast %add3A_118 : i32 to vector<16xi32>
      %add3A_120 = arith.addi %iota3A, %add3A_119 : vector<16xi32>
      tpu.vector_store_idx %arg5[%get3A_117], %add3A_120 : memref<2048xi32, #tpu.memory_space<vmem>>[vector<16xi32>], vector<16xi32>,
      %get3A_121 = arith.constant 384 : index
      %get3A_122 = tpu.vector_load %arg4[%get3A_121] {strides = array<i32>} : memref<2048xi32, #tpu.memory_space<vmem>>, vector<16xi32>,
      %add3A_123 = arith.constant 384 : i32
      %add3A_124 = vector.broadcast %add3A_123 : i32 to vector<16xi32>
      %add3A_125 = arith.addi %iota3A, %add3A_124 : vector<16xi32>
      tpu.vector_store_idx %arg5[%get3A_122], %add3A_125 : memref<2048xi32, #tpu.memory_space<vmem>>[vector<16xi32>], vector<16xi32>,
      %get3A_126 = arith.constant 400 : index
      %get3A_127 = tpu.vector_load %arg4[%get3A_126] {strides = array<i32>} : memref<2048xi32, #tpu.memory_space<vmem>>, vector<16xi32>,
      %add3A_128 = arith.constant 400 : i32
      %add3A_129 = vector.broadcast %add3A_128 : i32 to vector<16xi32>
      %add3A_130 = arith.addi %iota3A, %add3A_129 : vector<16xi32>
      tpu.vector_store_idx %arg5[%get3A_127], %add3A_130 : memref<2048xi32, #tpu.memory_space<vmem>>[vector<16xi32>], vector<16xi32>,
      %get3A_131 = arith.constant 416 : index
      %get3A_132 = tpu.vector_load %arg4[%get3A_131] {strides = array<i32>} : memref<2048xi32, #tpu.memory_space<vmem>>, vector<16xi32>,
      %add3A_133 = arith.constant 416 : i32
      %add3A_134 = vector.broadcast %add3A_133 : i32 to vector<16xi32>
      %add3A_135 = arith.addi %iota3A, %add3A_134 : vector<16xi32>
      tpu.vector_store_idx %arg5[%get3A_132], %add3A_135 : memref<2048xi32, #tpu.memory_space<vmem>>[vector<16xi32>], vector<16xi32>,
      %get3A_136 = arith.constant 432 : index
      %get3A_137 = tpu.vector_load %arg4[%get3A_136] {strides = array<i32>} : memref<2048xi32, #tpu.memory_space<vmem>>, vector<16xi32>,
      %add3A_138 = arith.constant 432 : i32
      %add3A_139 = vector.broadcast %add3A_138 : i32 to vector<16xi32>
      %add3A_140 = arith.addi %iota3A, %add3A_139 : vector<16xi32>
      tpu.vector_store_idx %arg5[%get3A_137], %add3A_140 : memref<2048xi32, #tpu.memory_space<vmem>>[vector<16xi32>], vector<16xi32>,
      %get3A_141 = arith.constant 448 : index
      %get3A_142 = tpu.vector_load %arg4[%get3A_141] {strides = array<i32>} : memref<2048xi32, #tpu.memory_space<vmem>>, vector<16xi32>,
      %add3A_143 = arith.constant 448 : i32
      %add3A_144 = vector.broadcast %add3A_143 : i32 to vector<16xi32>
      %add3A_145 = arith.addi %iota3A, %add3A_144 : vector<16xi32>
      tpu.vector_store_idx %arg5[%get3A_142], %add3A_145 : memref<2048xi32, #tpu.memory_space<vmem>>[vector<16xi32>], vector<16xi32>,
      %get3A_146 = arith.constant 464 : index
      %get3A_147 = tpu.vector_load %arg4[%get3A_146] {strides = array<i32>} : memref<2048xi32, #tpu.memory_space<vmem>>, vector<16xi32>,
      %add3A_148 = arith.constant 464 : i32
      %add3A_149 = vector.broadcast %add3A_148 : i32 to vector<16xi32>
      %add3A_150 = arith.addi %iota3A, %add3A_149 : vector<16xi32>
      tpu.vector_store_idx %arg5[%get3A_147], %add3A_150 : memref<2048xi32, #tpu.memory_space<vmem>>[vector<16xi32>], vector<16xi32>,
      %get3A_151 = arith.constant 480 : index
      %get3A_152 = tpu.vector_load %arg4[%get3A_151] {strides = array<i32>} : memref<2048xi32, #tpu.memory_space<vmem>>, vector<16xi32>,
      %add3A_153 = arith.constant 480 : i32
      %add3A_154 = vector.broadcast %add3A_153 : i32 to vector<16xi32>
      %add3A_155 = arith.addi %iota3A, %add3A_154 : vector<16xi32>
      tpu.vector_store_idx %arg5[%get3A_152], %add3A_155 : memref<2048xi32, #tpu.memory_space<vmem>>[vector<16xi32>], vector<16xi32>,
      %get3A_156 = arith.constant 496 : index
      %get3A_157 = tpu.vector_load %arg4[%get3A_156] {strides = array<i32>} : memref<2048xi32, #tpu.memory_space<vmem>>, vector<16xi32>,
      %add3A_158 = arith.constant 496 : i32
      %add3A_159 = vector.broadcast %add3A_158 : i32 to vector<16xi32>
      %add3A_160 = arith.addi %iota3A, %add3A_159 : vector<16xi32>
      tpu.vector_store_idx %arg5[%get3A_157], %add3A_160 : memref<2048xi32, #tpu.memory_space<vmem>>[vector<16xi32>], vector<16xi32>,
      %get3A_161 = arith.constant 512 : index
      %get3A_162 = tpu.vector_load %arg4[%get3A_161] {strides = array<i32>} : memref<2048xi32, #tpu.memory_space<vmem>>, vector<16xi32>,
      %add3A_163 = arith.constant 512 : i32
      %add3A_164 = vector.broadcast %add3A_163 : i32 to vector<16xi32>
      %add3A_165 = arith.addi %iota3A, %add3A_164 : vector<16xi32>
      tpu.vector_store_idx %arg5[%get3A_162], %add3A_165 : memref<2048xi32, #tpu.memory_space<vmem>>[vector<16xi32>], vector<16xi32>,
      %get3A_166 = arith.constant 528 : index
      %get3A_167 = tpu.vector_load %arg4[%get3A_166] {strides = array<i32>} : memref<2048xi32, #tpu.memory_space<vmem>>, vector<16xi32>,
      %add3A_168 = arith.constant 528 : i32
      %add3A_169 = vector.broadcast %add3A_168 : i32 to vector<16xi32>
      %add3A_170 = arith.addi %iota3A, %add3A_169 : vector<16xi32>
      tpu.vector_store_idx %arg5[%get3A_167], %add3A_170 : memref<2048xi32, #tpu.memory_space<vmem>>[vector<16xi32>], vector<16xi32>,
      %get3A_171 = arith.constant 544 : index
      %get3A_172 = tpu.vector_load %arg4[%get3A_171] {strides = array<i32>} : memref<2048xi32, #tpu.memory_space<vmem>>, vector<16xi32>,
      %add3A_173 = arith.constant 544 : i32
      %add3A_174 = vector.broadcast %add3A_173 : i32 to vector<16xi32>
      %add3A_175 = arith.addi %iota3A, %add3A_174 : vector<16xi32>
      tpu.vector_store_idx %arg5[%get3A_172], %add3A_175 : memref<2048xi32, #tpu.memory_space<vmem>>[vector<16xi32>], vector<16xi32>,
      %get3A_176 = arith.constant 560 : index
      %get3A_177 = tpu.vector_load %arg4[%get3A_176] {strides = array<i32>} : memref<2048xi32, #tpu.memory_space<vmem>>, vector<16xi32>,
      %add3A_178 = arith.constant 560 : i32
      %add3A_179 = vector.broadcast %add3A_178 : i32 to vector<16xi32>
      %add3A_180 = arith.addi %iota3A, %add3A_179 : vector<16xi32>
      tpu.vector_store_idx %arg5[%get3A_177], %add3A_180 : memref<2048xi32, #tpu.memory_space<vmem>>[vector<16xi32>], vector<16xi32>,
      %get3A_181 = arith.constant 576 : index
      %get3A_182 = tpu.vector_load %arg4[%get3A_181] {strides = array<i32>} : memref<2048xi32, #tpu.memory_space<vmem>>, vector<16xi32>,
      %add3A_183 = arith.constant 576 : i32
      %add3A_184 = vector.broadcast %add3A_183 : i32 to vector<16xi32>
      %add3A_185 = arith.addi %iota3A, %add3A_184 : vector<16xi32>
      tpu.vector_store_idx %arg5[%get3A_182], %add3A_185 : memref<2048xi32, #tpu.memory_space<vmem>>[vector<16xi32>], vector<16xi32>,
      %get3A_186 = arith.constant 592 : index
      %get3A_187 = tpu.vector_load %arg4[%get3A_186] {strides = array<i32>} : memref<2048xi32, #tpu.memory_space<vmem>>, vector<16xi32>,
      %add3A_188 = arith.constant 592 : i32
      %add3A_189 = vector.broadcast %add3A_188 : i32 to vector<16xi32>
      %add3A_190 = arith.addi %iota3A, %add3A_189 : vector<16xi32>
      tpu.vector_store_idx %arg5[%get3A_187], %add3A_190 : memref<2048xi32, #tpu.memory_space<vmem>>[vector<16xi32>], vector<16xi32>,
      %get3A_191 = arith.constant 608 : index
      %get3A_192 = tpu.vector_load %arg4[%get3A_191] {strides = array<i32>} : memref<2048xi32, #tpu.memory_space<vmem>>, vector<16xi32>,
      %add3A_193 = arith.constant 608 : i32
      %add3A_194 = vector.broadcast %add3A_193 : i32 to vector<16xi32>
      %add3A_195 = arith.addi %iota3A, %add3A_194 : vector<16xi32>
      tpu.vector_store_idx %arg5[%get3A_192], %add3A_195 : memref<2048xi32, #tpu.memory_space<vmem>>[vector<16xi32>], vector<16xi32>,
      %get3A_196 = arith.constant 624 : index
      %get3A_197 = tpu.vector_load %arg4[%get3A_196] {strides = array<i32>} : memref<2048xi32, #tpu.memory_space<vmem>>, vector<16xi32>,
      %add3A_198 = arith.constant 624 : i32
      %add3A_199 = vector.broadcast %add3A_198 : i32 to vector<16xi32>
      %add3A_200 = arith.addi %iota3A, %add3A_199 : vector<16xi32>
      tpu.vector_store_idx %arg5[%get3A_197], %add3A_200 : memref<2048xi32, #tpu.memory_space<vmem>>[vector<16xi32>], vector<16xi32>,
      %get3A_201 = arith.constant 640 : index
      %get3A_202 = tpu.vector_load %arg4[%get3A_201] {strides = array<i32>} : memref<2048xi32, #tpu.memory_space<vmem>>, vector<16xi32>,
      %add3A_203 = arith.constant 640 : i32
      %add3A_204 = vector.broadcast %add3A_203 : i32 to vector<16xi32>
      %add3A_205 = arith.addi %iota3A, %add3A_204 : vector<16xi32>
      tpu.vector_store_idx %arg5[%get3A_202], %add3A_205 : memref<2048xi32, #tpu.memory_space<vmem>>[vector<16xi32>], vector<16xi32>,
      %get3A_206 = arith.constant 656 : index
      %get3A_207 = tpu.vector_load %arg4[%get3A_206] {strides = array<i32>} : memref<2048xi32, #tpu.memory_space<vmem>>, vector<16xi32>,
      %add3A_208 = arith.constant 656 : i32
      %add3A_209 = vector.broadcast %add3A_208 : i32 to vector<16xi32>
      %add3A_210 = arith.addi %iota3A, %add3A_209 : vector<16xi32>
      tpu.vector_store_idx %arg5[%get3A_207], %add3A_210 : memref<2048xi32, #tpu.memory_space<vmem>>[vector<16xi32>], vector<16xi32>,
      %get3A_211 = arith.constant 672 : index
      %get3A_212 = tpu.vector_load %arg4[%get3A_211] {strides = array<i32>} : memref<2048xi32, #tpu.memory_space<vmem>>, vector<16xi32>,
      %add3A_213 = arith.constant 672 : i32
      %add3A_214 = vector.broadcast %add3A_213 : i32 to vector<16xi32>
      %add3A_215 = arith.addi %iota3A, %add3A_214 : vector<16xi32>
      tpu.vector_store_idx %arg5[%get3A_212], %add3A_215 : memref<2048xi32, #tpu.memory_space<vmem>>[vector<16xi32>], vector<16xi32>,
      %get3A_216 = arith.constant 688 : index
      %get3A_217 = tpu.vector_load %arg4[%get3A_216] {strides = array<i32>} : memref<2048xi32, #tpu.memory_space<vmem>>, vector<16xi32>,
      %add3A_218 = arith.constant 688 : i32
      %add3A_219 = vector.broadcast %add3A_218 : i32 to vector<16xi32>
      %add3A_220 = arith.addi %iota3A, %add3A_219 : vector<16xi32>
      tpu.vector_store_idx %arg5[%get3A_217], %add3A_220 : memref<2048xi32, #tpu.memory_space<vmem>>[vector<16xi32>], vector<16xi32>,
      %get3A_221 = arith.constant 704 : index
      %get3A_222 = tpu.vector_load %arg4[%get3A_221] {strides = array<i32>} : memref<2048xi32, #tpu.memory_space<vmem>>, vector<16xi32>,
      %add3A_223 = arith.constant 704 : i32
      %add3A_224 = vector.broadcast %add3A_223 : i32 to vector<16xi32>
      %add3A_225 = arith.addi %iota3A, %add3A_224 : vector<16xi32>
      tpu.vector_store_idx %arg5[%get3A_222], %add3A_225 : memref<2048xi32, #tpu.memory_space<vmem>>[vector<16xi32>], vector<16xi32>,
      %get3A_226 = arith.constant 720 : index
      %get3A_227 = tpu.vector_load %arg4[%get3A_226] {strides = array<i32>} : memref<2048xi32, #tpu.memory_space<vmem>>, vector<16xi32>,
      %add3A_228 = arith.constant 720 : i32
      %add3A_229 = vector.broadcast %add3A_228 : i32 to vector<16xi32>
      %add3A_230 = arith.addi %iota3A, %add3A_229 : vector<16xi32>
      tpu.vector_store_idx %arg5[%get3A_227], %add3A_230 : memref<2048xi32, #tpu.memory_space<vmem>>[vector<16xi32>], vector<16xi32>,
      %get3A_231 = arith.constant 736 : index
      %get3A_232 = tpu.vector_load %arg4[%get3A_231] {strides = array<i32>} : memref<2048xi32, #tpu.memory_space<vmem>>, vector<16xi32>,
      %add3A_233 = arith.constant 736 : i32
      %add3A_234 = vector.broadcast %add3A_233 : i32 to vector<16xi32>
      %add3A_235 = arith.addi %iota3A, %add3A_234 : vector<16xi32>
      tpu.vector_store_idx %arg5[%get3A_232], %add3A_235 : memref<2048xi32, #tpu.memory_space<vmem>>[vector<16xi32>], vector<16xi32>,
      %get3A_236 = arith.constant 752 : index
      %get3A_237 = tpu.vector_load %arg4[%get3A_236] {strides = array<i32>} : memref<2048xi32, #tpu.memory_space<vmem>>, vector<16xi32>,
      %add3A_238 = arith.constant 752 : i32
      %add3A_239 = vector.broadcast %add3A_238 : i32 to vector<16xi32>
      %add3A_240 = arith.addi %iota3A, %add3A_239 : vector<16xi32>
      tpu.vector_store_idx %arg5[%get3A_237], %add3A_240 : memref<2048xi32, #tpu.memory_space<vmem>>[vector<16xi32>], vector<16xi32>,
      %get3A_241 = arith.constant 768 : index
      %get3A_242 = tpu.vector_load %arg4[%get3A_241] {strides = array<i32>} : memref<2048xi32, #tpu.memory_space<vmem>>, vector<16xi32>,
      %add3A_243 = arith.constant 768 : i32
      %add3A_244 = vector.broadcast %add3A_243 : i32 to vector<16xi32>
      %add3A_245 = arith.addi %iota3A, %add3A_244 : vector<16xi32>
      tpu.vector_store_idx %arg5[%get3A_242], %add3A_245 : memref<2048xi32, #tpu.memory_space<vmem>>[vector<16xi32>], vector<16xi32>,
      %get3A_246 = arith.constant 784 : index
      %get3A_247 = tpu.vector_load %arg4[%get3A_246] {strides = array<i32>} : memref<2048xi32, #tpu.memory_space<vmem>>, vector<16xi32>,
      %add3A_248 = arith.constant 784 : i32
      %add3A_249 = vector.broadcast %add3A_248 : i32 to vector<16xi32>
      %add3A_250 = arith.addi %iota3A, %add3A_249 : vector<16xi32>
      tpu.vector_store_idx %arg5[%get3A_247], %add3A_250 : memref<2048xi32, #tpu.memory_space<vmem>>[vector<16xi32>], vector<16xi32>,
      %get3A_251 = arith.constant 800 : index
      %get3A_252 = tpu.vector_load %arg4[%get3A_251] {strides = array<i32>} : memref<2048xi32, #tpu.memory_space<vmem>>, vector<16xi32>,
      %add3A_253 = arith.constant 800 : i32
      %add3A_254 = vector.broadcast %add3A_253 : i32 to vector<16xi32>
      %add3A_255 = arith.addi %iota3A, %add3A_254 : vector<16xi32>
      tpu.vector_store_idx %arg5[%get3A_252], %add3A_255 : memref<2048xi32, #tpu.memory_space<vmem>>[vector<16xi32>], vector<16xi32>,
      %get3A_256 = arith.constant 816 : index
      %get3A_257 = tpu.vector_load %arg4[%get3A_256] {strides = array<i32>} : memref<2048xi32, #tpu.memory_space<vmem>>, vector<16xi32>,
      %add3A_258 = arith.constant 816 : i32
      %add3A_259 = vector.broadcast %add3A_258 : i32 to vector<16xi32>
      %add3A_260 = arith.addi %iota3A, %add3A_259 : vector<16xi32>
      tpu.vector_store_idx %arg5[%get3A_257], %add3A_260 : memref<2048xi32, #tpu.memory_space<vmem>>[vector<16xi32>], vector<16xi32>,
      %get3A_261 = arith.constant 832 : index
      %get3A_262 = tpu.vector_load %arg4[%get3A_261] {strides = array<i32>} : memref<2048xi32, #tpu.memory_space<vmem>>, vector<16xi32>,
      %add3A_263 = arith.constant 832 : i32
      %add3A_264 = vector.broadcast %add3A_263 : i32 to vector<16xi32>
      %add3A_265 = arith.addi %iota3A, %add3A_264 : vector<16xi32>
      tpu.vector_store_idx %arg5[%get3A_262], %add3A_265 : memref<2048xi32, #tpu.memory_space<vmem>>[vector<16xi32>], vector<16xi32>,
      %get3A_266 = arith.constant 848 : index
      %get3A_267 = tpu.vector_load %arg4[%get3A_266] {strides = array<i32>} : memref<2048xi32, #tpu.memory_space<vmem>>, vector<16xi32>,
      %add3A_268 = arith.constant 848 : i32
      %add3A_269 = vector.broadcast %add3A_268 : i32 to vector<16xi32>
      %add3A_270 = arith.addi %iota3A, %add3A_269 : vector<16xi32>
      tpu.vector_store_idx %arg5[%get3A_267], %add3A_270 : memref<2048xi32, #tpu.memory_space<vmem>>[vector<16xi32>], vector<16xi32>,
      %get3A_271 = arith.constant 864 : index
      %get3A_272 = tpu.vector_load %arg4[%get3A_271] {strides = array<i32>} : memref<2048xi32, #tpu.memory_space<vmem>>, vector<16xi32>,
      %add3A_273 = arith.constant 864 : i32
      %add3A_274 = vector.broadcast %add3A_273 : i32 to vector<16xi32>
      %add3A_275 = arith.addi %iota3A, %add3A_274 : vector<16xi32>
      tpu.vector_store_idx %arg5[%get3A_272], %add3A_275 : memref<2048xi32, #tpu.memory_space<vmem>>[vector<16xi32>], vector<16xi32>,
      %get3A_276 = arith.constant 880 : index
      %get3A_277 = tpu.vector_load %arg4[%get3A_276] {strides = array<i32>} : memref<2048xi32, #tpu.memory_space<vmem>>, vector<16xi32>,
      %add3A_278 = arith.constant 880 : i32
      %add3A_279 = vector.broadcast %add3A_278 : i32 to vector<16xi32>
      %add3A_280 = arith.addi %iota3A, %add3A_279 : vector<16xi32>
      tpu.vector_store_idx %arg5[%get3A_277], %add3A_280 : memref<2048xi32, #tpu.memory_space<vmem>>[vector<16xi32>], vector<16xi32>,
      %get3A_281 = arith.constant 896 : index
      %get3A_282 = tpu.vector_load %arg4[%get3A_281] {strides = array<i32>} : memref<2048xi32, #tpu.memory_space<vmem>>, vector<16xi32>,
      %add3A_283 = arith.constant 896 : i32
      %add3A_284 = vector.broadcast %add3A_283 : i32 to vector<16xi32>
      %add3A_285 = arith.addi %iota3A, %add3A_284 : vector<16xi32>
      tpu.vector_store_idx %arg5[%get3A_282], %add3A_285 : memref<2048xi32, #tpu.memory_space<vmem>>[vector<16xi32>], vector<16xi32>,
      %get3A_286 = arith.constant 912 : index
      %get3A_287 = tpu.vector_load %arg4[%get3A_286] {strides = array<i32>} : memref<2048xi32, #tpu.memory_space<vmem>>, vector<16xi32>,
      %add3A_288 = arith.constant 912 : i32
      %add3A_289 = vector.broadcast %add3A_288 : i32 to vector<16xi32>
      %add3A_290 = arith.addi %iota3A, %add3A_289 : vector<16xi32>
      tpu.vector_store_idx %arg5[%get3A_287], %add3A_290 : memref<2048xi32, #tpu.memory_space<vmem>>[vector<16xi32>], vector<16xi32>,
      %get3A_291 = arith.constant 928 : index
      %get3A_292 = tpu.vector_load %arg4[%get3A_291] {strides = array<i32>} : memref<2048xi32, #tpu.memory_space<vmem>>, vector<16xi32>,
      %add3A_293 = arith.constant 928 : i32
      %add3A_294 = vector.broadcast %add3A_293 : i32 to vector<16xi32>
      %add3A_295 = arith.addi %iota3A, %add3A_294 : vector<16xi32>
      tpu.vector_store_idx %arg5[%get3A_292], %add3A_295 : memref<2048xi32, #tpu.memory_space<vmem>>[vector<16xi32>], vector<16xi32>,
      %get3A_296 = arith.constant 944 : index
      %get3A_297 = tpu.vector_load %arg4[%get3A_296] {strides = array<i32>} : memref<2048xi32, #tpu.memory_space<vmem>>, vector<16xi32>,
      %add3A_298 = arith.constant 944 : i32
      %add3A_299 = vector.broadcast %add3A_298 : i32 to vector<16xi32>
      %add3A_300 = arith.addi %iota3A, %add3A_299 : vector<16xi32>
      tpu.vector_store_idx %arg5[%get3A_297], %add3A_300 : memref<2048xi32, #tpu.memory_space<vmem>>[vector<16xi32>], vector<16xi32>,
      %get3A_301 = arith.constant 960 : index
      %get3A_302 = tpu.vector_load %arg4[%get3A_301] {strides = array<i32>} : memref<2048xi32, #tpu.memory_space<vmem>>, vector<16xi32>,
      %add3A_303 = arith.constant 960 : i32
      %add3A_304 = vector.broadcast %add3A_303 : i32 to vector<16xi32>
      %add3A_305 = arith.addi %iota3A, %add3A_304 : vector<16xi32>
      tpu.vector_store_idx %arg5[%get3A_302], %add3A_305 : memref<2048xi32, #tpu.memory_space<vmem>>[vector<16xi32>], vector<16xi32>,
      %get3A_306 = arith.constant 976 : index
      %get3A_307 = tpu.vector_load %arg4[%get3A_306] {strides = array<i32>} : memref<2048xi32, #tpu.memory_space<vmem>>, vector<16xi32>,
      %add3A_308 = arith.constant 976 : i32
      %add3A_309 = vector.broadcast %add3A_308 : i32 to vector<16xi32>
      %add3A_310 = arith.addi %iota3A, %add3A_309 : vector<16xi32>
      tpu.vector_store_idx %arg5[%get3A_307], %add3A_310 : memref<2048xi32, #tpu.memory_space<vmem>>[vector<16xi32>], vector<16xi32>,
      %get3A_311 = arith.constant 992 : index
      %get3A_312 = tpu.vector_load %arg4[%get3A_311] {strides = array<i32>} : memref<2048xi32, #tpu.memory_space<vmem>>, vector<16xi32>,
      %add3A_313 = arith.constant 992 : i32
      %add3A_314 = vector.broadcast %add3A_313 : i32 to vector<16xi32>
      %add3A_315 = arith.addi %iota3A, %add3A_314 : vector<16xi32>
      tpu.vector_store_idx %arg5[%get3A_312], %add3A_315 : memref<2048xi32, #tpu.memory_space<vmem>>[vector<16xi32>], vector<16xi32>,
      %get3A_316 = arith.constant 1008 : index
      %get3A_317 = tpu.vector_load %arg4[%get3A_316] {strides = array<i32>} : memref<2048xi32, #tpu.memory_space<vmem>>, vector<16xi32>,
      %add3A_318 = arith.constant 1008 : i32
      %add3A_319 = vector.broadcast %add3A_318 : i32 to vector<16xi32>
      %add3A_320 = arith.addi %iota3A, %add3A_319 : vector<16xi32>
      tpu.vector_store_idx %arg5[%get3A_317], %add3A_320 : memref<2048xi32, #tpu.memory_space<vmem>>[vector<16xi32>], vector<16xi32>,
      %get3A_321 = arith.constant 1024 : index
      %get3A_322 = tpu.vector_load %arg4[%get3A_321] {strides = array<i32>} : memref<2048xi32, #tpu.memory_space<vmem>>, vector<16xi32>,
      %add3A_323 = arith.constant 1024 : i32
      %add3A_324 = vector.broadcast %add3A_323 : i32 to vector<16xi32>
      %add3A_325 = arith.addi %iota3A, %add3A_324 : vector<16xi32>
      tpu.vector_store_idx %arg5[%get3A_322], %add3A_325 : memref<2048xi32, #tpu.memory_space<vmem>>[vector<16xi32>], vector<16xi32>,
      %get3A_326 = arith.constant 1040 : index
      %get3A_327 = tpu.vector_load %arg4[%get3A_326] {strides = array<i32>} : memref<2048xi32, #tpu.memory_space<vmem>>, vector<16xi32>,
      %add3A_328 = arith.constant 1040 : i32
      %add3A_329 = vector.broadcast %add3A_328 : i32 to vector<16xi32>
      %add3A_330 = arith.addi %iota3A, %add3A_329 : vector<16xi32>
      tpu.vector_store_idx %arg5[%get3A_327], %add3A_330 : memref<2048xi32, #tpu.memory_space<vmem>>[vector<16xi32>], vector<16xi32>,
      %get3A_331 = arith.constant 1056 : index
      %get3A_332 = tpu.vector_load %arg4[%get3A_331] {strides = array<i32>} : memref<2048xi32, #tpu.memory_space<vmem>>, vector<16xi32>,
      %add3A_333 = arith.constant 1056 : i32
      %add3A_334 = vector.broadcast %add3A_333 : i32 to vector<16xi32>
      %add3A_335 = arith.addi %iota3A, %add3A_334 : vector<16xi32>
      tpu.vector_store_idx %arg5[%get3A_332], %add3A_335 : memref<2048xi32, #tpu.memory_space<vmem>>[vector<16xi32>], vector<16xi32>,
      %get3A_336 = arith.constant 1072 : index
      %get3A_337 = tpu.vector_load %arg4[%get3A_336] {strides = array<i32>} : memref<2048xi32, #tpu.memory_space<vmem>>, vector<16xi32>,
      %add3A_338 = arith.constant 1072 : i32
      %add3A_339 = vector.broadcast %add3A_338 : i32 to vector<16xi32>
      %add3A_340 = arith.addi %iota3A, %add3A_339 : vector<16xi32>
      tpu.vector_store_idx %arg5[%get3A_337], %add3A_340 : memref<2048xi32, #tpu.memory_space<vmem>>[vector<16xi32>], vector<16xi32>,
      %get3A_341 = arith.constant 1088 : index
      %get3A_342 = tpu.vector_load %arg4[%get3A_341] {strides = array<i32>} : memref<2048xi32, #tpu.memory_space<vmem>>, vector<16xi32>,
      %add3A_343 = arith.constant 1088 : i32
      %add3A_344 = vector.broadcast %add3A_343 : i32 to vector<16xi32>
      %add3A_345 = arith.addi %iota3A, %add3A_344 : vector<16xi32>
      tpu.vector_store_idx %arg5[%get3A_342], %add3A_345 : memref<2048xi32, #tpu.memory_space<vmem>>[vector<16xi32>], vector<16xi32>,
      %get3A_346 = arith.constant 1104 : index
      %get3A_347 = tpu.vector_load %arg4[%get3A_346] {strides = array<i32>} : memref<2048xi32, #tpu.memory_space<vmem>>, vector<16xi32>,
      %add3A_348 = arith.constant 1104 : i32
      %add3A_349 = vector.broadcast %add3A_348 : i32 to vector<16xi32>
      %add3A_350 = arith.addi %iota3A, %add3A_349 : vector<16xi32>
      tpu.vector_store_idx %arg5[%get3A_347], %add3A_350 : memref<2048xi32, #tpu.memory_space<vmem>>[vector<16xi32>], vector<16xi32>,
      %get3A_351 = arith.constant 1120 : index
      %get3A_352 = tpu.vector_load %arg4[%get3A_351] {strides = array<i32>} : memref<2048xi32, #tpu.memory_space<vmem>>, vector<16xi32>,
      %add3A_353 = arith.constant 1120 : i32
      %add3A_354 = vector.broadcast %add3A_353 : i32 to vector<16xi32>
      %add3A_355 = arith.addi %iota3A, %add3A_354 : vector<16xi32>
      tpu.vector_store_idx %arg5[%get3A_352], %add3A_355 : memref<2048xi32, #tpu.memory_space<vmem>>[vector<16xi32>], vector<16xi32>,
      %get3A_356 = arith.constant 1136 : index
      %get3A_357 = tpu.vector_load %arg4[%get3A_356] {strides = array<i32>} : memref<2048xi32, #tpu.memory_space<vmem>>, vector<16xi32>,
      %add3A_358 = arith.constant 1136 : i32
      %add3A_359 = vector.broadcast %add3A_358 : i32 to vector<16xi32>
      %add3A_360 = arith.addi %iota3A, %add3A_359 : vector<16xi32>
      tpu.vector_store_idx %arg5[%get3A_357], %add3A_360 : memref<2048xi32, #tpu.memory_space<vmem>>[vector<16xi32>], vector<16xi32>,
      %get3A_361 = arith.constant 1152 : index
      %get3A_362 = tpu.vector_load %arg4[%get3A_361] {strides = array<i32>} : memref<2048xi32, #tpu.memory_space<vmem>>, vector<16xi32>,
      %add3A_363 = arith.constant 1152 : i32
      %add3A_364 = vector.broadcast %add3A_363 : i32 to vector<16xi32>
      %add3A_365 = arith.addi %iota3A, %add3A_364 : vector<16xi32>
      tpu.vector_store_idx %arg5[%get3A_362], %add3A_365 : memref<2048xi32, #tpu.memory_space<vmem>>[vector<16xi32>], vector<16xi32>,
      %get3A_366 = arith.constant 1168 : index
      %get3A_367 = tpu.vector_load %arg4[%get3A_366] {strides = array<i32>} : memref<2048xi32, #tpu.memory_space<vmem>>, vector<16xi32>,
      %add3A_368 = arith.constant 1168 : i32
      %add3A_369 = vector.broadcast %add3A_368 : i32 to vector<16xi32>
      %add3A_370 = arith.addi %iota3A, %add3A_369 : vector<16xi32>
      tpu.vector_store_idx %arg5[%get3A_367], %add3A_370 : memref<2048xi32, #tpu.memory_space<vmem>>[vector<16xi32>], vector<16xi32>,
      %get3A_371 = arith.constant 1184 : index
      %get3A_372 = tpu.vector_load %arg4[%get3A_371] {strides = array<i32>} : memref<2048xi32, #tpu.memory_space<vmem>>, vector<16xi32>,
      %add3A_373 = arith.constant 1184 : i32
      %add3A_374 = vector.broadcast %add3A_373 : i32 to vector<16xi32>
      %add3A_375 = arith.addi %iota3A, %add3A_374 : vector<16xi32>
      tpu.vector_store_idx %arg5[%get3A_372], %add3A_375 : memref<2048xi32, #tpu.memory_space<vmem>>[vector<16xi32>], vector<16xi32>,
      %get3A_376 = arith.constant 1200 : index
      %get3A_377 = tpu.vector_load %arg4[%get3A_376] {strides = array<i32>} : memref<2048xi32, #tpu.memory_space<vmem>>, vector<16xi32>,
      %add3A_378 = arith.constant 1200 : i32
      %add3A_379 = vector.broadcast %add3A_378 : i32 to vector<16xi32>
      %add3A_380 = arith.addi %iota3A, %add3A_379 : vector<16xi32>
      tpu.vector_store_idx %arg5[%get3A_377], %add3A_380 : memref<2048xi32, #tpu.memory_space<vmem>>[vector<16xi32>], vector<16xi32>,
      %get3A_381 = arith.constant 1216 : index
      %get3A_382 = tpu.vector_load %arg4[%get3A_381] {strides = array<i32>} : memref<2048xi32, #tpu.memory_space<vmem>>, vector<16xi32>,
      %add3A_383 = arith.constant 1216 : i32
      %add3A_384 = vector.broadcast %add3A_383 : i32 to vector<16xi32>
      %add3A_385 = arith.addi %iota3A, %add3A_384 : vector<16xi32>
      tpu.vector_store_idx %arg5[%get3A_382], %add3A_385 : memref<2048xi32, #tpu.memory_space<vmem>>[vector<16xi32>], vector<16xi32>,
      %get3A_386 = arith.constant 1232 : index
      %get3A_387 = tpu.vector_load %arg4[%get3A_386] {strides = array<i32>} : memref<2048xi32, #tpu.memory_space<vmem>>, vector<16xi32>,
      %add3A_388 = arith.constant 1232 : i32
      %add3A_389 = vector.broadcast %add3A_388 : i32 to vector<16xi32>
      %add3A_390 = arith.addi %iota3A, %add3A_389 : vector<16xi32>
      tpu.vector_store_idx %arg5[%get3A_387], %add3A_390 : memref<2048xi32, #tpu.memory_space<vmem>>[vector<16xi32>], vector<16xi32>,
      %get3A_391 = arith.constant 1248 : index
      %get3A_392 = tpu.vector_load %arg4[%get3A_391] {strides = array<i32>} : memref<2048xi32, #tpu.memory_space<vmem>>, vector<16xi32>,
      %add3A_393 = arith.constant 1248 : i32
      %add3A_394 = vector.broadcast %add3A_393 : i32 to vector<16xi32>
      %add3A_395 = arith.addi %iota3A, %add3A_394 : vector<16xi32>
      tpu.vector_store_idx %arg5[%get3A_392], %add3A_395 : memref<2048xi32, #tpu.memory_space<vmem>>[vector<16xi32>], vector<16xi32>,
      %get3A_396 = arith.constant 1264 : index
      %get3A_397 = tpu.vector_load %arg4[%get3A_396] {strides = array<i32>} : memref<2048xi32, #tpu.memory_space<vmem>>, vector<16xi32>,
      %add3A_398 = arith.constant 1264 : i32
      %add3A_399 = vector.broadcast %add3A_398 : i32 to vector<16xi32>
      %add3A_400 = arith.addi %iota3A, %add3A_399 : vector<16xi32>
      tpu.vector_store_idx %arg5[%get3A_397], %add3A_400 : memref<2048xi32, #tpu.memory_space<vmem>>[vector<16xi32>], vector<16xi32>,
      %get3A_401 = arith.constant 1280 : index
      %get3A_402 = tpu.vector_load %arg4[%get3A_401] {strides = array<i32>} : memref<2048xi32, #tpu.memory_space<vmem>>, vector<16xi32>,
      %add3A_403 = arith.constant 1280 : i32
      %add3A_404 = vector.broadcast %add3A_403 : i32 to vector<16xi32>
      %add3A_405 = arith.addi %iota3A, %add3A_404 : vector<16xi32>
      tpu.vector_store_idx %arg5[%get3A_402], %add3A_405 : memref<2048xi32, #tpu.memory_space<vmem>>[vector<16xi32>], vector<16xi32>,
      %get3A_406 = arith.constant 1296 : index
      %get3A_407 = tpu.vector_load %arg4[%get3A_406] {strides = array<i32>} : memref<2048xi32, #tpu.memory_space<vmem>>, vector<16xi32>,
      %add3A_408 = arith.constant 1296 : i32
      %add3A_409 = vector.broadcast %add3A_408 : i32 to vector<16xi32>
      %add3A_410 = arith.addi %iota3A, %add3A_409 : vector<16xi32>
      tpu.vector_store_idx %arg5[%get3A_407], %add3A_410 : memref<2048xi32, #tpu.memory_space<vmem>>[vector<16xi32>], vector<16xi32>,
      %get3A_411 = arith.constant 1312 : index
      %get3A_412 = tpu.vector_load %arg4[%get3A_411] {strides = array<i32>} : memref<2048xi32, #tpu.memory_space<vmem>>, vector<16xi32>,
      %add3A_413 = arith.constant 1312 : i32
      %add3A_414 = vector.broadcast %add3A_413 : i32 to vector<16xi32>
      %add3A_415 = arith.addi %iota3A, %add3A_414 : vector<16xi32>
      tpu.vector_store_idx %arg5[%get3A_412], %add3A_415 : memref<2048xi32, #tpu.memory_space<vmem>>[vector<16xi32>], vector<16xi32>,
      %get3A_416 = arith.constant 1328 : index
      %get3A_417 = tpu.vector_load %arg4[%get3A_416] {strides = array<i32>} : memref<2048xi32, #tpu.memory_space<vmem>>, vector<16xi32>,
      %add3A_418 = arith.constant 1328 : i32
      %add3A_419 = vector.broadcast %add3A_418 : i32 to vector<16xi32>
      %add3A_420 = arith.addi %iota3A, %add3A_419 : vector<16xi32>
      tpu.vector_store_idx %arg5[%get3A_417], %add3A_420 : memref<2048xi32, #tpu.memory_space<vmem>>[vector<16xi32>], vector<16xi32>,
      %get3A_421 = arith.constant 1344 : index
      %get3A_422 = tpu.vector_load %arg4[%get3A_421] {strides = array<i32>} : memref<2048xi32, #tpu.memory_space<vmem>>, vector<16xi32>,
      %add3A_423 = arith.constant 1344 : i32
      %add3A_424 = vector.broadcast %add3A_423 : i32 to vector<16xi32>
      %add3A_425 = arith.addi %iota3A, %add3A_424 : vector<16xi32>
      tpu.vector_store_idx %arg5[%get3A_422], %add3A_425 : memref<2048xi32, #tpu.memory_space<vmem>>[vector<16xi32>], vector<16xi32>,
      %get3A_426 = arith.constant 1360 : index
      %get3A_427 = tpu.vector_load %arg4[%get3A_426] {strides = array<i32>} : memref<2048xi32, #tpu.memory_space<vmem>>, vector<16xi32>,
      %add3A_428 = arith.constant 1360 : i32
      %add3A_429 = vector.broadcast %add3A_428 : i32 to vector<16xi32>
      %add3A_430 = arith.addi %iota3A, %add3A_429 : vector<16xi32>
      tpu.vector_store_idx %arg5[%get3A_427], %add3A_430 : memref<2048xi32, #tpu.memory_space<vmem>>[vector<16xi32>], vector<16xi32>,
      %get3A_431 = arith.constant 1376 : index
      %get3A_432 = tpu.vector_load %arg4[%get3A_431] {strides = array<i32>} : memref<2048xi32, #tpu.memory_space<vmem>>, vector<16xi32>,
      %add3A_433 = arith.constant 1376 : i32
      %add3A_434 = vector.broadcast %add3A_433 : i32 to vector<16xi32>
      %add3A_435 = arith.addi %iota3A, %add3A_434 : vector<16xi32>
      tpu.vector_store_idx %arg5[%get3A_432], %add3A_435 : memref<2048xi32, #tpu.memory_space<vmem>>[vector<16xi32>], vector<16xi32>,
      %get3A_436 = arith.constant 1392 : index
      %get3A_437 = tpu.vector_load %arg4[%get3A_436] {strides = array<i32>} : memref<2048xi32, #tpu.memory_space<vmem>>, vector<16xi32>,
      %add3A_438 = arith.constant 1392 : i32
      %add3A_439 = vector.broadcast %add3A_438 : i32 to vector<16xi32>
      %add3A_440 = arith.addi %iota3A, %add3A_439 : vector<16xi32>
      tpu.vector_store_idx %arg5[%get3A_437], %add3A_440 : memref<2048xi32, #tpu.memory_space<vmem>>[vector<16xi32>], vector<16xi32>,
      %get3A_441 = arith.constant 1408 : index
      %get3A_442 = tpu.vector_load %arg4[%get3A_441] {strides = array<i32>} : memref<2048xi32, #tpu.memory_space<vmem>>, vector<16xi32>,
      %add3A_443 = arith.constant 1408 : i32
      %add3A_444 = vector.broadcast %add3A_443 : i32 to vector<16xi32>
      %add3A_445 = arith.addi %iota3A, %add3A_444 : vector<16xi32>
      tpu.vector_store_idx %arg5[%get3A_442], %add3A_445 : memref<2048xi32, #tpu.memory_space<vmem>>[vector<16xi32>], vector<16xi32>,
      %get3A_446 = arith.constant 1424 : index
      %get3A_447 = tpu.vector_load %arg4[%get3A_446] {strides = array<i32>} : memref<2048xi32, #tpu.memory_space<vmem>>, vector<16xi32>,
      %add3A_448 = arith.constant 1424 : i32
      %add3A_449 = vector.broadcast %add3A_448 : i32 to vector<16xi32>
      %add3A_450 = arith.addi %iota3A, %add3A_449 : vector<16xi32>
      tpu.vector_store_idx %arg5[%get3A_447], %add3A_450 : memref<2048xi32, #tpu.memory_space<vmem>>[vector<16xi32>], vector<16xi32>,
      %get3A_451 = arith.constant 1440 : index
      %get3A_452 = tpu.vector_load %arg4[%get3A_451] {strides = array<i32>} : memref<2048xi32, #tpu.memory_space<vmem>>, vector<16xi32>,
      %add3A_453 = arith.constant 1440 : i32
      %add3A_454 = vector.broadcast %add3A_453 : i32 to vector<16xi32>
      %add3A_455 = arith.addi %iota3A, %add3A_454 : vector<16xi32>
      tpu.vector_store_idx %arg5[%get3A_452], %add3A_455 : memref<2048xi32, #tpu.memory_space<vmem>>[vector<16xi32>], vector<16xi32>,
      %get3A_456 = arith.constant 1456 : index
      %get3A_457 = tpu.vector_load %arg4[%get3A_456] {strides = array<i32>} : memref<2048xi32, #tpu.memory_space<vmem>>, vector<16xi32>,
      %add3A_458 = arith.constant 1456 : i32
      %add3A_459 = vector.broadcast %add3A_458 : i32 to vector<16xi32>
      %add3A_460 = arith.addi %iota3A, %add3A_459 : vector<16xi32>
      tpu.vector_store_idx %arg5[%get3A_457], %add3A_460 : memref<2048xi32, #tpu.memory_space<vmem>>[vector<16xi32>], vector<16xi32>,
      %get3A_461 = arith.constant 1472 : index
      %get3A_462 = tpu.vector_load %arg4[%get3A_461] {strides = array<i32>} : memref<2048xi32, #tpu.memory_space<vmem>>, vector<16xi32>,
      %add3A_463 = arith.constant 1472 : i32
      %add3A_464 = vector.broadcast %add3A_463 : i32 to vector<16xi32>
      %add3A_465 = arith.addi %iota3A, %add3A_464 : vector<16xi32>
      tpu.vector_store_idx %arg5[%get3A_462], %add3A_465 : memref<2048xi32, #tpu.memory_space<vmem>>[vector<16xi32>], vector<16xi32>,
      %get3A_466 = arith.constant 1488 : index
      %get3A_467 = tpu.vector_load %arg4[%get3A_466] {strides = array<i32>} : memref<2048xi32, #tpu.memory_space<vmem>>, vector<16xi32>,
      %add3A_468 = arith.constant 1488 : i32
      %add3A_469 = vector.broadcast %add3A_468 : i32 to vector<16xi32>
      %add3A_470 = arith.addi %iota3A, %add3A_469 : vector<16xi32>
      tpu.vector_store_idx %arg5[%get3A_467], %add3A_470 : memref<2048xi32, #tpu.memory_space<vmem>>[vector<16xi32>], vector<16xi32>,
      %get3A_471 = arith.constant 1504 : index
      %get3A_472 = tpu.vector_load %arg4[%get3A_471] {strides = array<i32>} : memref<2048xi32, #tpu.memory_space<vmem>>, vector<16xi32>,
      %add3A_473 = arith.constant 1504 : i32
      %add3A_474 = vector.broadcast %add3A_473 : i32 to vector<16xi32>
      %add3A_475 = arith.addi %iota3A, %add3A_474 : vector<16xi32>
      tpu.vector_store_idx %arg5[%get3A_472], %add3A_475 : memref<2048xi32, #tpu.memory_space<vmem>>[vector<16xi32>], vector<16xi32>,
      %get3A_476 = arith.constant 1520 : index
      %get3A_477 = tpu.vector_load %arg4[%get3A_476] {strides = array<i32>} : memref<2048xi32, #tpu.memory_space<vmem>>, vector<16xi32>,
      %add3A_478 = arith.constant 1520 : i32
      %add3A_479 = vector.broadcast %add3A_478 : i32 to vector<16xi32>
      %add3A_480 = arith.addi %iota3A, %add3A_479 : vector<16xi32>
      tpu.vector_store_idx %arg5[%get3A_477], %add3A_480 : memref<2048xi32, #tpu.memory_space<vmem>>[vector<16xi32>], vector<16xi32>,
      %get3A_481 = arith.constant 1536 : index
      %get3A_482 = tpu.vector_load %arg4[%get3A_481] {strides = array<i32>} : memref<2048xi32, #tpu.memory_space<vmem>>, vector<16xi32>,
      %add3A_483 = arith.constant 1536 : i32
      %add3A_484 = vector.broadcast %add3A_483 : i32 to vector<16xi32>
      %add3A_485 = arith.addi %iota3A, %add3A_484 : vector<16xi32>
      tpu.vector_store_idx %arg5[%get3A_482], %add3A_485 : memref<2048xi32, #tpu.memory_space<vmem>>[vector<16xi32>], vector<16xi32>,
      %get3A_486 = arith.constant 1552 : index
      %get3A_487 = tpu.vector_load %arg4[%get3A_486] {strides = array<i32>} : memref<2048xi32, #tpu.memory_space<vmem>>, vector<16xi32>,
      %add3A_488 = arith.constant 1552 : i32
      %add3A_489 = vector.broadcast %add3A_488 : i32 to vector<16xi32>
      %add3A_490 = arith.addi %iota3A, %add3A_489 : vector<16xi32>
      tpu.vector_store_idx %arg5[%get3A_487], %add3A_490 : memref<2048xi32, #tpu.memory_space<vmem>>[vector<16xi32>], vector<16xi32>,
      %get3A_491 = arith.constant 1568 : index
      %get3A_492 = tpu.vector_load %arg4[%get3A_491] {strides = array<i32>} : memref<2048xi32, #tpu.memory_space<vmem>>, vector<16xi32>,
      %add3A_493 = arith.constant 1568 : i32
      %add3A_494 = vector.broadcast %add3A_493 : i32 to vector<16xi32>
      %add3A_495 = arith.addi %iota3A, %add3A_494 : vector<16xi32>
      tpu.vector_store_idx %arg5[%get3A_492], %add3A_495 : memref<2048xi32, #tpu.memory_space<vmem>>[vector<16xi32>], vector<16xi32>,
      %get3A_496 = arith.constant 1584 : index
      %get3A_497 = tpu.vector_load %arg4[%get3A_496] {strides = array<i32>} : memref<2048xi32, #tpu.memory_space<vmem>>, vector<16xi32>,
      %add3A_498 = arith.constant 1584 : i32
      %add3A_499 = vector.broadcast %add3A_498 : i32 to vector<16xi32>
      %add3A_500 = arith.addi %iota3A, %add3A_499 : vector<16xi32>
      tpu.vector_store_idx %arg5[%get3A_497], %add3A_500 : memref<2048xi32, #tpu.memory_space<vmem>>[vector<16xi32>], vector<16xi32>,
      %get3A_501 = arith.constant 1600 : index
      %get3A_502 = tpu.vector_load %arg4[%get3A_501] {strides = array<i32>} : memref<2048xi32, #tpu.memory_space<vmem>>, vector<16xi32>,
      %add3A_503 = arith.constant 1600 : i32
      %add3A_504 = vector.broadcast %add3A_503 : i32 to vector<16xi32>
      %add3A_505 = arith.addi %iota3A, %add3A_504 : vector<16xi32>
      tpu.vector_store_idx %arg5[%get3A_502], %add3A_505 : memref<2048xi32, #tpu.memory_space<vmem>>[vector<16xi32>], vector<16xi32>,
      %get3A_506 = arith.constant 1616 : index
      %get3A_507 = tpu.vector_load %arg4[%get3A_506] {strides = array<i32>} : memref<2048xi32, #tpu.memory_space<vmem>>, vector<16xi32>,
      %add3A_508 = arith.constant 1616 : i32
      %add3A_509 = vector.broadcast %add3A_508 : i32 to vector<16xi32>
      %add3A_510 = arith.addi %iota3A, %add3A_509 : vector<16xi32>
      tpu.vector_store_idx %arg5[%get3A_507], %add3A_510 : memref<2048xi32, #tpu.memory_space<vmem>>[vector<16xi32>], vector<16xi32>,
      %get3A_511 = arith.constant 1632 : index
      %get3A_512 = tpu.vector_load %arg4[%get3A_511] {strides = array<i32>} : memref<2048xi32, #tpu.memory_space<vmem>>, vector<16xi32>,
      %add3A_513 = arith.constant 1632 : i32
      %add3A_514 = vector.broadcast %add3A_513 : i32 to vector<16xi32>
      %add3A_515 = arith.addi %iota3A, %add3A_514 : vector<16xi32>
      tpu.vector_store_idx %arg5[%get3A_512], %add3A_515 : memref<2048xi32, #tpu.memory_space<vmem>>[vector<16xi32>], vector<16xi32>,
      %get3A_516 = arith.constant 1648 : index
      %get3A_517 = tpu.vector_load %arg4[%get3A_516] {strides = array<i32>} : memref<2048xi32, #tpu.memory_space<vmem>>, vector<16xi32>,
      %add3A_518 = arith.constant 1648 : i32
      %add3A_519 = vector.broadcast %add3A_518 : i32 to vector<16xi32>
      %add3A_520 = arith.addi %iota3A, %add3A_519 : vector<16xi32>
      tpu.vector_store_idx %arg5[%get3A_517], %add3A_520 : memref<2048xi32, #tpu.memory_space<vmem>>[vector<16xi32>], vector<16xi32>,
      %get3A_521 = arith.constant 1664 : index
      %get3A_522 = tpu.vector_load %arg4[%get3A_521] {strides = array<i32>} : memref<2048xi32, #tpu.memory_space<vmem>>, vector<16xi32>,
      %add3A_523 = arith.constant 1664 : i32
      %add3A_524 = vector.broadcast %add3A_523 : i32 to vector<16xi32>
      %add3A_525 = arith.addi %iota3A, %add3A_524 : vector<16xi32>
      tpu.vector_store_idx %arg5[%get3A_522], %add3A_525 : memref<2048xi32, #tpu.memory_space<vmem>>[vector<16xi32>], vector<16xi32>,
      %get3A_526 = arith.constant 1680 : index
      %get3A_527 = tpu.vector_load %arg4[%get3A_526] {strides = array<i32>} : memref<2048xi32, #tpu.memory_space<vmem>>, vector<16xi32>,
      %add3A_528 = arith.constant 1680 : i32
      %add3A_529 = vector.broadcast %add3A_528 : i32 to vector<16xi32>
      %add3A_530 = arith.addi %iota3A, %add3A_529 : vector<16xi32>
      tpu.vector_store_idx %arg5[%get3A_527], %add3A_530 : memref<2048xi32, #tpu.memory_space<vmem>>[vector<16xi32>], vector<16xi32>,
      %get3A_531 = arith.constant 1696 : index
      %get3A_532 = tpu.vector_load %arg4[%get3A_531] {strides = array<i32>} : memref<2048xi32, #tpu.memory_space<vmem>>, vector<16xi32>,
      %add3A_533 = arith.constant 1696 : i32
      %add3A_534 = vector.broadcast %add3A_533 : i32 to vector<16xi32>
      %add3A_535 = arith.addi %iota3A, %add3A_534 : vector<16xi32>
      tpu.vector_store_idx %arg5[%get3A_532], %add3A_535 : memref<2048xi32, #tpu.memory_space<vmem>>[vector<16xi32>], vector<16xi32>,
      %get3A_536 = arith.constant 1712 : index
      %get3A_537 = tpu.vector_load %arg4[%get3A_536] {strides = array<i32>} : memref<2048xi32, #tpu.memory_space<vmem>>, vector<16xi32>,
      %add3A_538 = arith.constant 1712 : i32
      %add3A_539 = vector.broadcast %add3A_538 : i32 to vector<16xi32>
      %add3A_540 = arith.addi %iota3A, %add3A_539 : vector<16xi32>
      tpu.vector_store_idx %arg5[%get3A_537], %add3A_540 : memref<2048xi32, #tpu.memory_space<vmem>>[vector<16xi32>], vector<16xi32>,
      %get3A_541 = arith.constant 1728 : index
      %get3A_542 = tpu.vector_load %arg4[%get3A_541] {strides = array<i32>} : memref<2048xi32, #tpu.memory_space<vmem>>, vector<16xi32>,
      %add3A_543 = arith.constant 1728 : i32
      %add3A_544 = vector.broadcast %add3A_543 : i32 to vector<16xi32>
      %add3A_545 = arith.addi %iota3A, %add3A_544 : vector<16xi32>
      tpu.vector_store_idx %arg5[%get3A_542], %add3A_545 : memref<2048xi32, #tpu.memory_space<vmem>>[vector<16xi32>], vector<16xi32>,
      %get3A_546 = arith.constant 1744 : index
      %get3A_547 = tpu.vector_load %arg4[%get3A_546] {strides = array<i32>} : memref<2048xi32, #tpu.memory_space<vmem>>, vector<16xi32>,
      %add3A_548 = arith.constant 1744 : i32
      %add3A_549 = vector.broadcast %add3A_548 : i32 to vector<16xi32>
      %add3A_550 = arith.addi %iota3A, %add3A_549 : vector<16xi32>
      tpu.vector_store_idx %arg5[%get3A_547], %add3A_550 : memref<2048xi32, #tpu.memory_space<vmem>>[vector<16xi32>], vector<16xi32>,
      %get3A_551 = arith.constant 1760 : index
      %get3A_552 = tpu.vector_load %arg4[%get3A_551] {strides = array<i32>} : memref<2048xi32, #tpu.memory_space<vmem>>, vector<16xi32>,
      %add3A_553 = arith.constant 1760 : i32
      %add3A_554 = vector.broadcast %add3A_553 : i32 to vector<16xi32>
      %add3A_555 = arith.addi %iota3A, %add3A_554 : vector<16xi32>
      tpu.vector_store_idx %arg5[%get3A_552], %add3A_555 : memref<2048xi32, #tpu.memory_space<vmem>>[vector<16xi32>], vector<16xi32>,
      %get3A_556 = arith.constant 1776 : index
      %get3A_557 = tpu.vector_load %arg4[%get3A_556] {strides = array<i32>} : memref<2048xi32, #tpu.memory_space<vmem>>, vector<16xi32>,
      %add3A_558 = arith.constant 1776 : i32
      %add3A_559 = vector.broadcast %add3A_558 : i32 to vector<16xi32>
      %add3A_560 = arith.addi %iota3A, %add3A_559 : vector<16xi32>
      tpu.vector_store_idx %arg5[%get3A_557], %add3A_560 : memref<2048xi32, #tpu.memory_space<vmem>>[vector<16xi32>], vector<16xi32>,
      %get3A_561 = arith.constant 1792 : index
      %get3A_562 = tpu.vector_load %arg4[%get3A_561] {strides = array<i32>} : memref<2048xi32, #tpu.memory_space<vmem>>, vector<16xi32>,
      %add3A_563 = arith.constant 1792 : i32
      %add3A_564 = vector.broadcast %add3A_563 : i32 to vector<16xi32>
      %add3A_565 = arith.addi %iota3A, %add3A_564 : vector<16xi32>
      tpu.vector_store_idx %arg5[%get3A_562], %add3A_565 : memref<2048xi32, #tpu.memory_space<vmem>>[vector<16xi32>], vector<16xi32>,
      %get3A_566 = arith.constant 1808 : index
      %get3A_567 = tpu.vector_load %arg4[%get3A_566] {strides = array<i32>} : memref<2048xi32, #tpu.memory_space<vmem>>, vector<16xi32>,
      %add3A_568 = arith.constant 1808 : i32
      %add3A_569 = vector.broadcast %add3A_568 : i32 to vector<16xi32>
      %add3A_570 = arith.addi %iota3A, %add3A_569 : vector<16xi32>
      tpu.vector_store_idx %arg5[%get3A_567], %add3A_570 : memref<2048xi32, #tpu.memory_space<vmem>>[vector<16xi32>], vector<16xi32>,
      %get3A_571 = arith.constant 1824 : index
      %get3A_572 = tpu.vector_load %arg4[%get3A_571] {strides = array<i32>} : memref<2048xi32, #tpu.memory_space<vmem>>, vector<16xi32>,
      %add3A_573 = arith.constant 1824 : i32
      %add3A_574 = vector.broadcast %add3A_573 : i32 to vector<16xi32>
      %add3A_575 = arith.addi %iota3A, %add3A_574 : vector<16xi32>
      tpu.vector_store_idx %arg5[%get3A_572], %add3A_575 : memref<2048xi32, #tpu.memory_space<vmem>>[vector<16xi32>], vector<16xi32>,
      %get3A_576 = arith.constant 1840 : index
      %get3A_577 = tpu.vector_load %arg4[%get3A_576] {strides = array<i32>} : memref<2048xi32, #tpu.memory_space<vmem>>, vector<16xi32>,
      %add3A_578 = arith.constant 1840 : i32
      %add3A_579 = vector.broadcast %add3A_578 : i32 to vector<16xi32>
      %add3A_580 = arith.addi %iota3A, %add3A_579 : vector<16xi32>
      tpu.vector_store_idx %arg5[%get3A_577], %add3A_580 : memref<2048xi32, #tpu.memory_space<vmem>>[vector<16xi32>], vector<16xi32>,
      %get3A_581 = arith.constant 1856 : index
      %get3A_582 = tpu.vector_load %arg4[%get3A_581] {strides = array<i32>} : memref<2048xi32, #tpu.memory_space<vmem>>, vector<16xi32>,
      %add3A_583 = arith.constant 1856 : i32
      %add3A_584 = vector.broadcast %add3A_583 : i32 to vector<16xi32>
      %add3A_585 = arith.addi %iota3A, %add3A_584 : vector<16xi32>
      tpu.vector_store_idx %arg5[%get3A_582], %add3A_585 : memref<2048xi32, #tpu.memory_space<vmem>>[vector<16xi32>], vector<16xi32>,
      %get3A_586 = arith.constant 1872 : index
      %get3A_587 = tpu.vector_load %arg4[%get3A_586] {strides = array<i32>} : memref<2048xi32, #tpu.memory_space<vmem>>, vector<16xi32>,
      %add3A_588 = arith.constant 1872 : i32
      %add3A_589 = vector.broadcast %add3A_588 : i32 to vector<16xi32>
      %add3A_590 = arith.addi %iota3A, %add3A_589 : vector<16xi32>
      tpu.vector_store_idx %arg5[%get3A_587], %add3A_590 : memref<2048xi32, #tpu.memory_space<vmem>>[vector<16xi32>], vector<16xi32>,
      %get3A_591 = arith.constant 1888 : index
      %get3A_592 = tpu.vector_load %arg4[%get3A_591] {strides = array<i32>} : memref<2048xi32, #tpu.memory_space<vmem>>, vector<16xi32>,
      %add3A_593 = arith.constant 1888 : i32
      %add3A_594 = vector.broadcast %add3A_593 : i32 to vector<16xi32>
      %add3A_595 = arith.addi %iota3A, %add3A_594 : vector<16xi32>
      tpu.vector_store_idx %arg5[%get3A_592], %add3A_595 : memref<2048xi32, #tpu.memory_space<vmem>>[vector<16xi32>], vector<16xi32>,
      %get3A_596 = arith.constant 1904 : index
      %get3A_597 = tpu.vector_load %arg4[%get3A_596] {strides = array<i32>} : memref<2048xi32, #tpu.memory_space<vmem>>, vector<16xi32>,
      %add3A_598 = arith.constant 1904 : i32
      %add3A_599 = vector.broadcast %add3A_598 : i32 to vector<16xi32>
      %add3A_600 = arith.addi %iota3A, %add3A_599 : vector<16xi32>
      tpu.vector_store_idx %arg5[%get3A_597], %add3A_600 : memref<2048xi32, #tpu.memory_space<vmem>>[vector<16xi32>], vector<16xi32>,
      %get3A_601 = arith.constant 1920 : index
      %get3A_602 = tpu.vector_load %arg4[%get3A_601] {strides = array<i32>} : memref<2048xi32, #tpu.memory_space<vmem>>, vector<16xi32>,
      %add3A_603 = arith.constant 1920 : i32
      %add3A_604 = vector.broadcast %add3A_603 : i32 to vector<16xi32>
      %add3A_605 = arith.addi %iota3A, %add3A_604 : vector<16xi32>
      tpu.vector_store_idx %arg5[%get3A_602], %add3A_605 : memref<2048xi32, #tpu.memory_space<vmem>>[vector<16xi32>], vector<16xi32>,
      %get3A_606 = arith.constant 1936 : index
      %get3A_607 = tpu.vector_load %arg4[%get3A_606] {strides = array<i32>} : memref<2048xi32, #tpu.memory_space<vmem>>, vector<16xi32>,
      %add3A_608 = arith.constant 1936 : i32
      %add3A_609 = vector.broadcast %add3A_608 : i32 to vector<16xi32>
      %add3A_610 = arith.addi %iota3A, %add3A_609 : vector<16xi32>
      tpu.vector_store_idx %arg5[%get3A_607], %add3A_610 : memref<2048xi32, #tpu.memory_space<vmem>>[vector<16xi32>], vector<16xi32>,
      %get3A_611 = arith.constant 1952 : index
      %get3A_612 = tpu.vector_load %arg4[%get3A_611] {strides = array<i32>} : memref<2048xi32, #tpu.memory_space<vmem>>, vector<16xi32>,
      %add3A_613 = arith.constant 1952 : i32
      %add3A_614 = vector.broadcast %add3A_613 : i32 to vector<16xi32>
      %add3A_615 = arith.addi %iota3A, %add3A_614 : vector<16xi32>
      tpu.vector_store_idx %arg5[%get3A_612], %add3A_615 : memref<2048xi32, #tpu.memory_space<vmem>>[vector<16xi32>], vector<16xi32>,
      %get3A_616 = arith.constant 1968 : index
      %get3A_617 = tpu.vector_load %arg4[%get3A_616] {strides = array<i32>} : memref<2048xi32, #tpu.memory_space<vmem>>, vector<16xi32>,
      %add3A_618 = arith.constant 1968 : i32
      %add3A_619 = vector.broadcast %add3A_618 : i32 to vector<16xi32>
      %add3A_620 = arith.addi %iota3A, %add3A_619 : vector<16xi32>
      tpu.vector_store_idx %arg5[%get3A_617], %add3A_620 : memref<2048xi32, #tpu.memory_space<vmem>>[vector<16xi32>], vector<16xi32>,
      %get3A_621 = arith.constant 1984 : index
      %get3A_622 = tpu.vector_load %arg4[%get3A_621] {strides = array<i32>} : memref<2048xi32, #tpu.memory_space<vmem>>, vector<16xi32>,
      %add3A_623 = arith.constant 1984 : i32
      %add3A_624 = vector.broadcast %add3A_623 : i32 to vector<16xi32>
      %add3A_625 = arith.addi %iota3A, %add3A_624 : vector<16xi32>
      tpu.vector_store_idx %arg5[%get3A_622], %add3A_625 : memref<2048xi32, #tpu.memory_space<vmem>>[vector<16xi32>], vector<16xi32>,
      %get3A_626 = arith.constant 2000 : index
      %get3A_627 = tpu.vector_load %arg4[%get3A_626] {strides = array<i32>} : memref<2048xi32, #tpu.memory_space<vmem>>, vector<16xi32>,
      %add3A_628 = arith.constant 2000 : i32
      %add3A_629 = vector.broadcast %add3A_628 : i32 to vector<16xi32>
      %add3A_630 = arith.addi %iota3A, %add3A_629 : vector<16xi32>
      tpu.vector_store_idx %arg5[%get3A_627], %add3A_630 : memref<2048xi32, #tpu.memory_space<vmem>>[vector<16xi32>], vector<16xi32>,
      %get3A_631 = arith.constant 2016 : index
      %get3A_632 = tpu.vector_load %arg4[%get3A_631] {strides = array<i32>} : memref<2048xi32, #tpu.memory_space<vmem>>, vector<16xi32>,
      %add3A_633 = arith.constant 2016 : i32
      %add3A_634 = vector.broadcast %add3A_633 : i32 to vector<16xi32>
      %add3A_635 = arith.addi %iota3A, %add3A_634 : vector<16xi32>
      tpu.vector_store_idx %arg5[%get3A_632], %add3A_635 : memref<2048xi32, #tpu.memory_space<vmem>>[vector<16xi32>], vector<16xi32>,
      %get3A_636 = arith.constant 2032 : index
      %get3A_637 = tpu.vector_load %arg4[%get3A_636] {strides = array<i32>} : memref<2048xi32, #tpu.memory_space<vmem>>, vector<16xi32>,
      %add3A_638 = arith.constant 2032 : i32
      %add3A_639 = vector.broadcast %add3A_638 : i32 to vector<16xi32>
      %add3A_640 = arith.addi %iota3A, %add3A_639 : vector<16xi32>
      tpu.vector_store_idx %arg5[%get3A_637], %add3A_640 : memref<2048xi32, #tpu.memory_space<vmem>>[vector<16xi32>], vector<16xi32>,
      "tpu.region"() ({
        %run_scoped3A = tpu.sem_alloc : memref<!tpu.dma_semaphore, #tpu.memory_space<semaphore_mem>>
        %dma_start3A = arith.constant 1536 : i32
        %dma_start3A_641 = tpu.memref_slice %arg5[%dma_start3A] : memref<2048xi32, #tpu.memory_space<vmem>> -> memref<512xi32, #tpu.memory_space<vmem>>
        %dma_start3A_642 = arith.constant 0 : i32
        %dma_start3A_643 = tpu.memref_slice %arg3[%arg1, %dma_start3A_642] : memref<8x512xi32, #tpu.memory_space<hbm>> -> memref<1x512xi32, #tpu.memory_space<hbm>>
        %dma_start3A_644 = tpu.memref_squeeze %dma_start3A_643 : memref<1x512xi32, #tpu.memory_space<hbm>> -> memref<512xi32, #tpu.memory_space<hbm>>
        %dma_start3A_645 = arith.constant 0 : i32
        %dma_start3A_646 = tpu.memref_slice %arg3[%arg1, %dma_start3A_645] : memref<8x512xi32, #tpu.memory_space<hbm>> -> memref<1x512xi32, #tpu.memory_space<hbm>>
        %dma_start3A_647 = tpu.memref_squeeze %dma_start3A_646 : memref<1x512xi32, #tpu.memory_space<hbm>> -> memref<512xi32, #tpu.memory_space<hbm>>
        %dma_start3A_648 = arith.constant 1536 : i32
        %dma_start3A_649 = tpu.memref_slice %arg5[%dma_start3A_648] : memref<2048xi32, #tpu.memory_space<vmem>> -> memref<512xi32, #tpu.memory_space<vmem>>
        tpu.enqueue_dma source(%dma_start3A_649 : memref<512xi32, #tpu.memory_space<vmem>>) target(%dma_start3A_647 : memref<512xi32, #tpu.memory_space<hbm>>) target_semaphore(%run_scoped3A : memref<!tpu.dma_semaphore, #tpu.memory_space<semaphore_mem>>)
        %dma_wait3A = arith.constant 1536 : i32
        %dma_wait3A_650 = tpu.memref_slice %arg5[%dma_wait3A] : memref<2048xi32, #tpu.memory_space<vmem>> -> memref<512xi32, #tpu.memory_space<vmem>>
        %dma_wait3A_651 = arith.constant 0 : i32
        %dma_wait3A_652 = tpu.memref_slice %arg3[%arg1, %dma_wait3A_651] : memref<8x512xi32, #tpu.memory_space<hbm>> -> memref<1x512xi32, #tpu.memory_space<hbm>>
        %dma_wait3A_653 = tpu.memref_squeeze %dma_wait3A_652 : memref<1x512xi32, #tpu.memory_space<hbm>> -> memref<512xi32, #tpu.memory_space<hbm>>
        %dma_wait3A_654 = arith.constant 0 : i32
        %dma_wait3A_655 = tpu.memref_slice %arg3[%arg1, %dma_wait3A_654] : memref<8x512xi32, #tpu.memory_space<hbm>> -> memref<1x512xi32, #tpu.memory_space<hbm>>
        %dma_wait3A_656 = tpu.memref_squeeze %dma_wait3A_655 : memref<1x512xi32, #tpu.memory_space<hbm>> -> memref<512xi32, #tpu.memory_space<hbm>>
        %dma_wait3A_657 = arith.constant 1536 : i32
        %dma_wait3A_658 = tpu.memref_slice %arg5[%dma_wait3A_657] : memref<2048xi32, #tpu.memory_space<vmem>> -> memref<512xi32, #tpu.memory_space<vmem>>
        tpu.wait_dma2 semaphore(%run_scoped3A : memref<!tpu.dma_semaphore, #tpu.memory_space<semaphore_mem>>) src(%dma_wait3A_658 : memref<512xi32, #tpu.memory_space<vmem>>) dst(%dma_wait3A_656 : memref<512xi32, #tpu.memory_space<hbm>>)
        tpu.yield
      }) : () -> ()
    } else {
    }
    return
  }
}

module attributes {stable_mosaic.version = 14 : i64} {
  func.func @_rank_body(%arg0: i32, %arg1: memref<1xf32, #tpu.memory_space<smem>>, %arg2: memref<4x1x2048xf32, #tpu.memory_space<vmem>>, %arg3: memref<4x1x2048xf32, #tpu.memory_space<vmem>>, %arg4: memref<4x1x2048xf32, #tpu.memory_space<vmem>>, %arg5: memref<4x1x2048xf32, #tpu.memory_space<vmem>>, %arg6: memref<4x16x128xf32, #tpu.memory_space<vmem>>, %arg7: memref<4x16x128xf32, #tpu.memory_space<vmem>>, %arg8: memref<4x16x128xf32, #tpu.memory_space<vmem>>, %arg9: memref<4x16x128xf32, #tpu.memory_space<vmem>>, %arg10: memref<128x128xi32, #tpu.memory_space<vmem>>, %arg11: memref<4x1x2048xi32, #tpu.memory_space<vmem>>, %arg12: memref<4x1x512xf32, #tpu.memory_space<vmem>>) attributes {dimension_semantics = [#tpu.dimension_semantics<arbitrary>], iteration_bounds = array<i64: 2>, scalar_prefetch = 0 : i64, scratch_operands = 0 : i64, tpu.core_type = #tpu.core_type<tc>, window_params = [{transform_indices = @transform_0, window_bounds = array<i64: 1>}, {transform_indices = @transform_1, window_bounds = array<i64: 4, 1, 2048>}, {transform_indices = @transform_2, window_bounds = array<i64: 4, 1, 2048>}, {transform_indices = @transform_3, window_bounds = array<i64: 4, 1, 2048>}, {transform_indices = @transform_4, window_bounds = array<i64: 4, 1, 2048>}, {transform_indices = @transform_5, window_bounds = array<i64: 4, 16, 128>}, {transform_indices = @transform_6, window_bounds = array<i64: 4, 16, 128>}, {transform_indices = @transform_7, window_bounds = array<i64: 4, 16, 128>}, {transform_indices = @transform_8, window_bounds = array<i64: 4, 16, 128>}, {pipeline_mode = #tpu.pipeline_mode<synchronous>, transform_indices = @transform_9, window_bounds = array<i64: 128, 128>}, {transform_indices = @transform_10, window_bounds = array<i64: 4, 1, 2048>}, {transform_indices = @transform_11, window_bounds = array<i64: 4, 1, 512>}]} {
    %get3A = arith.constant 0 : index
    %get3A_0 = arith.constant 0 : index
    %get3A_1 = vector.load %arg10[%get3A, %get3A_0] : memref<128x128xi32, #tpu.memory_space<vmem>>, vector<128x128xi32>
    %get3A_2 = arith.constant 0 : index
    %get3A_3 = arith.constant 0 : index
    %get3A_4 = arith.constant 0 : index
    %get3A_5 = vector.load %arg2[%get3A_2, %get3A_3, %get3A_4] : memref<4x1x2048xf32, #tpu.memory_space<vmem>>, vector<1x1x2048xf32>
    %get3A_6 = vector.shape_cast %get3A_5 : vector<1x1x2048xf32> to vector<1x2048xf32>
    %get3A_7 = arith.constant 0 : index
    %get3A_8 = arith.constant 0 : index
    %get3A_9 = arith.constant 0 : index
    %get3A_10 = vector.load %arg3[%get3A_7, %get3A_8, %get3A_9] : memref<4x1x2048xf32, #tpu.memory_space<vmem>>, vector<1x1x2048xf32>
    %get3A_11 = vector.shape_cast %get3A_10 : vector<1x1x2048xf32> to vector<1x2048xf32>
    %get3A_12 = arith.constant 0 : index
    %get3A_13 = arith.constant 0 : index
    %get3A_14 = arith.constant 0 : index
    %get3A_15 = vector.load %arg4[%get3A_12, %get3A_13, %get3A_14] : memref<4x1x2048xf32, #tpu.memory_space<vmem>>, vector<1x1x2048xf32>
    %get3A_16 = vector.shape_cast %get3A_15 : vector<1x1x2048xf32> to vector<1x2048xf32>
    %get3A_17 = arith.constant 0 : index
    %get3A_18 = arith.constant 0 : index
    %get3A_19 = arith.constant 0 : index
    %get3A_20 = vector.load %arg5[%get3A_17, %get3A_18, %get3A_19] : memref<4x1x2048xf32, #tpu.memory_space<vmem>>, vector<1x1x2048xf32>
    %get3A_21 = vector.shape_cast %get3A_20 : vector<1x1x2048xf32> to vector<1x2048xf32>
    %gt3A = arith.constant 0.000000e+00 : f32
    %gt3A_22 = vector.broadcast %gt3A : f32 to vector<1x2048xf32>
    %gt3A_23 = arith.cmpf ogt, %get3A_16, %gt3A_22 : vector<1x2048xf32>
    %max3A = arith.maximumf %get3A_6, %get3A_11 : vector<1x2048xf32>
    %select_n3A = arith.select %gt3A_23, %max3A, %get3A_6 : vector<1x2048xi1>, vector<1x2048xf32>
    %jit3A = arith.constant -1.000000e+00 : f32
    %jit3A_24 = arith.constant 1.000000e+00 : f32
    %max3A_25 = vector.broadcast %jit3A : f32 to vector<1x2048xf32>
    %max3A_26 = arith.maximumf %max3A_25, %select_n3A : vector<1x2048xf32>
    %min3A = vector.broadcast %jit3A_24 : f32 to vector<1x2048xf32>
    %min3A_27 = arith.minimumf %min3A, %max3A_26 : vector<1x2048xf32>
    %add3A = arith.addf %min3A_27, %get3A_21 : vector<1x2048xf32>
    %get3A_28 = arith.constant 0 : index
    %get3A_29 = arith.constant 0 : index
    %get3A_30 = arith.constant 0 : index
    %get3A_31 = vector.load %arg6[%get3A_28, %get3A_29, %get3A_30] : memref<4x16x128xf32, #tpu.memory_space<vmem>>, vector<1x16x128xf32>
    %get3A_32 = vector.shape_cast %get3A_31 : vector<1x16x128xf32> to vector<16x128xf32>
    %get3A_33 = arith.constant 0 : index
    %get3A_34 = arith.constant 0 : index
    %get3A_35 = arith.constant 0 : index
    %get3A_36 = vector.load %arg7[%get3A_33, %get3A_34, %get3A_35] : memref<4x16x128xf32, #tpu.memory_space<vmem>>, vector<1x16x128xf32>
    %get3A_37 = vector.shape_cast %get3A_36 : vector<1x16x128xf32> to vector<16x128xf32>
    %get3A_38 = arith.constant 0 : index
    %get3A_39 = arith.constant 0 : index
    %get3A_40 = arith.constant 0 : index
    %get3A_41 = vector.load %arg8[%get3A_38, %get3A_39, %get3A_40] : memref<4x16x128xf32, #tpu.memory_space<vmem>>, vector<1x16x128xf32>
    %get3A_42 = vector.shape_cast %get3A_41 : vector<1x16x128xf32> to vector<16x128xf32>
    %get3A_43 = arith.constant 0 : index
    %get3A_44 = arith.constant 0 : index
    %get3A_45 = arith.constant 0 : index
    %get3A_46 = vector.load %arg9[%get3A_43, %get3A_44, %get3A_45] : memref<4x16x128xf32, #tpu.memory_space<vmem>>, vector<1x16x128xf32>
    %get3A_47 = vector.shape_cast %get3A_46 : vector<1x16x128xf32> to vector<16x128xf32>
    %gt3A_48 = arith.constant 0.000000e+00 : f32
    %gt3A_49 = vector.broadcast %gt3A_48 : f32 to vector<16x128xf32>
    %gt3A_50 = arith.cmpf ogt, %get3A_42, %gt3A_49 : vector<16x128xf32>
    %max3A_51 = arith.maximumf %get3A_32, %get3A_37 : vector<16x128xf32>
    %select_n3A_52 = arith.select %gt3A_50, %max3A_51, %get3A_32 : vector<16x128xi1>, vector<16x128xf32>
    %jit3A_53 = arith.constant -1.000000e+00 : f32
    %jit3A_54 = arith.constant 1.000000e+00 : f32
    %max3A_55 = vector.broadcast %jit3A_53 : f32 to vector<16x128xf32>
    %max3A_56 = arith.maximumf %max3A_55, %select_n3A_52 : vector<16x128xf32>
    %min3A_57 = vector.broadcast %jit3A_54 : f32 to vector<16x128xf32>
    %min3A_58 = arith.minimumf %min3A_57, %max3A_56 : vector<16x128xf32>
    %add3A_59 = arith.addf %min3A_58, %get3A_47 : vector<16x128xf32>
    %bitcast_convert_type3A = tpu.bitcast %add3A : vector<1x2048xf32> -> vector<1x2048xi32>
    %shift_right_arithmetic3A = arith.constant 31 : i32
    %shift_right_arithmetic3A_60 = vector.broadcast %shift_right_arithmetic3A : i32 to vector<1x2048xi32>
    %shift_right_arithmetic3A_61 = arith.shrsi %bitcast_convert_type3A, %shift_right_arithmetic3A_60 : vector<1x2048xi32>
    %and3A = arith.constant 2147483647 : i32
    %and3A_62 = vector.broadcast %and3A : i32 to vector<1x2048xi32>
    %and3A_63 = arith.andi %shift_right_arithmetic3A_61, %and3A_62 : vector<1x2048xi32>
    %xor3A = arith.xori %bitcast_convert_type3A, %and3A_63 : vector<1x2048xi32>
    %bitcast_convert_type3A_64 = tpu.bitcast %add3A_59 : vector<16x128xf32> -> vector<16x128xi32>
    %shift_right_arithmetic3A_65 = arith.constant 31 : i32
    %shift_right_arithmetic3A_66 = vector.broadcast %shift_right_arithmetic3A_65 : i32 to vector<16x128xi32>
    %shift_right_arithmetic3A_67 = arith.shrsi %bitcast_convert_type3A_64, %shift_right_arithmetic3A_66 : vector<16x128xi32>
    %and3A_68 = arith.constant 2147483647 : i32
    %and3A_69 = vector.broadcast %and3A_68 : i32 to vector<16x128xi32>
    %and3A_70 = arith.andi %shift_right_arithmetic3A_67, %and3A_69 : vector<16x128xi32>
    %xor3A_71 = arith.xori %bitcast_convert_type3A_64, %and3A_70 : vector<16x128xi32>
    %transpose3A = tpu.transpose %xor3A_71, [1, 0] : vector<16x128xi32> -> vector<128x16xi32>
    %broadcast_in_dim3A = arith.constant 0 : i32
    %broadcast_in_dim3A_72 = vector.broadcast %broadcast_in_dim3A : i32 to vector<128x2048xi32>
    %broadcast_in_dim3A_73 = arith.constant 0 : i32
    %broadcast_in_dim3A_74 = vector.broadcast %broadcast_in_dim3A_73 : i32 to vector<128x2048xi32>
    %slice3A = vector.extract_strided_slice %transpose3A {offsets = [0, 0], sizes = [128, 1], strides = [1, 1]} : vector<128x16xi32> to vector<128x1xi32>
    %sub3A = arith.constant 1 : i32
    %sub3A_75 = vector.broadcast %sub3A : i32 to vector<128x1xi32>
    %sub3A_76 = arith.subi %slice3A, %sub3A_75 : vector<128x1xi32>
    %slice3A_77 = vector.extract_strided_slice %xor3A {offsets = [0, 0], sizes = [1, 128], strides = [1, 1]} : vector<1x2048xi32> to vector<1x128xi32>
    %sub3A_78 = vector.broadcast %slice3A : vector<128x1xi32> to vector<128x128xi32>
    %sub3A_79 = vector.broadcast %slice3A_77 : vector<1x128xi32> to vector<128x128xi32>
    %sub3A_80 = arith.subi %sub3A_78, %sub3A_79 : vector<128x128xi32>
    %sub3A_81 = arith.subi %sub3A_80, %get3A_1 : vector<128x128xi32>
    %shift_right_logical3A = arith.constant 31 : i32
    %shift_right_logical3A_82 = vector.broadcast %shift_right_logical3A : i32 to vector<128x128xi32>
    %shift_right_logical3A_83 = arith.shrui %sub3A_81, %shift_right_logical3A_82 : vector<128x128xi32>
    %slice3A_84 = vector.extract_strided_slice %xor3A {offsets = [0, 128], sizes = [1, 1920], strides = [1, 1]} : vector<1x2048xi32> to vector<1x1920xi32>
    %sub3A_85 = vector.broadcast %sub3A_76 : vector<128x1xi32> to vector<128x1920xi32>
    %sub3A_86 = vector.broadcast %slice3A_84 : vector<1x1920xi32> to vector<128x1920xi32>
    %sub3A_87 = arith.subi %sub3A_85, %sub3A_86 : vector<128x1920xi32>
    %shift_right_logical3A_88 = arith.constant 31 : i32
    %shift_right_logical3A_89 = vector.broadcast %shift_right_logical3A_88 : i32 to vector<128x1920xi32>
    %shift_right_logical3A_90 = arith.shrui %sub3A_87, %shift_right_logical3A_89 : vector<128x1920xi32>
    %concatenate3A = tpu.concatenate %shift_right_logical3A_83, %shift_right_logical3A_90 in 1 : vector<128x128xi32>, vector<128x1920xi32> -> vector<128x2048xi32>
    %add3A_91 = arith.addi %broadcast_in_dim3A_72, %concatenate3A : vector<128x2048xi32>
    %slice3A_92 = vector.extract_strided_slice %transpose3A {offsets = [0, 1], sizes = [128, 1], strides = [1, 1]} : vector<128x16xi32> to vector<128x1xi32>
    %sub3A_93 = arith.constant 1 : i32
    %sub3A_94 = vector.broadcast %sub3A_93 : i32 to vector<128x1xi32>
    %sub3A_95 = arith.subi %slice3A_92, %sub3A_94 : vector<128x1xi32>
    %slice3A_96 = vector.extract_strided_slice %xor3A {offsets = [0, 0], sizes = [1, 128], strides = [1, 1]} : vector<1x2048xi32> to vector<1x128xi32>
    %sub3A_97 = vector.broadcast %slice3A_92 : vector<128x1xi32> to vector<128x128xi32>
    %sub3A_98 = vector.broadcast %slice3A_96 : vector<1x128xi32> to vector<128x128xi32>
    %sub3A_99 = arith.subi %sub3A_97, %sub3A_98 : vector<128x128xi32>
    %shift_right_logical3A_100 = arith.constant 31 : i32
    %shift_right_logical3A_101 = vector.broadcast %shift_right_logical3A_100 : i32 to vector<128x128xi32>
    %shift_right_logical3A_102 = arith.shrui %sub3A_99, %shift_right_logical3A_101 : vector<128x128xi32>
    %slice3A_103 = vector.extract_strided_slice %xor3A {offsets = [0, 128], sizes = [1, 128], strides = [1, 1]} : vector<1x2048xi32> to vector<1x128xi32>
    %sub3A_104 = vector.broadcast %slice3A_92 : vector<128x1xi32> to vector<128x128xi32>
    %sub3A_105 = vector.broadcast %slice3A_103 : vector<1x128xi32> to vector<128x128xi32>
    %sub3A_106 = arith.subi %sub3A_104, %sub3A_105 : vector<128x128xi32>
    %sub3A_107 = arith.subi %sub3A_106, %get3A_1 : vector<128x128xi32>
    %shift_right_logical3A_108 = arith.constant 31 : i32
    %shift_right_logical3A_109 = vector.broadcast %shift_right_logical3A_108 : i32 to vector<128x128xi32>
    %shift_right_logical3A_110 = arith.shrui %sub3A_107, %shift_right_logical3A_109 : vector<128x128xi32>
    %slice3A_111 = vector.extract_strided_slice %xor3A {offsets = [0, 256], sizes = [1, 1792], strides = [1, 1]} : vector<1x2048xi32> to vector<1x1792xi32>
    %sub3A_112 = vector.broadcast %sub3A_95 : vector<128x1xi32> to vector<128x1792xi32>
    %sub3A_113 = vector.broadcast %slice3A_111 : vector<1x1792xi32> to vector<128x1792xi32>
    %sub3A_114 = arith.subi %sub3A_112, %sub3A_113 : vector<128x1792xi32>
    %shift_right_logical3A_115 = arith.constant 31 : i32
    %shift_right_logical3A_116 = vector.broadcast %shift_right_logical3A_115 : i32 to vector<128x1792xi32>
    %shift_right_logical3A_117 = arith.shrui %sub3A_114, %shift_right_logical3A_116 : vector<128x1792xi32>
    %concatenate3A_118 = tpu.concatenate %shift_right_logical3A_102, %shift_right_logical3A_110, %shift_right_logical3A_117 in 1 : vector<128x128xi32>, vector<128x128xi32>, vector<128x1792xi32> -> vector<128x2048xi32>
    %add3A_119 = arith.addi %broadcast_in_dim3A_74, %concatenate3A_118 : vector<128x2048xi32>
    %slice3A_120 = vector.extract_strided_slice %transpose3A {offsets = [0, 2], sizes = [128, 1], strides = [1, 1]} : vector<128x16xi32> to vector<128x1xi32>
    %sub3A_121 = arith.constant 1 : i32
    %sub3A_122 = vector.broadcast %sub3A_121 : i32 to vector<128x1xi32>
    %sub3A_123 = arith.subi %slice3A_120, %sub3A_122 : vector<128x1xi32>
    %slice3A_124 = vector.extract_strided_slice %xor3A {offsets = [0, 0], sizes = [1, 256], strides = [1, 1]} : vector<1x2048xi32> to vector<1x256xi32>
    %sub3A_125 = vector.broadcast %slice3A_120 : vector<128x1xi32> to vector<128x256xi32>
    %sub3A_126 = vector.broadcast %slice3A_124 : vector<1x256xi32> to vector<128x256xi32>
    %sub3A_127 = arith.subi %sub3A_125, %sub3A_126 : vector<128x256xi32>
    %shift_right_logical3A_128 = arith.constant 31 : i32
    %shift_right_logical3A_129 = vector.broadcast %shift_right_logical3A_128 : i32 to vector<128x256xi32>
    %shift_right_logical3A_130 = arith.shrui %sub3A_127, %shift_right_logical3A_129 : vector<128x256xi32>
    %slice3A_131 = vector.extract_strided_slice %xor3A {offsets = [0, 256], sizes = [1, 128], strides = [1, 1]} : vector<1x2048xi32> to vector<1x128xi32>
    %sub3A_132 = vector.broadcast %slice3A_120 : vector<128x1xi32> to vector<128x128xi32>
    %sub3A_133 = vector.broadcast %slice3A_131 : vector<1x128xi32> to vector<128x128xi32>
    %sub3A_134 = arith.subi %sub3A_132, %sub3A_133 : vector<128x128xi32>
    %sub3A_135 = arith.subi %sub3A_134, %get3A_1 : vector<128x128xi32>
    %shift_right_logical3A_136 = arith.constant 31 : i32
    %shift_right_logical3A_137 = vector.broadcast %shift_right_logical3A_136 : i32 to vector<128x128xi32>
    %shift_right_logical3A_138 = arith.shrui %sub3A_135, %shift_right_logical3A_137 : vector<128x128xi32>
    %slice3A_139 = vector.extract_strided_slice %xor3A {offsets = [0, 384], sizes = [1, 1664], strides = [1, 1]} : vector<1x2048xi32> to vector<1x1664xi32>
    %sub3A_140 = vector.broadcast %sub3A_123 : vector<128x1xi32> to vector<128x1664xi32>
    %sub3A_141 = vector.broadcast %slice3A_139 : vector<1x1664xi32> to vector<128x1664xi32>
    %sub3A_142 = arith.subi %sub3A_140, %sub3A_141 : vector<128x1664xi32>
    %shift_right_logical3A_143 = arith.constant 31 : i32
    %shift_right_logical3A_144 = vector.broadcast %shift_right_logical3A_143 : i32 to vector<128x1664xi32>
    %shift_right_logical3A_145 = arith.shrui %sub3A_142, %shift_right_logical3A_144 : vector<128x1664xi32>
    %concatenate3A_146 = tpu.concatenate %shift_right_logical3A_130, %shift_right_logical3A_138, %shift_right_logical3A_145 in 1 : vector<128x256xi32>, vector<128x128xi32>, vector<128x1664xi32> -> vector<128x2048xi32>
    %add3A_147 = arith.addi %add3A_91, %concatenate3A_146 : vector<128x2048xi32>
    %slice3A_148 = vector.extract_strided_slice %transpose3A {offsets = [0, 3], sizes = [128, 1], strides = [1, 1]} : vector<128x16xi32> to vector<128x1xi32>
    %sub3A_149 = arith.constant 1 : i32
    %sub3A_150 = vector.broadcast %sub3A_149 : i32 to vector<128x1xi32>
    %sub3A_151 = arith.subi %slice3A_148, %sub3A_150 : vector<128x1xi32>
    %slice3A_152 = vector.extract_strided_slice %xor3A {offsets = [0, 0], sizes = [1, 384], strides = [1, 1]} : vector<1x2048xi32> to vector<1x384xi32>
    %sub3A_153 = vector.broadcast %slice3A_148 : vector<128x1xi32> to vector<128x384xi32>
    %sub3A_154 = vector.broadcast %slice3A_152 : vector<1x384xi32> to vector<128x384xi32>
    %sub3A_155 = arith.subi %sub3A_153, %sub3A_154 : vector<128x384xi32>
    %shift_right_logical3A_156 = arith.constant 31 : i32
    %shift_right_logical3A_157 = vector.broadcast %shift_right_logical3A_156 : i32 to vector<128x384xi32>
    %shift_right_logical3A_158 = arith.shrui %sub3A_155, %shift_right_logical3A_157 : vector<128x384xi32>
    %slice3A_159 = vector.extract_strided_slice %xor3A {offsets = [0, 384], sizes = [1, 128], strides = [1, 1]} : vector<1x2048xi32> to vector<1x128xi32>
    %sub3A_160 = vector.broadcast %slice3A_148 : vector<128x1xi32> to vector<128x128xi32>
    %sub3A_161 = vector.broadcast %slice3A_159 : vector<1x128xi32> to vector<128x128xi32>
    %sub3A_162 = arith.subi %sub3A_160, %sub3A_161 : vector<128x128xi32>
    %sub3A_163 = arith.subi %sub3A_162, %get3A_1 : vector<128x128xi32>
    %shift_right_logical3A_164 = arith.constant 31 : i32
    %shift_right_logical3A_165 = vector.broadcast %shift_right_logical3A_164 : i32 to vector<128x128xi32>
    %shift_right_logical3A_166 = arith.shrui %sub3A_163, %shift_right_logical3A_165 : vector<128x128xi32>
    %slice3A_167 = vector.extract_strided_slice %xor3A {offsets = [0, 512], sizes = [1, 1536], strides = [1, 1]} : vector<1x2048xi32> to vector<1x1536xi32>
    %sub3A_168 = vector.broadcast %sub3A_151 : vector<128x1xi32> to vector<128x1536xi32>
    %sub3A_169 = vector.broadcast %slice3A_167 : vector<1x1536xi32> to vector<128x1536xi32>
    %sub3A_170 = arith.subi %sub3A_168, %sub3A_169 : vector<128x1536xi32>
    %shift_right_logical3A_171 = arith.constant 31 : i32
    %shift_right_logical3A_172 = vector.broadcast %shift_right_logical3A_171 : i32 to vector<128x1536xi32>
    %shift_right_logical3A_173 = arith.shrui %sub3A_170, %shift_right_logical3A_172 : vector<128x1536xi32>
    %concatenate3A_174 = tpu.concatenate %shift_right_logical3A_158, %shift_right_logical3A_166, %shift_right_logical3A_173 in 1 : vector<128x384xi32>, vector<128x128xi32>, vector<128x1536xi32> -> vector<128x2048xi32>
    %add3A_175 = arith.addi %add3A_119, %concatenate3A_174 : vector<128x2048xi32>
    %slice3A_176 = vector.extract_strided_slice %transpose3A {offsets = [0, 4], sizes = [128, 1], strides = [1, 1]} : vector<128x16xi32> to vector<128x1xi32>
    %sub3A_177 = arith.constant 1 : i32
    %sub3A_178 = vector.broadcast %sub3A_177 : i32 to vector<128x1xi32>
    %sub3A_179 = arith.subi %slice3A_176, %sub3A_178 : vector<128x1xi32>
    %slice3A_180 = vector.extract_strided_slice %xor3A {offsets = [0, 0], sizes = [1, 512], strides = [1, 1]} : vector<1x2048xi32> to vector<1x512xi32>
    %sub3A_181 = vector.broadcast %slice3A_176 : vector<128x1xi32> to vector<128x512xi32>
    %sub3A_182 = vector.broadcast %slice3A_180 : vector<1x512xi32> to vector<128x512xi32>
    %sub3A_183 = arith.subi %sub3A_181, %sub3A_182 : vector<128x512xi32>
    %shift_right_logical3A_184 = arith.constant 31 : i32
    %shift_right_logical3A_185 = vector.broadcast %shift_right_logical3A_184 : i32 to vector<128x512xi32>
    %shift_right_logical3A_186 = arith.shrui %sub3A_183, %shift_right_logical3A_185 : vector<128x512xi32>
    %slice3A_187 = vector.extract_strided_slice %xor3A {offsets = [0, 512], sizes = [1, 128], strides = [1, 1]} : vector<1x2048xi32> to vector<1x128xi32>
    %sub3A_188 = vector.broadcast %slice3A_176 : vector<128x1xi32> to vector<128x128xi32>
    %sub3A_189 = vector.broadcast %slice3A_187 : vector<1x128xi32> to vector<128x128xi32>
    %sub3A_190 = arith.subi %sub3A_188, %sub3A_189 : vector<128x128xi32>
    %sub3A_191 = arith.subi %sub3A_190, %get3A_1 : vector<128x128xi32>
    %shift_right_logical3A_192 = arith.constant 31 : i32
    %shift_right_logical3A_193 = vector.broadcast %shift_right_logical3A_192 : i32 to vector<128x128xi32>
    %shift_right_logical3A_194 = arith.shrui %sub3A_191, %shift_right_logical3A_193 : vector<128x128xi32>
    %slice3A_195 = vector.extract_strided_slice %xor3A {offsets = [0, 640], sizes = [1, 1408], strides = [1, 1]} : vector<1x2048xi32> to vector<1x1408xi32>
    %sub3A_196 = vector.broadcast %sub3A_179 : vector<128x1xi32> to vector<128x1408xi32>
    %sub3A_197 = vector.broadcast %slice3A_195 : vector<1x1408xi32> to vector<128x1408xi32>
    %sub3A_198 = arith.subi %sub3A_196, %sub3A_197 : vector<128x1408xi32>
    %shift_right_logical3A_199 = arith.constant 31 : i32
    %shift_right_logical3A_200 = vector.broadcast %shift_right_logical3A_199 : i32 to vector<128x1408xi32>
    %shift_right_logical3A_201 = arith.shrui %sub3A_198, %shift_right_logical3A_200 : vector<128x1408xi32>
    %concatenate3A_202 = tpu.concatenate %shift_right_logical3A_186, %shift_right_logical3A_194, %shift_right_logical3A_201 in 1 : vector<128x512xi32>, vector<128x128xi32>, vector<128x1408xi32> -> vector<128x2048xi32>
    %add3A_203 = arith.addi %add3A_147, %concatenate3A_202 : vector<128x2048xi32>
    %slice3A_204 = vector.extract_strided_slice %transpose3A {offsets = [0, 5], sizes = [128, 1], strides = [1, 1]} : vector<128x16xi32> to vector<128x1xi32>
    %sub3A_205 = arith.constant 1 : i32
    %sub3A_206 = vector.broadcast %sub3A_205 : i32 to vector<128x1xi32>
    %sub3A_207 = arith.subi %slice3A_204, %sub3A_206 : vector<128x1xi32>
    %slice3A_208 = vector.extract_strided_slice %xor3A {offsets = [0, 0], sizes = [1, 640], strides = [1, 1]} : vector<1x2048xi32> to vector<1x640xi32>
    %sub3A_209 = vector.broadcast %slice3A_204 : vector<128x1xi32> to vector<128x640xi32>
    %sub3A_210 = vector.broadcast %slice3A_208 : vector<1x640xi32> to vector<128x640xi32>
    %sub3A_211 = arith.subi %sub3A_209, %sub3A_210 : vector<128x640xi32>
    %shift_right_logical3A_212 = arith.constant 31 : i32
    %shift_right_logical3A_213 = vector.broadcast %shift_right_logical3A_212 : i32 to vector<128x640xi32>
    %shift_right_logical3A_214 = arith.shrui %sub3A_211, %shift_right_logical3A_213 : vector<128x640xi32>
    %slice3A_215 = vector.extract_strided_slice %xor3A {offsets = [0, 640], sizes = [1, 128], strides = [1, 1]} : vector<1x2048xi32> to vector<1x128xi32>
    %sub3A_216 = vector.broadcast %slice3A_204 : vector<128x1xi32> to vector<128x128xi32>
    %sub3A_217 = vector.broadcast %slice3A_215 : vector<1x128xi32> to vector<128x128xi32>
    %sub3A_218 = arith.subi %sub3A_216, %sub3A_217 : vector<128x128xi32>
    %sub3A_219 = arith.subi %sub3A_218, %get3A_1 : vector<128x128xi32>
    %shift_right_logical3A_220 = arith.constant 31 : i32
    %shift_right_logical3A_221 = vector.broadcast %shift_right_logical3A_220 : i32 to vector<128x128xi32>
    %shift_right_logical3A_222 = arith.shrui %sub3A_219, %shift_right_logical3A_221 : vector<128x128xi32>
    %slice3A_223 = vector.extract_strided_slice %xor3A {offsets = [0, 768], sizes = [1, 1280], strides = [1, 1]} : vector<1x2048xi32> to vector<1x1280xi32>
    %sub3A_224 = vector.broadcast %sub3A_207 : vector<128x1xi32> to vector<128x1280xi32>
    %sub3A_225 = vector.broadcast %slice3A_223 : vector<1x1280xi32> to vector<128x1280xi32>
    %sub3A_226 = arith.subi %sub3A_224, %sub3A_225 : vector<128x1280xi32>
    %shift_right_logical3A_227 = arith.constant 31 : i32
    %shift_right_logical3A_228 = vector.broadcast %shift_right_logical3A_227 : i32 to vector<128x1280xi32>
    %shift_right_logical3A_229 = arith.shrui %sub3A_226, %shift_right_logical3A_228 : vector<128x1280xi32>
    %concatenate3A_230 = tpu.concatenate %shift_right_logical3A_214, %shift_right_logical3A_222, %shift_right_logical3A_229 in 1 : vector<128x640xi32>, vector<128x128xi32>, vector<128x1280xi32> -> vector<128x2048xi32>
    %add3A_231 = arith.addi %add3A_175, %concatenate3A_230 : vector<128x2048xi32>
    %slice3A_232 = vector.extract_strided_slice %transpose3A {offsets = [0, 6], sizes = [128, 1], strides = [1, 1]} : vector<128x16xi32> to vector<128x1xi32>
    %sub3A_233 = arith.constant 1 : i32
    %sub3A_234 = vector.broadcast %sub3A_233 : i32 to vector<128x1xi32>
    %sub3A_235 = arith.subi %slice3A_232, %sub3A_234 : vector<128x1xi32>
    %slice3A_236 = vector.extract_strided_slice %xor3A {offsets = [0, 0], sizes = [1, 768], strides = [1, 1]} : vector<1x2048xi32> to vector<1x768xi32>
    %sub3A_237 = vector.broadcast %slice3A_232 : vector<128x1xi32> to vector<128x768xi32>
    %sub3A_238 = vector.broadcast %slice3A_236 : vector<1x768xi32> to vector<128x768xi32>
    %sub3A_239 = arith.subi %sub3A_237, %sub3A_238 : vector<128x768xi32>
    %shift_right_logical3A_240 = arith.constant 31 : i32
    %shift_right_logical3A_241 = vector.broadcast %shift_right_logical3A_240 : i32 to vector<128x768xi32>
    %shift_right_logical3A_242 = arith.shrui %sub3A_239, %shift_right_logical3A_241 : vector<128x768xi32>
    %slice3A_243 = vector.extract_strided_slice %xor3A {offsets = [0, 768], sizes = [1, 128], strides = [1, 1]} : vector<1x2048xi32> to vector<1x128xi32>
    %sub3A_244 = vector.broadcast %slice3A_232 : vector<128x1xi32> to vector<128x128xi32>
    %sub3A_245 = vector.broadcast %slice3A_243 : vector<1x128xi32> to vector<128x128xi32>
    %sub3A_246 = arith.subi %sub3A_244, %sub3A_245 : vector<128x128xi32>
    %sub3A_247 = arith.subi %sub3A_246, %get3A_1 : vector<128x128xi32>
    %shift_right_logical3A_248 = arith.constant 31 : i32
    %shift_right_logical3A_249 = vector.broadcast %shift_right_logical3A_248 : i32 to vector<128x128xi32>
    %shift_right_logical3A_250 = arith.shrui %sub3A_247, %shift_right_logical3A_249 : vector<128x128xi32>
    %slice3A_251 = vector.extract_strided_slice %xor3A {offsets = [0, 896], sizes = [1, 1152], strides = [1, 1]} : vector<1x2048xi32> to vector<1x1152xi32>
    %sub3A_252 = vector.broadcast %sub3A_235 : vector<128x1xi32> to vector<128x1152xi32>
    %sub3A_253 = vector.broadcast %slice3A_251 : vector<1x1152xi32> to vector<128x1152xi32>
    %sub3A_254 = arith.subi %sub3A_252, %sub3A_253 : vector<128x1152xi32>
    %shift_right_logical3A_255 = arith.constant 31 : i32
    %shift_right_logical3A_256 = vector.broadcast %shift_right_logical3A_255 : i32 to vector<128x1152xi32>
    %shift_right_logical3A_257 = arith.shrui %sub3A_254, %shift_right_logical3A_256 : vector<128x1152xi32>
    %concatenate3A_258 = tpu.concatenate %shift_right_logical3A_242, %shift_right_logical3A_250, %shift_right_logical3A_257 in 1 : vector<128x768xi32>, vector<128x128xi32>, vector<128x1152xi32> -> vector<128x2048xi32>
    %add3A_259 = arith.addi %add3A_203, %concatenate3A_258 : vector<128x2048xi32>
    %slice3A_260 = vector.extract_strided_slice %transpose3A {offsets = [0, 7], sizes = [128, 1], strides = [1, 1]} : vector<128x16xi32> to vector<128x1xi32>
    %sub3A_261 = arith.constant 1 : i32
    %sub3A_262 = vector.broadcast %sub3A_261 : i32 to vector<128x1xi32>
    %sub3A_263 = arith.subi %slice3A_260, %sub3A_262 : vector<128x1xi32>
    %slice3A_264 = vector.extract_strided_slice %xor3A {offsets = [0, 0], sizes = [1, 896], strides = [1, 1]} : vector<1x2048xi32> to vector<1x896xi32>
    %sub3A_265 = vector.broadcast %slice3A_260 : vector<128x1xi32> to vector<128x896xi32>
    %sub3A_266 = vector.broadcast %slice3A_264 : vector<1x896xi32> to vector<128x896xi32>
    %sub3A_267 = arith.subi %sub3A_265, %sub3A_266 : vector<128x896xi32>
    %shift_right_logical3A_268 = arith.constant 31 : i32
    %shift_right_logical3A_269 = vector.broadcast %shift_right_logical3A_268 : i32 to vector<128x896xi32>
    %shift_right_logical3A_270 = arith.shrui %sub3A_267, %shift_right_logical3A_269 : vector<128x896xi32>
    %slice3A_271 = vector.extract_strided_slice %xor3A {offsets = [0, 896], sizes = [1, 128], strides = [1, 1]} : vector<1x2048xi32> to vector<1x128xi32>
    %sub3A_272 = vector.broadcast %slice3A_260 : vector<128x1xi32> to vector<128x128xi32>
    %sub3A_273 = vector.broadcast %slice3A_271 : vector<1x128xi32> to vector<128x128xi32>
    %sub3A_274 = arith.subi %sub3A_272, %sub3A_273 : vector<128x128xi32>
    %sub3A_275 = arith.subi %sub3A_274, %get3A_1 : vector<128x128xi32>
    %shift_right_logical3A_276 = arith.constant 31 : i32
    %shift_right_logical3A_277 = vector.broadcast %shift_right_logical3A_276 : i32 to vector<128x128xi32>
    %shift_right_logical3A_278 = arith.shrui %sub3A_275, %shift_right_logical3A_277 : vector<128x128xi32>
    %slice3A_279 = vector.extract_strided_slice %xor3A {offsets = [0, 1024], sizes = [1, 1024], strides = [1, 1]} : vector<1x2048xi32> to vector<1x1024xi32>
    %sub3A_280 = vector.broadcast %sub3A_263 : vector<128x1xi32> to vector<128x1024xi32>
    %sub3A_281 = vector.broadcast %slice3A_279 : vector<1x1024xi32> to vector<128x1024xi32>
    %sub3A_282 = arith.subi %sub3A_280, %sub3A_281 : vector<128x1024xi32>
    %shift_right_logical3A_283 = arith.constant 31 : i32
    %shift_right_logical3A_284 = vector.broadcast %shift_right_logical3A_283 : i32 to vector<128x1024xi32>
    %shift_right_logical3A_285 = arith.shrui %sub3A_282, %shift_right_logical3A_284 : vector<128x1024xi32>
    %concatenate3A_286 = tpu.concatenate %shift_right_logical3A_270, %shift_right_logical3A_278, %shift_right_logical3A_285 in 1 : vector<128x896xi32>, vector<128x128xi32>, vector<128x1024xi32> -> vector<128x2048xi32>
    %add3A_287 = arith.addi %add3A_231, %concatenate3A_286 : vector<128x2048xi32>
    %slice3A_288 = vector.extract_strided_slice %transpose3A {offsets = [0, 8], sizes = [128, 1], strides = [1, 1]} : vector<128x16xi32> to vector<128x1xi32>
    %sub3A_289 = arith.constant 1 : i32
    %sub3A_290 = vector.broadcast %sub3A_289 : i32 to vector<128x1xi32>
    %sub3A_291 = arith.subi %slice3A_288, %sub3A_290 : vector<128x1xi32>
    %slice3A_292 = vector.extract_strided_slice %xor3A {offsets = [0, 0], sizes = [1, 1024], strides = [1, 1]} : vector<1x2048xi32> to vector<1x1024xi32>
    %sub3A_293 = vector.broadcast %slice3A_288 : vector<128x1xi32> to vector<128x1024xi32>
    %sub3A_294 = vector.broadcast %slice3A_292 : vector<1x1024xi32> to vector<128x1024xi32>
    %sub3A_295 = arith.subi %sub3A_293, %sub3A_294 : vector<128x1024xi32>
    %shift_right_logical3A_296 = arith.constant 31 : i32
    %shift_right_logical3A_297 = vector.broadcast %shift_right_logical3A_296 : i32 to vector<128x1024xi32>
    %shift_right_logical3A_298 = arith.shrui %sub3A_295, %shift_right_logical3A_297 : vector<128x1024xi32>
    %slice3A_299 = vector.extract_strided_slice %xor3A {offsets = [0, 1024], sizes = [1, 128], strides = [1, 1]} : vector<1x2048xi32> to vector<1x128xi32>
    %sub3A_300 = vector.broadcast %slice3A_288 : vector<128x1xi32> to vector<128x128xi32>
    %sub3A_301 = vector.broadcast %slice3A_299 : vector<1x128xi32> to vector<128x128xi32>
    %sub3A_302 = arith.subi %sub3A_300, %sub3A_301 : vector<128x128xi32>
    %sub3A_303 = arith.subi %sub3A_302, %get3A_1 : vector<128x128xi32>
    %shift_right_logical3A_304 = arith.constant 31 : i32
    %shift_right_logical3A_305 = vector.broadcast %shift_right_logical3A_304 : i32 to vector<128x128xi32>
    %shift_right_logical3A_306 = arith.shrui %sub3A_303, %shift_right_logical3A_305 : vector<128x128xi32>
    %slice3A_307 = vector.extract_strided_slice %xor3A {offsets = [0, 1152], sizes = [1, 896], strides = [1, 1]} : vector<1x2048xi32> to vector<1x896xi32>
    %sub3A_308 = vector.broadcast %sub3A_291 : vector<128x1xi32> to vector<128x896xi32>
    %sub3A_309 = vector.broadcast %slice3A_307 : vector<1x896xi32> to vector<128x896xi32>
    %sub3A_310 = arith.subi %sub3A_308, %sub3A_309 : vector<128x896xi32>
    %shift_right_logical3A_311 = arith.constant 31 : i32
    %shift_right_logical3A_312 = vector.broadcast %shift_right_logical3A_311 : i32 to vector<128x896xi32>
    %shift_right_logical3A_313 = arith.shrui %sub3A_310, %shift_right_logical3A_312 : vector<128x896xi32>
    %concatenate3A_314 = tpu.concatenate %shift_right_logical3A_298, %shift_right_logical3A_306, %shift_right_logical3A_313 in 1 : vector<128x1024xi32>, vector<128x128xi32>, vector<128x896xi32> -> vector<128x2048xi32>
    %add3A_315 = arith.addi %add3A_259, %concatenate3A_314 : vector<128x2048xi32>
    %slice3A_316 = vector.extract_strided_slice %transpose3A {offsets = [0, 9], sizes = [128, 1], strides = [1, 1]} : vector<128x16xi32> to vector<128x1xi32>
    %sub3A_317 = arith.constant 1 : i32
    %sub3A_318 = vector.broadcast %sub3A_317 : i32 to vector<128x1xi32>
    %sub3A_319 = arith.subi %slice3A_316, %sub3A_318 : vector<128x1xi32>
    %slice3A_320 = vector.extract_strided_slice %xor3A {offsets = [0, 0], sizes = [1, 1152], strides = [1, 1]} : vector<1x2048xi32> to vector<1x1152xi32>
    %sub3A_321 = vector.broadcast %slice3A_316 : vector<128x1xi32> to vector<128x1152xi32>
    %sub3A_322 = vector.broadcast %slice3A_320 : vector<1x1152xi32> to vector<128x1152xi32>
    %sub3A_323 = arith.subi %sub3A_321, %sub3A_322 : vector<128x1152xi32>
    %shift_right_logical3A_324 = arith.constant 31 : i32
    %shift_right_logical3A_325 = vector.broadcast %shift_right_logical3A_324 : i32 to vector<128x1152xi32>
    %shift_right_logical3A_326 = arith.shrui %sub3A_323, %shift_right_logical3A_325 : vector<128x1152xi32>
    %slice3A_327 = vector.extract_strided_slice %xor3A {offsets = [0, 1152], sizes = [1, 128], strides = [1, 1]} : vector<1x2048xi32> to vector<1x128xi32>
    %sub3A_328 = vector.broadcast %slice3A_316 : vector<128x1xi32> to vector<128x128xi32>
    %sub3A_329 = vector.broadcast %slice3A_327 : vector<1x128xi32> to vector<128x128xi32>
    %sub3A_330 = arith.subi %sub3A_328, %sub3A_329 : vector<128x128xi32>
    %sub3A_331 = arith.subi %sub3A_330, %get3A_1 : vector<128x128xi32>
    %shift_right_logical3A_332 = arith.constant 31 : i32
    %shift_right_logical3A_333 = vector.broadcast %shift_right_logical3A_332 : i32 to vector<128x128xi32>
    %shift_right_logical3A_334 = arith.shrui %sub3A_331, %shift_right_logical3A_333 : vector<128x128xi32>
    %slice3A_335 = vector.extract_strided_slice %xor3A {offsets = [0, 1280], sizes = [1, 768], strides = [1, 1]} : vector<1x2048xi32> to vector<1x768xi32>
    %sub3A_336 = vector.broadcast %sub3A_319 : vector<128x1xi32> to vector<128x768xi32>
    %sub3A_337 = vector.broadcast %slice3A_335 : vector<1x768xi32> to vector<128x768xi32>
    %sub3A_338 = arith.subi %sub3A_336, %sub3A_337 : vector<128x768xi32>
    %shift_right_logical3A_339 = arith.constant 31 : i32
    %shift_right_logical3A_340 = vector.broadcast %shift_right_logical3A_339 : i32 to vector<128x768xi32>
    %shift_right_logical3A_341 = arith.shrui %sub3A_338, %shift_right_logical3A_340 : vector<128x768xi32>
    %concatenate3A_342 = tpu.concatenate %shift_right_logical3A_326, %shift_right_logical3A_334, %shift_right_logical3A_341 in 1 : vector<128x1152xi32>, vector<128x128xi32>, vector<128x768xi32> -> vector<128x2048xi32>
    %add3A_343 = arith.addi %add3A_287, %concatenate3A_342 : vector<128x2048xi32>
    %slice3A_344 = vector.extract_strided_slice %transpose3A {offsets = [0, 10], sizes = [128, 1], strides = [1, 1]} : vector<128x16xi32> to vector<128x1xi32>
    %sub3A_345 = arith.constant 1 : i32
    %sub3A_346 = vector.broadcast %sub3A_345 : i32 to vector<128x1xi32>
    %sub3A_347 = arith.subi %slice3A_344, %sub3A_346 : vector<128x1xi32>
    %slice3A_348 = vector.extract_strided_slice %xor3A {offsets = [0, 0], sizes = [1, 1280], strides = [1, 1]} : vector<1x2048xi32> to vector<1x1280xi32>
    %sub3A_349 = vector.broadcast %slice3A_344 : vector<128x1xi32> to vector<128x1280xi32>
    %sub3A_350 = vector.broadcast %slice3A_348 : vector<1x1280xi32> to vector<128x1280xi32>
    %sub3A_351 = arith.subi %sub3A_349, %sub3A_350 : vector<128x1280xi32>
    %shift_right_logical3A_352 = arith.constant 31 : i32
    %shift_right_logical3A_353 = vector.broadcast %shift_right_logical3A_352 : i32 to vector<128x1280xi32>
    %shift_right_logical3A_354 = arith.shrui %sub3A_351, %shift_right_logical3A_353 : vector<128x1280xi32>
    %slice3A_355 = vector.extract_strided_slice %xor3A {offsets = [0, 1280], sizes = [1, 128], strides = [1, 1]} : vector<1x2048xi32> to vector<1x128xi32>
    %sub3A_356 = vector.broadcast %slice3A_344 : vector<128x1xi32> to vector<128x128xi32>
    %sub3A_357 = vector.broadcast %slice3A_355 : vector<1x128xi32> to vector<128x128xi32>
    %sub3A_358 = arith.subi %sub3A_356, %sub3A_357 : vector<128x128xi32>
    %sub3A_359 = arith.subi %sub3A_358, %get3A_1 : vector<128x128xi32>
    %shift_right_logical3A_360 = arith.constant 31 : i32
    %shift_right_logical3A_361 = vector.broadcast %shift_right_logical3A_360 : i32 to vector<128x128xi32>
    %shift_right_logical3A_362 = arith.shrui %sub3A_359, %shift_right_logical3A_361 : vector<128x128xi32>
    %slice3A_363 = vector.extract_strided_slice %xor3A {offsets = [0, 1408], sizes = [1, 640], strides = [1, 1]} : vector<1x2048xi32> to vector<1x640xi32>
    %sub3A_364 = vector.broadcast %sub3A_347 : vector<128x1xi32> to vector<128x640xi32>
    %sub3A_365 = vector.broadcast %slice3A_363 : vector<1x640xi32> to vector<128x640xi32>
    %sub3A_366 = arith.subi %sub3A_364, %sub3A_365 : vector<128x640xi32>
    %shift_right_logical3A_367 = arith.constant 31 : i32
    %shift_right_logical3A_368 = vector.broadcast %shift_right_logical3A_367 : i32 to vector<128x640xi32>
    %shift_right_logical3A_369 = arith.shrui %sub3A_366, %shift_right_logical3A_368 : vector<128x640xi32>
    %concatenate3A_370 = tpu.concatenate %shift_right_logical3A_354, %shift_right_logical3A_362, %shift_right_logical3A_369 in 1 : vector<128x1280xi32>, vector<128x128xi32>, vector<128x640xi32> -> vector<128x2048xi32>
    %add3A_371 = arith.addi %add3A_315, %concatenate3A_370 : vector<128x2048xi32>
    %slice3A_372 = vector.extract_strided_slice %transpose3A {offsets = [0, 11], sizes = [128, 1], strides = [1, 1]} : vector<128x16xi32> to vector<128x1xi32>
    %sub3A_373 = arith.constant 1 : i32
    %sub3A_374 = vector.broadcast %sub3A_373 : i32 to vector<128x1xi32>
    %sub3A_375 = arith.subi %slice3A_372, %sub3A_374 : vector<128x1xi32>
    %slice3A_376 = vector.extract_strided_slice %xor3A {offsets = [0, 0], sizes = [1, 1408], strides = [1, 1]} : vector<1x2048xi32> to vector<1x1408xi32>
    %sub3A_377 = vector.broadcast %slice3A_372 : vector<128x1xi32> to vector<128x1408xi32>
    %sub3A_378 = vector.broadcast %slice3A_376 : vector<1x1408xi32> to vector<128x1408xi32>
    %sub3A_379 = arith.subi %sub3A_377, %sub3A_378 : vector<128x1408xi32>
    %shift_right_logical3A_380 = arith.constant 31 : i32
    %shift_right_logical3A_381 = vector.broadcast %shift_right_logical3A_380 : i32 to vector<128x1408xi32>
    %shift_right_logical3A_382 = arith.shrui %sub3A_379, %shift_right_logical3A_381 : vector<128x1408xi32>
    %slice3A_383 = vector.extract_strided_slice %xor3A {offsets = [0, 1408], sizes = [1, 128], strides = [1, 1]} : vector<1x2048xi32> to vector<1x128xi32>
    %sub3A_384 = vector.broadcast %slice3A_372 : vector<128x1xi32> to vector<128x128xi32>
    %sub3A_385 = vector.broadcast %slice3A_383 : vector<1x128xi32> to vector<128x128xi32>
    %sub3A_386 = arith.subi %sub3A_384, %sub3A_385 : vector<128x128xi32>
    %sub3A_387 = arith.subi %sub3A_386, %get3A_1 : vector<128x128xi32>
    %shift_right_logical3A_388 = arith.constant 31 : i32
    %shift_right_logical3A_389 = vector.broadcast %shift_right_logical3A_388 : i32 to vector<128x128xi32>
    %shift_right_logical3A_390 = arith.shrui %sub3A_387, %shift_right_logical3A_389 : vector<128x128xi32>
    %slice3A_391 = vector.extract_strided_slice %xor3A {offsets = [0, 1536], sizes = [1, 512], strides = [1, 1]} : vector<1x2048xi32> to vector<1x512xi32>
    %sub3A_392 = vector.broadcast %sub3A_375 : vector<128x1xi32> to vector<128x512xi32>
    %sub3A_393 = vector.broadcast %slice3A_391 : vector<1x512xi32> to vector<128x512xi32>
    %sub3A_394 = arith.subi %sub3A_392, %sub3A_393 : vector<128x512xi32>
    %shift_right_logical3A_395 = arith.constant 31 : i32
    %shift_right_logical3A_396 = vector.broadcast %shift_right_logical3A_395 : i32 to vector<128x512xi32>
    %shift_right_logical3A_397 = arith.shrui %sub3A_394, %shift_right_logical3A_396 : vector<128x512xi32>
    %concatenate3A_398 = tpu.concatenate %shift_right_logical3A_382, %shift_right_logical3A_390, %shift_right_logical3A_397 in 1 : vector<128x1408xi32>, vector<128x128xi32>, vector<128x512xi32> -> vector<128x2048xi32>
    %add3A_399 = arith.addi %add3A_343, %concatenate3A_398 : vector<128x2048xi32>
    %slice3A_400 = vector.extract_strided_slice %transpose3A {offsets = [0, 12], sizes = [128, 1], strides = [1, 1]} : vector<128x16xi32> to vector<128x1xi32>
    %sub3A_401 = arith.constant 1 : i32
    %sub3A_402 = vector.broadcast %sub3A_401 : i32 to vector<128x1xi32>
    %sub3A_403 = arith.subi %slice3A_400, %sub3A_402 : vector<128x1xi32>
    %slice3A_404 = vector.extract_strided_slice %xor3A {offsets = [0, 0], sizes = [1, 1536], strides = [1, 1]} : vector<1x2048xi32> to vector<1x1536xi32>
    %sub3A_405 = vector.broadcast %slice3A_400 : vector<128x1xi32> to vector<128x1536xi32>
    %sub3A_406 = vector.broadcast %slice3A_404 : vector<1x1536xi32> to vector<128x1536xi32>
    %sub3A_407 = arith.subi %sub3A_405, %sub3A_406 : vector<128x1536xi32>
    %shift_right_logical3A_408 = arith.constant 31 : i32
    %shift_right_logical3A_409 = vector.broadcast %shift_right_logical3A_408 : i32 to vector<128x1536xi32>
    %shift_right_logical3A_410 = arith.shrui %sub3A_407, %shift_right_logical3A_409 : vector<128x1536xi32>
    %slice3A_411 = vector.extract_strided_slice %xor3A {offsets = [0, 1536], sizes = [1, 128], strides = [1, 1]} : vector<1x2048xi32> to vector<1x128xi32>
    %sub3A_412 = vector.broadcast %slice3A_400 : vector<128x1xi32> to vector<128x128xi32>
    %sub3A_413 = vector.broadcast %slice3A_411 : vector<1x128xi32> to vector<128x128xi32>
    %sub3A_414 = arith.subi %sub3A_412, %sub3A_413 : vector<128x128xi32>
    %sub3A_415 = arith.subi %sub3A_414, %get3A_1 : vector<128x128xi32>
    %shift_right_logical3A_416 = arith.constant 31 : i32
    %shift_right_logical3A_417 = vector.broadcast %shift_right_logical3A_416 : i32 to vector<128x128xi32>
    %shift_right_logical3A_418 = arith.shrui %sub3A_415, %shift_right_logical3A_417 : vector<128x128xi32>
    %slice3A_419 = vector.extract_strided_slice %xor3A {offsets = [0, 1664], sizes = [1, 384], strides = [1, 1]} : vector<1x2048xi32> to vector<1x384xi32>
    %sub3A_420 = vector.broadcast %sub3A_403 : vector<128x1xi32> to vector<128x384xi32>
    %sub3A_421 = vector.broadcast %slice3A_419 : vector<1x384xi32> to vector<128x384xi32>
    %sub3A_422 = arith.subi %sub3A_420, %sub3A_421 : vector<128x384xi32>
    %shift_right_logical3A_423 = arith.constant 31 : i32
    %shift_right_logical3A_424 = vector.broadcast %shift_right_logical3A_423 : i32 to vector<128x384xi32>
    %shift_right_logical3A_425 = arith.shrui %sub3A_422, %shift_right_logical3A_424 : vector<128x384xi32>
    %concatenate3A_426 = tpu.concatenate %shift_right_logical3A_410, %shift_right_logical3A_418, %shift_right_logical3A_425 in 1 : vector<128x1536xi32>, vector<128x128xi32>, vector<128x384xi32> -> vector<128x2048xi32>
    %add3A_427 = arith.addi %add3A_371, %concatenate3A_426 : vector<128x2048xi32>
    %slice3A_428 = vector.extract_strided_slice %transpose3A {offsets = [0, 13], sizes = [128, 1], strides = [1, 1]} : vector<128x16xi32> to vector<128x1xi32>
    %sub3A_429 = arith.constant 1 : i32
    %sub3A_430 = vector.broadcast %sub3A_429 : i32 to vector<128x1xi32>
    %sub3A_431 = arith.subi %slice3A_428, %sub3A_430 : vector<128x1xi32>
    %slice3A_432 = vector.extract_strided_slice %xor3A {offsets = [0, 0], sizes = [1, 1664], strides = [1, 1]} : vector<1x2048xi32> to vector<1x1664xi32>
    %sub3A_433 = vector.broadcast %slice3A_428 : vector<128x1xi32> to vector<128x1664xi32>
    %sub3A_434 = vector.broadcast %slice3A_432 : vector<1x1664xi32> to vector<128x1664xi32>
    %sub3A_435 = arith.subi %sub3A_433, %sub3A_434 : vector<128x1664xi32>
    %shift_right_logical3A_436 = arith.constant 31 : i32
    %shift_right_logical3A_437 = vector.broadcast %shift_right_logical3A_436 : i32 to vector<128x1664xi32>
    %shift_right_logical3A_438 = arith.shrui %sub3A_435, %shift_right_logical3A_437 : vector<128x1664xi32>
    %slice3A_439 = vector.extract_strided_slice %xor3A {offsets = [0, 1664], sizes = [1, 128], strides = [1, 1]} : vector<1x2048xi32> to vector<1x128xi32>
    %sub3A_440 = vector.broadcast %slice3A_428 : vector<128x1xi32> to vector<128x128xi32>
    %sub3A_441 = vector.broadcast %slice3A_439 : vector<1x128xi32> to vector<128x128xi32>
    %sub3A_442 = arith.subi %sub3A_440, %sub3A_441 : vector<128x128xi32>
    %sub3A_443 = arith.subi %sub3A_442, %get3A_1 : vector<128x128xi32>
    %shift_right_logical3A_444 = arith.constant 31 : i32
    %shift_right_logical3A_445 = vector.broadcast %shift_right_logical3A_444 : i32 to vector<128x128xi32>
    %shift_right_logical3A_446 = arith.shrui %sub3A_443, %shift_right_logical3A_445 : vector<128x128xi32>
    %slice3A_447 = vector.extract_strided_slice %xor3A {offsets = [0, 1792], sizes = [1, 256], strides = [1, 1]} : vector<1x2048xi32> to vector<1x256xi32>
    %sub3A_448 = vector.broadcast %sub3A_431 : vector<128x1xi32> to vector<128x256xi32>
    %sub3A_449 = vector.broadcast %slice3A_447 : vector<1x256xi32> to vector<128x256xi32>
    %sub3A_450 = arith.subi %sub3A_448, %sub3A_449 : vector<128x256xi32>
    %shift_right_logical3A_451 = arith.constant 31 : i32
    %shift_right_logical3A_452 = vector.broadcast %shift_right_logical3A_451 : i32 to vector<128x256xi32>
    %shift_right_logical3A_453 = arith.shrui %sub3A_450, %shift_right_logical3A_452 : vector<128x256xi32>
    %concatenate3A_454 = tpu.concatenate %shift_right_logical3A_438, %shift_right_logical3A_446, %shift_right_logical3A_453 in 1 : vector<128x1664xi32>, vector<128x128xi32>, vector<128x256xi32> -> vector<128x2048xi32>
    %add3A_455 = arith.addi %add3A_399, %concatenate3A_454 : vector<128x2048xi32>
    %slice3A_456 = vector.extract_strided_slice %transpose3A {offsets = [0, 14], sizes = [128, 1], strides = [1, 1]} : vector<128x16xi32> to vector<128x1xi32>
    %sub3A_457 = arith.constant 1 : i32
    %sub3A_458 = vector.broadcast %sub3A_457 : i32 to vector<128x1xi32>
    %sub3A_459 = arith.subi %slice3A_456, %sub3A_458 : vector<128x1xi32>
    %slice3A_460 = vector.extract_strided_slice %xor3A {offsets = [0, 0], sizes = [1, 1792], strides = [1, 1]} : vector<1x2048xi32> to vector<1x1792xi32>
    %sub3A_461 = vector.broadcast %slice3A_456 : vector<128x1xi32> to vector<128x1792xi32>
    %sub3A_462 = vector.broadcast %slice3A_460 : vector<1x1792xi32> to vector<128x1792xi32>
    %sub3A_463 = arith.subi %sub3A_461, %sub3A_462 : vector<128x1792xi32>
    %shift_right_logical3A_464 = arith.constant 31 : i32
    %shift_right_logical3A_465 = vector.broadcast %shift_right_logical3A_464 : i32 to vector<128x1792xi32>
    %shift_right_logical3A_466 = arith.shrui %sub3A_463, %shift_right_logical3A_465 : vector<128x1792xi32>
    %slice3A_467 = vector.extract_strided_slice %xor3A {offsets = [0, 1792], sizes = [1, 128], strides = [1, 1]} : vector<1x2048xi32> to vector<1x128xi32>
    %sub3A_468 = vector.broadcast %slice3A_456 : vector<128x1xi32> to vector<128x128xi32>
    %sub3A_469 = vector.broadcast %slice3A_467 : vector<1x128xi32> to vector<128x128xi32>
    %sub3A_470 = arith.subi %sub3A_468, %sub3A_469 : vector<128x128xi32>
    %sub3A_471 = arith.subi %sub3A_470, %get3A_1 : vector<128x128xi32>
    %shift_right_logical3A_472 = arith.constant 31 : i32
    %shift_right_logical3A_473 = vector.broadcast %shift_right_logical3A_472 : i32 to vector<128x128xi32>
    %shift_right_logical3A_474 = arith.shrui %sub3A_471, %shift_right_logical3A_473 : vector<128x128xi32>
    %slice3A_475 = vector.extract_strided_slice %xor3A {offsets = [0, 1920], sizes = [1, 128], strides = [1, 1]} : vector<1x2048xi32> to vector<1x128xi32>
    %sub3A_476 = vector.broadcast %sub3A_459 : vector<128x1xi32> to vector<128x128xi32>
    %sub3A_477 = vector.broadcast %slice3A_475 : vector<1x128xi32> to vector<128x128xi32>
    %sub3A_478 = arith.subi %sub3A_476, %sub3A_477 : vector<128x128xi32>
    %shift_right_logical3A_479 = arith.constant 31 : i32
    %shift_right_logical3A_480 = vector.broadcast %shift_right_logical3A_479 : i32 to vector<128x128xi32>
    %shift_right_logical3A_481 = arith.shrui %sub3A_478, %shift_right_logical3A_480 : vector<128x128xi32>
    %concatenate3A_482 = tpu.concatenate %shift_right_logical3A_466, %shift_right_logical3A_474, %shift_right_logical3A_481 in 1 : vector<128x1792xi32>, vector<128x128xi32>, vector<128x128xi32> -> vector<128x2048xi32>
    %add3A_483 = arith.addi %add3A_427, %concatenate3A_482 : vector<128x2048xi32>
    %slice3A_484 = vector.extract_strided_slice %transpose3A {offsets = [0, 15], sizes = [128, 1], strides = [1, 1]} : vector<128x16xi32> to vector<128x1xi32>
    %slice3A_485 = vector.extract_strided_slice %xor3A {offsets = [0, 0], sizes = [1, 1920], strides = [1, 1]} : vector<1x2048xi32> to vector<1x1920xi32>
    %sub3A_486 = vector.broadcast %slice3A_484 : vector<128x1xi32> to vector<128x1920xi32>
    %sub3A_487 = vector.broadcast %slice3A_485 : vector<1x1920xi32> to vector<128x1920xi32>
    %sub3A_488 = arith.subi %sub3A_486, %sub3A_487 : vector<128x1920xi32>
    %shift_right_logical3A_489 = arith.constant 31 : i32
    %shift_right_logical3A_490 = vector.broadcast %shift_right_logical3A_489 : i32 to vector<128x1920xi32>
    %shift_right_logical3A_491 = arith.shrui %sub3A_488, %shift_right_logical3A_490 : vector<128x1920xi32>
    %slice3A_492 = vector.extract_strided_slice %xor3A {offsets = [0, 1920], sizes = [1, 128], strides = [1, 1]} : vector<1x2048xi32> to vector<1x128xi32>
    %sub3A_493 = vector.broadcast %slice3A_484 : vector<128x1xi32> to vector<128x128xi32>
    %sub3A_494 = vector.broadcast %slice3A_492 : vector<1x128xi32> to vector<128x128xi32>
    %sub3A_495 = arith.subi %sub3A_493, %sub3A_494 : vector<128x128xi32>
    %sub3A_496 = arith.subi %sub3A_495, %get3A_1 : vector<128x128xi32>
    %shift_right_logical3A_497 = arith.constant 31 : i32
    %shift_right_logical3A_498 = vector.broadcast %shift_right_logical3A_497 : i32 to vector<128x128xi32>
    %shift_right_logical3A_499 = arith.shrui %sub3A_496, %shift_right_logical3A_498 : vector<128x128xi32>
    %concatenate3A_500 = tpu.concatenate %shift_right_logical3A_491, %shift_right_logical3A_499 in 1 : vector<128x1920xi32>, vector<128x128xi32> -> vector<128x2048xi32>
    %add3A_501 = arith.addi %add3A_455, %concatenate3A_500 : vector<128x2048xi32>
    %add3A_502 = arith.addi %add3A_483, %add3A_501 : vector<128x2048xi32>
    %reduce_sum3A = arith.constant dense<0> : vector<2048xi32>
    %reduce_sum3A_503 = vector.multi_reduction <add>, %add3A_502, %reduce_sum3A [0] : vector<128x2048xi32> to vector<2048xi32>
    %broadcast_in_dim3A_504 = vector.shape_cast %reduce_sum3A_503 : vector<2048xi32> to vector<1x2048xi32>
    %swap3A = arith.constant 0 : index
    %swap3A_505 = arith.constant 0 : index
    %swap3A_506 = arith.constant 0 : index
    %swap3A_507 = vector.load %arg11[%swap3A, %swap3A_505, %swap3A_506] : memref<4x1x2048xi32, #tpu.memory_space<vmem>>, vector<1x1x2048xi32>
    %swap3A_508 = vector.shape_cast %swap3A_507 : vector<1x1x2048xi32> to vector<1x2048xi32>
    %swap3A_509 = vector.shape_cast %broadcast_in_dim3A_504 : vector<1x2048xi32> to vector<1x1x2048xi32>
    tpu.vector_store %arg11[%swap3A, %swap3A_505, %swap3A_506], %swap3A_509 {strides = array<i32>} : memref<4x1x2048xi32, #tpu.memory_space<vmem>>, vector<1x1x2048xi32>,
    %get3A_510 = arith.constant 1 : index
    %get3A_511 = arith.constant 0 : index
    %get3A_512 = arith.constant 0 : index
    %get3A_513 = vector.load %arg2[%get3A_510, %get3A_511, %get3A_512] : memref<4x1x2048xf32, #tpu.memory_space<vmem>>, vector<1x1x2048xf32>
    %get3A_514 = vector.shape_cast %get3A_513 : vector<1x1x2048xf32> to vector<1x2048xf32>
    %get3A_515 = arith.constant 1 : index
    %get3A_516 = arith.constant 0 : index
    %get3A_517 = arith.constant 0 : index
    %get3A_518 = vector.load %arg3[%get3A_515, %get3A_516, %get3A_517] : memref<4x1x2048xf32, #tpu.memory_space<vmem>>, vector<1x1x2048xf32>
    %get3A_519 = vector.shape_cast %get3A_518 : vector<1x1x2048xf32> to vector<1x2048xf32>
    %get3A_520 = arith.constant 1 : index
    %get3A_521 = arith.constant 0 : index
    %get3A_522 = arith.constant 0 : index
    %get3A_523 = vector.load %arg4[%get3A_520, %get3A_521, %get3A_522] : memref<4x1x2048xf32, #tpu.memory_space<vmem>>, vector<1x1x2048xf32>
    %get3A_524 = vector.shape_cast %get3A_523 : vector<1x1x2048xf32> to vector<1x2048xf32>
    %get3A_525 = arith.constant 1 : index
    %get3A_526 = arith.constant 0 : index
    %get3A_527 = arith.constant 0 : index
    %get3A_528 = vector.load %arg5[%get3A_525, %get3A_526, %get3A_527] : memref<4x1x2048xf32, #tpu.memory_space<vmem>>, vector<1x1x2048xf32>
    %get3A_529 = vector.shape_cast %get3A_528 : vector<1x1x2048xf32> to vector<1x2048xf32>
    %gt3A_530 = arith.constant 0.000000e+00 : f32
    %gt3A_531 = vector.broadcast %gt3A_530 : f32 to vector<1x2048xf32>
    %gt3A_532 = arith.cmpf ogt, %get3A_524, %gt3A_531 : vector<1x2048xf32>
    %max3A_533 = arith.maximumf %get3A_514, %get3A_519 : vector<1x2048xf32>
    %select_n3A_534 = arith.select %gt3A_532, %max3A_533, %get3A_514 : vector<1x2048xi1>, vector<1x2048xf32>
    %jit3A_535 = arith.constant -1.000000e+00 : f32
    %jit3A_536 = arith.constant 1.000000e+00 : f32
    %max3A_537 = vector.broadcast %jit3A_535 : f32 to vector<1x2048xf32>
    %max3A_538 = arith.maximumf %max3A_537, %select_n3A_534 : vector<1x2048xf32>
    %min3A_539 = vector.broadcast %jit3A_536 : f32 to vector<1x2048xf32>
    %min3A_540 = arith.minimumf %min3A_539, %max3A_538 : vector<1x2048xf32>
    %add3A_541 = arith.addf %min3A_540, %get3A_529 : vector<1x2048xf32>
    %get3A_542 = arith.constant 1 : index
    %get3A_543 = arith.constant 0 : index
    %get3A_544 = arith.constant 0 : index
    %get3A_545 = vector.load %arg6[%get3A_542, %get3A_543, %get3A_544] : memref<4x16x128xf32, #tpu.memory_space<vmem>>, vector<1x16x128xf32>
    %get3A_546 = vector.shape_cast %get3A_545 : vector<1x16x128xf32> to vector<16x128xf32>
    %get3A_547 = arith.constant 1 : index
    %get3A_548 = arith.constant 0 : index
    %get3A_549 = arith.constant 0 : index
    %get3A_550 = vector.load %arg7[%get3A_547, %get3A_548, %get3A_549] : memref<4x16x128xf32, #tpu.memory_space<vmem>>, vector<1x16x128xf32>
    %get3A_551 = vector.shape_cast %get3A_550 : vector<1x16x128xf32> to vector<16x128xf32>
    %get3A_552 = arith.constant 1 : index
    %get3A_553 = arith.constant 0 : index
    %get3A_554 = arith.constant 0 : index
    %get3A_555 = vector.load %arg8[%get3A_552, %get3A_553, %get3A_554] : memref<4x16x128xf32, #tpu.memory_space<vmem>>, vector<1x16x128xf32>
    %get3A_556 = vector.shape_cast %get3A_555 : vector<1x16x128xf32> to vector<16x128xf32>
    %get3A_557 = arith.constant 1 : index
    %get3A_558 = arith.constant 0 : index
    %get3A_559 = arith.constant 0 : index
    %get3A_560 = vector.load %arg9[%get3A_557, %get3A_558, %get3A_559] : memref<4x16x128xf32, #tpu.memory_space<vmem>>, vector<1x16x128xf32>
    %get3A_561 = vector.shape_cast %get3A_560 : vector<1x16x128xf32> to vector<16x128xf32>
    %gt3A_562 = arith.constant 0.000000e+00 : f32
    %gt3A_563 = vector.broadcast %gt3A_562 : f32 to vector<16x128xf32>
    %gt3A_564 = arith.cmpf ogt, %get3A_556, %gt3A_563 : vector<16x128xf32>
    %max3A_565 = arith.maximumf %get3A_546, %get3A_551 : vector<16x128xf32>
    %select_n3A_566 = arith.select %gt3A_564, %max3A_565, %get3A_546 : vector<16x128xi1>, vector<16x128xf32>
    %jit3A_567 = arith.constant -1.000000e+00 : f32
    %jit3A_568 = arith.constant 1.000000e+00 : f32
    %max3A_569 = vector.broadcast %jit3A_567 : f32 to vector<16x128xf32>
    %max3A_570 = arith.maximumf %max3A_569, %select_n3A_566 : vector<16x128xf32>
    %min3A_571 = vector.broadcast %jit3A_568 : f32 to vector<16x128xf32>
    %min3A_572 = arith.minimumf %min3A_571, %max3A_570 : vector<16x128xf32>
    %add3A_573 = arith.addf %min3A_572, %get3A_561 : vector<16x128xf32>
    %bitcast_convert_type3A_574 = tpu.bitcast %add3A_541 : vector<1x2048xf32> -> vector<1x2048xi32>
    %shift_right_arithmetic3A_575 = arith.constant 31 : i32
    %shift_right_arithmetic3A_576 = vector.broadcast %shift_right_arithmetic3A_575 : i32 to vector<1x2048xi32>
    %shift_right_arithmetic3A_577 = arith.shrsi %bitcast_convert_type3A_574, %shift_right_arithmetic3A_576 : vector<1x2048xi32>
    %and3A_578 = arith.constant 2147483647 : i32
    %and3A_579 = vector.broadcast %and3A_578 : i32 to vector<1x2048xi32>
    %and3A_580 = arith.andi %shift_right_arithmetic3A_577, %and3A_579 : vector<1x2048xi32>
    %xor3A_581 = arith.xori %bitcast_convert_type3A_574, %and3A_580 : vector<1x2048xi32>
    %bitcast_convert_type3A_582 = tpu.bitcast %add3A_573 : vector<16x128xf32> -> vector<16x128xi32>
    %shift_right_arithmetic3A_583 = arith.constant 31 : i32
    %shift_right_arithmetic3A_584 = vector.broadcast %shift_right_arithmetic3A_583 : i32 to vector<16x128xi32>
    %shift_right_arithmetic3A_585 = arith.shrsi %bitcast_convert_type3A_582, %shift_right_arithmetic3A_584 : vector<16x128xi32>
    %and3A_586 = arith.constant 2147483647 : i32
    %and3A_587 = vector.broadcast %and3A_586 : i32 to vector<16x128xi32>
    %and3A_588 = arith.andi %shift_right_arithmetic3A_585, %and3A_587 : vector<16x128xi32>
    %xor3A_589 = arith.xori %bitcast_convert_type3A_582, %and3A_588 : vector<16x128xi32>
    %transpose3A_590 = tpu.transpose %xor3A_589, [1, 0] : vector<16x128xi32> -> vector<128x16xi32>
    %broadcast_in_dim3A_591 = arith.constant 0 : i32
    %broadcast_in_dim3A_592 = vector.broadcast %broadcast_in_dim3A_591 : i32 to vector<128x2048xi32>
    %broadcast_in_dim3A_593 = arith.constant 0 : i32
    %broadcast_in_dim3A_594 = vector.broadcast %broadcast_in_dim3A_593 : i32 to vector<128x2048xi32>
    %slice3A_595 = vector.extract_strided_slice %transpose3A_590 {offsets = [0, 0], sizes = [128, 1], strides = [1, 1]} : vector<128x16xi32> to vector<128x1xi32>
    %sub3A_596 = arith.constant 1 : i32
    %sub3A_597 = vector.broadcast %sub3A_596 : i32 to vector<128x1xi32>
    %sub3A_598 = arith.subi %slice3A_595, %sub3A_597 : vector<128x1xi32>
    %slice3A_599 = vector.extract_strided_slice %xor3A_581 {offsets = [0, 0], sizes = [1, 128], strides = [1, 1]} : vector<1x2048xi32> to vector<1x128xi32>
    %sub3A_600 = vector.broadcast %slice3A_595 : vector<128x1xi32> to vector<128x128xi32>
    %sub3A_601 = vector.broadcast %slice3A_599 : vector<1x128xi32> to vector<128x128xi32>
    %sub3A_602 = arith.subi %sub3A_600, %sub3A_601 : vector<128x128xi32>
    %sub3A_603 = arith.subi %sub3A_602, %get3A_1 : vector<128x128xi32>
    %shift_right_logical3A_604 = arith.constant 31 : i32
    %shift_right_logical3A_605 = vector.broadcast %shift_right_logical3A_604 : i32 to vector<128x128xi32>
    %shift_right_logical3A_606 = arith.shrui %sub3A_603, %shift_right_logical3A_605 : vector<128x128xi32>
    %slice3A_607 = vector.extract_strided_slice %xor3A_581 {offsets = [0, 128], sizes = [1, 1920], strides = [1, 1]} : vector<1x2048xi32> to vector<1x1920xi32>
    %sub3A_608 = vector.broadcast %sub3A_598 : vector<128x1xi32> to vector<128x1920xi32>
    %sub3A_609 = vector.broadcast %slice3A_607 : vector<1x1920xi32> to vector<128x1920xi32>
    %sub3A_610 = arith.subi %sub3A_608, %sub3A_609 : vector<128x1920xi32>
    %shift_right_logical3A_611 = arith.constant 31 : i32
    %shift_right_logical3A_612 = vector.broadcast %shift_right_logical3A_611 : i32 to vector<128x1920xi32>
    %shift_right_logical3A_613 = arith.shrui %sub3A_610, %shift_right_logical3A_612 : vector<128x1920xi32>
    %concatenate3A_614 = tpu.concatenate %shift_right_logical3A_606, %shift_right_logical3A_613 in 1 : vector<128x128xi32>, vector<128x1920xi32> -> vector<128x2048xi32>
    %add3A_615 = arith.addi %broadcast_in_dim3A_592, %concatenate3A_614 : vector<128x2048xi32>
    %slice3A_616 = vector.extract_strided_slice %transpose3A_590 {offsets = [0, 1], sizes = [128, 1], strides = [1, 1]} : vector<128x16xi32> to vector<128x1xi32>
    %sub3A_617 = arith.constant 1 : i32
    %sub3A_618 = vector.broadcast %sub3A_617 : i32 to vector<128x1xi32>
    %sub3A_619 = arith.subi %slice3A_616, %sub3A_618 : vector<128x1xi32>
    %slice3A_620 = vector.extract_strided_slice %xor3A_581 {offsets = [0, 0], sizes = [1, 128], strides = [1, 1]} : vector<1x2048xi32> to vector<1x128xi32>
    %sub3A_621 = vector.broadcast %slice3A_616 : vector<128x1xi32> to vector<128x128xi32>
    %sub3A_622 = vector.broadcast %slice3A_620 : vector<1x128xi32> to vector<128x128xi32>
    %sub3A_623 = arith.subi %sub3A_621, %sub3A_622 : vector<128x128xi32>
    %shift_right_logical3A_624 = arith.constant 31 : i32
    %shift_right_logical3A_625 = vector.broadcast %shift_right_logical3A_624 : i32 to vector<128x128xi32>
    %shift_right_logical3A_626 = arith.shrui %sub3A_623, %shift_right_logical3A_625 : vector<128x128xi32>
    %slice3A_627 = vector.extract_strided_slice %xor3A_581 {offsets = [0, 128], sizes = [1, 128], strides = [1, 1]} : vector<1x2048xi32> to vector<1x128xi32>
    %sub3A_628 = vector.broadcast %slice3A_616 : vector<128x1xi32> to vector<128x128xi32>
    %sub3A_629 = vector.broadcast %slice3A_627 : vector<1x128xi32> to vector<128x128xi32>
    %sub3A_630 = arith.subi %sub3A_628, %sub3A_629 : vector<128x128xi32>
    %sub3A_631 = arith.subi %sub3A_630, %get3A_1 : vector<128x128xi32>
    %shift_right_logical3A_632 = arith.constant 31 : i32
    %shift_right_logical3A_633 = vector.broadcast %shift_right_logical3A_632 : i32 to vector<128x128xi32>
    %shift_right_logical3A_634 = arith.shrui %sub3A_631, %shift_right_logical3A_633 : vector<128x128xi32>
    %slice3A_635 = vector.extract_strided_slice %xor3A_581 {offsets = [0, 256], sizes = [1, 1792], strides = [1, 1]} : vector<1x2048xi32> to vector<1x1792xi32>
    %sub3A_636 = vector.broadcast %sub3A_619 : vector<128x1xi32> to vector<128x1792xi32>
    %sub3A_637 = vector.broadcast %slice3A_635 : vector<1x1792xi32> to vector<128x1792xi32>
    %sub3A_638 = arith.subi %sub3A_636, %sub3A_637 : vector<128x1792xi32>
    %shift_right_logical3A_639 = arith.constant 31 : i32
    %shift_right_logical3A_640 = vector.broadcast %shift_right_logical3A_639 : i32 to vector<128x1792xi32>
    %shift_right_logical3A_641 = arith.shrui %sub3A_638, %shift_right_logical3A_640 : vector<128x1792xi32>
    %concatenate3A_642 = tpu.concatenate %shift_right_logical3A_626, %shift_right_logical3A_634, %shift_right_logical3A_641 in 1 : vector<128x128xi32>, vector<128x128xi32>, vector<128x1792xi32> -> vector<128x2048xi32>
    %add3A_643 = arith.addi %broadcast_in_dim3A_594, %concatenate3A_642 : vector<128x2048xi32>
    %slice3A_644 = vector.extract_strided_slice %transpose3A_590 {offsets = [0, 2], sizes = [128, 1], strides = [1, 1]} : vector<128x16xi32> to vector<128x1xi32>
    %sub3A_645 = arith.constant 1 : i32
    %sub3A_646 = vector.broadcast %sub3A_645 : i32 to vector<128x1xi32>
    %sub3A_647 = arith.subi %slice3A_644, %sub3A_646 : vector<128x1xi32>
    %slice3A_648 = vector.extract_strided_slice %xor3A_581 {offsets = [0, 0], sizes = [1, 256], strides = [1, 1]} : vector<1x2048xi32> to vector<1x256xi32>
    %sub3A_649 = vector.broadcast %slice3A_644 : vector<128x1xi32> to vector<128x256xi32>
    %sub3A_650 = vector.broadcast %slice3A_648 : vector<1x256xi32> to vector<128x256xi32>
    %sub3A_651 = arith.subi %sub3A_649, %sub3A_650 : vector<128x256xi32>
    %shift_right_logical3A_652 = arith.constant 31 : i32
    %shift_right_logical3A_653 = vector.broadcast %shift_right_logical3A_652 : i32 to vector<128x256xi32>
    %shift_right_logical3A_654 = arith.shrui %sub3A_651, %shift_right_logical3A_653 : vector<128x256xi32>
    %slice3A_655 = vector.extract_strided_slice %xor3A_581 {offsets = [0, 256], sizes = [1, 128], strides = [1, 1]} : vector<1x2048xi32> to vector<1x128xi32>
    %sub3A_656 = vector.broadcast %slice3A_644 : vector<128x1xi32> to vector<128x128xi32>
    %sub3A_657 = vector.broadcast %slice3A_655 : vector<1x128xi32> to vector<128x128xi32>
    %sub3A_658 = arith.subi %sub3A_656, %sub3A_657 : vector<128x128xi32>
    %sub3A_659 = arith.subi %sub3A_658, %get3A_1 : vector<128x128xi32>
    %shift_right_logical3A_660 = arith.constant 31 : i32
    %shift_right_logical3A_661 = vector.broadcast %shift_right_logical3A_660 : i32 to vector<128x128xi32>
    %shift_right_logical3A_662 = arith.shrui %sub3A_659, %shift_right_logical3A_661 : vector<128x128xi32>
    %slice3A_663 = vector.extract_strided_slice %xor3A_581 {offsets = [0, 384], sizes = [1, 1664], strides = [1, 1]} : vector<1x2048xi32> to vector<1x1664xi32>
    %sub3A_664 = vector.broadcast %sub3A_647 : vector<128x1xi32> to vector<128x1664xi32>
    %sub3A_665 = vector.broadcast %slice3A_663 : vector<1x1664xi32> to vector<128x1664xi32>
    %sub3A_666 = arith.subi %sub3A_664, %sub3A_665 : vector<128x1664xi32>
    %shift_right_logical3A_667 = arith.constant 31 : i32
    %shift_right_logical3A_668 = vector.broadcast %shift_right_logical3A_667 : i32 to vector<128x1664xi32>
    %shift_right_logical3A_669 = arith.shrui %sub3A_666, %shift_right_logical3A_668 : vector<128x1664xi32>
    %concatenate3A_670 = tpu.concatenate %shift_right_logical3A_654, %shift_right_logical3A_662, %shift_right_logical3A_669 in 1 : vector<128x256xi32>, vector<128x128xi32>, vector<128x1664xi32> -> vector<128x2048xi32>
    %add3A_671 = arith.addi %add3A_615, %concatenate3A_670 : vector<128x2048xi32>
    %slice3A_672 = vector.extract_strided_slice %transpose3A_590 {offsets = [0, 3], sizes = [128, 1], strides = [1, 1]} : vector<128x16xi32> to vector<128x1xi32>
    %sub3A_673 = arith.constant 1 : i32
    %sub3A_674 = vector.broadcast %sub3A_673 : i32 to vector<128x1xi32>
    %sub3A_675 = arith.subi %slice3A_672, %sub3A_674 : vector<128x1xi32>
    %slice3A_676 = vector.extract_strided_slice %xor3A_581 {offsets = [0, 0], sizes = [1, 384], strides = [1, 1]} : vector<1x2048xi32> to vector<1x384xi32>
    %sub3A_677 = vector.broadcast %slice3A_672 : vector<128x1xi32> to vector<128x384xi32>
    %sub3A_678 = vector.broadcast %slice3A_676 : vector<1x384xi32> to vector<128x384xi32>
    %sub3A_679 = arith.subi %sub3A_677, %sub3A_678 : vector<128x384xi32>
    %shift_right_logical3A_680 = arith.constant 31 : i32
    %shift_right_logical3A_681 = vector.broadcast %shift_right_logical3A_680 : i32 to vector<128x384xi32>
    %shift_right_logical3A_682 = arith.shrui %sub3A_679, %shift_right_logical3A_681 : vector<128x384xi32>
    %slice3A_683 = vector.extract_strided_slice %xor3A_581 {offsets = [0, 384], sizes = [1, 128], strides = [1, 1]} : vector<1x2048xi32> to vector<1x128xi32>
    %sub3A_684 = vector.broadcast %slice3A_672 : vector<128x1xi32> to vector<128x128xi32>
    %sub3A_685 = vector.broadcast %slice3A_683 : vector<1x128xi32> to vector<128x128xi32>
    %sub3A_686 = arith.subi %sub3A_684, %sub3A_685 : vector<128x128xi32>
    %sub3A_687 = arith.subi %sub3A_686, %get3A_1 : vector<128x128xi32>
    %shift_right_logical3A_688 = arith.constant 31 : i32
    %shift_right_logical3A_689 = vector.broadcast %shift_right_logical3A_688 : i32 to vector<128x128xi32>
    %shift_right_logical3A_690 = arith.shrui %sub3A_687, %shift_right_logical3A_689 : vector<128x128xi32>
    %slice3A_691 = vector.extract_strided_slice %xor3A_581 {offsets = [0, 512], sizes = [1, 1536], strides = [1, 1]} : vector<1x2048xi32> to vector<1x1536xi32>
    %sub3A_692 = vector.broadcast %sub3A_675 : vector<128x1xi32> to vector<128x1536xi32>
    %sub3A_693 = vector.broadcast %slice3A_691 : vector<1x1536xi32> to vector<128x1536xi32>
    %sub3A_694 = arith.subi %sub3A_692, %sub3A_693 : vector<128x1536xi32>
    %shift_right_logical3A_695 = arith.constant 31 : i32
    %shift_right_logical3A_696 = vector.broadcast %shift_right_logical3A_695 : i32 to vector<128x1536xi32>
    %shift_right_logical3A_697 = arith.shrui %sub3A_694, %shift_right_logical3A_696 : vector<128x1536xi32>
    %concatenate3A_698 = tpu.concatenate %shift_right_logical3A_682, %shift_right_logical3A_690, %shift_right_logical3A_697 in 1 : vector<128x384xi32>, vector<128x128xi32>, vector<128x1536xi32> -> vector<128x2048xi32>
    %add3A_699 = arith.addi %add3A_643, %concatenate3A_698 : vector<128x2048xi32>
    %slice3A_700 = vector.extract_strided_slice %transpose3A_590 {offsets = [0, 4], sizes = [128, 1], strides = [1, 1]} : vector<128x16xi32> to vector<128x1xi32>
    %sub3A_701 = arith.constant 1 : i32
    %sub3A_702 = vector.broadcast %sub3A_701 : i32 to vector<128x1xi32>
    %sub3A_703 = arith.subi %slice3A_700, %sub3A_702 : vector<128x1xi32>
    %slice3A_704 = vector.extract_strided_slice %xor3A_581 {offsets = [0, 0], sizes = [1, 512], strides = [1, 1]} : vector<1x2048xi32> to vector<1x512xi32>
    %sub3A_705 = vector.broadcast %slice3A_700 : vector<128x1xi32> to vector<128x512xi32>
    %sub3A_706 = vector.broadcast %slice3A_704 : vector<1x512xi32> to vector<128x512xi32>
    %sub3A_707 = arith.subi %sub3A_705, %sub3A_706 : vector<128x512xi32>
    %shift_right_logical3A_708 = arith.constant 31 : i32
    %shift_right_logical3A_709 = vector.broadcast %shift_right_logical3A_708 : i32 to vector<128x512xi32>
    %shift_right_logical3A_710 = arith.shrui %sub3A_707, %shift_right_logical3A_709 : vector<128x512xi32>
    %slice3A_711 = vector.extract_strided_slice %xor3A_581 {offsets = [0, 512], sizes = [1, 128], strides = [1, 1]} : vector<1x2048xi32> to vector<1x128xi32>
    %sub3A_712 = vector.broadcast %slice3A_700 : vector<128x1xi32> to vector<128x128xi32>
    %sub3A_713 = vector.broadcast %slice3A_711 : vector<1x128xi32> to vector<128x128xi32>
    %sub3A_714 = arith.subi %sub3A_712, %sub3A_713 : vector<128x128xi32>
    %sub3A_715 = arith.subi %sub3A_714, %get3A_1 : vector<128x128xi32>
    %shift_right_logical3A_716 = arith.constant 31 : i32
    %shift_right_logical3A_717 = vector.broadcast %shift_right_logical3A_716 : i32 to vector<128x128xi32>
    %shift_right_logical3A_718 = arith.shrui %sub3A_715, %shift_right_logical3A_717 : vector<128x128xi32>
    %slice3A_719 = vector.extract_strided_slice %xor3A_581 {offsets = [0, 640], sizes = [1, 1408], strides = [1, 1]} : vector<1x2048xi32> to vector<1x1408xi32>
    %sub3A_720 = vector.broadcast %sub3A_703 : vector<128x1xi32> to vector<128x1408xi32>
    %sub3A_721 = vector.broadcast %slice3A_719 : vector<1x1408xi32> to vector<128x1408xi32>
    %sub3A_722 = arith.subi %sub3A_720, %sub3A_721 : vector<128x1408xi32>
    %shift_right_logical3A_723 = arith.constant 31 : i32
    %shift_right_logical3A_724 = vector.broadcast %shift_right_logical3A_723 : i32 to vector<128x1408xi32>
    %shift_right_logical3A_725 = arith.shrui %sub3A_722, %shift_right_logical3A_724 : vector<128x1408xi32>
    %concatenate3A_726 = tpu.concatenate %shift_right_logical3A_710, %shift_right_logical3A_718, %shift_right_logical3A_725 in 1 : vector<128x512xi32>, vector<128x128xi32>, vector<128x1408xi32> -> vector<128x2048xi32>
    %add3A_727 = arith.addi %add3A_671, %concatenate3A_726 : vector<128x2048xi32>
    %slice3A_728 = vector.extract_strided_slice %transpose3A_590 {offsets = [0, 5], sizes = [128, 1], strides = [1, 1]} : vector<128x16xi32> to vector<128x1xi32>
    %sub3A_729 = arith.constant 1 : i32
    %sub3A_730 = vector.broadcast %sub3A_729 : i32 to vector<128x1xi32>
    %sub3A_731 = arith.subi %slice3A_728, %sub3A_730 : vector<128x1xi32>
    %slice3A_732 = vector.extract_strided_slice %xor3A_581 {offsets = [0, 0], sizes = [1, 640], strides = [1, 1]} : vector<1x2048xi32> to vector<1x640xi32>
    %sub3A_733 = vector.broadcast %slice3A_728 : vector<128x1xi32> to vector<128x640xi32>
    %sub3A_734 = vector.broadcast %slice3A_732 : vector<1x640xi32> to vector<128x640xi32>
    %sub3A_735 = arith.subi %sub3A_733, %sub3A_734 : vector<128x640xi32>
    %shift_right_logical3A_736 = arith.constant 31 : i32
    %shift_right_logical3A_737 = vector.broadcast %shift_right_logical3A_736 : i32 to vector<128x640xi32>
    %shift_right_logical3A_738 = arith.shrui %sub3A_735, %shift_right_logical3A_737 : vector<128x640xi32>
    %slice3A_739 = vector.extract_strided_slice %xor3A_581 {offsets = [0, 640], sizes = [1, 128], strides = [1, 1]} : vector<1x2048xi32> to vector<1x128xi32>
    %sub3A_740 = vector.broadcast %slice3A_728 : vector<128x1xi32> to vector<128x128xi32>
    %sub3A_741 = vector.broadcast %slice3A_739 : vector<1x128xi32> to vector<128x128xi32>
    %sub3A_742 = arith.subi %sub3A_740, %sub3A_741 : vector<128x128xi32>
    %sub3A_743 = arith.subi %sub3A_742, %get3A_1 : vector<128x128xi32>
    %shift_right_logical3A_744 = arith.constant 31 : i32
    %shift_right_logical3A_745 = vector.broadcast %shift_right_logical3A_744 : i32 to vector<128x128xi32>
    %shift_right_logical3A_746 = arith.shrui %sub3A_743, %shift_right_logical3A_745 : vector<128x128xi32>
    %slice3A_747 = vector.extract_strided_slice %xor3A_581 {offsets = [0, 768], sizes = [1, 1280], strides = [1, 1]} : vector<1x2048xi32> to vector<1x1280xi32>
    %sub3A_748 = vector.broadcast %sub3A_731 : vector<128x1xi32> to vector<128x1280xi32>
    %sub3A_749 = vector.broadcast %slice3A_747 : vector<1x1280xi32> to vector<128x1280xi32>
    %sub3A_750 = arith.subi %sub3A_748, %sub3A_749 : vector<128x1280xi32>
    %shift_right_logical3A_751 = arith.constant 31 : i32
    %shift_right_logical3A_752 = vector.broadcast %shift_right_logical3A_751 : i32 to vector<128x1280xi32>
    %shift_right_logical3A_753 = arith.shrui %sub3A_750, %shift_right_logical3A_752 : vector<128x1280xi32>
    %concatenate3A_754 = tpu.concatenate %shift_right_logical3A_738, %shift_right_logical3A_746, %shift_right_logical3A_753 in 1 : vector<128x640xi32>, vector<128x128xi32>, vector<128x1280xi32> -> vector<128x2048xi32>
    %add3A_755 = arith.addi %add3A_699, %concatenate3A_754 : vector<128x2048xi32>
    %slice3A_756 = vector.extract_strided_slice %transpose3A_590 {offsets = [0, 6], sizes = [128, 1], strides = [1, 1]} : vector<128x16xi32> to vector<128x1xi32>
    %sub3A_757 = arith.constant 1 : i32
    %sub3A_758 = vector.broadcast %sub3A_757 : i32 to vector<128x1xi32>
    %sub3A_759 = arith.subi %slice3A_756, %sub3A_758 : vector<128x1xi32>
    %slice3A_760 = vector.extract_strided_slice %xor3A_581 {offsets = [0, 0], sizes = [1, 768], strides = [1, 1]} : vector<1x2048xi32> to vector<1x768xi32>
    %sub3A_761 = vector.broadcast %slice3A_756 : vector<128x1xi32> to vector<128x768xi32>
    %sub3A_762 = vector.broadcast %slice3A_760 : vector<1x768xi32> to vector<128x768xi32>
    %sub3A_763 = arith.subi %sub3A_761, %sub3A_762 : vector<128x768xi32>
    %shift_right_logical3A_764 = arith.constant 31 : i32
    %shift_right_logical3A_765 = vector.broadcast %shift_right_logical3A_764 : i32 to vector<128x768xi32>
    %shift_right_logical3A_766 = arith.shrui %sub3A_763, %shift_right_logical3A_765 : vector<128x768xi32>
    %slice3A_767 = vector.extract_strided_slice %xor3A_581 {offsets = [0, 768], sizes = [1, 128], strides = [1, 1]} : vector<1x2048xi32> to vector<1x128xi32>
    %sub3A_768 = vector.broadcast %slice3A_756 : vector<128x1xi32> to vector<128x128xi32>
    %sub3A_769 = vector.broadcast %slice3A_767 : vector<1x128xi32> to vector<128x128xi32>
    %sub3A_770 = arith.subi %sub3A_768, %sub3A_769 : vector<128x128xi32>
    %sub3A_771 = arith.subi %sub3A_770, %get3A_1 : vector<128x128xi32>
    %shift_right_logical3A_772 = arith.constant 31 : i32
    %shift_right_logical3A_773 = vector.broadcast %shift_right_logical3A_772 : i32 to vector<128x128xi32>
    %shift_right_logical3A_774 = arith.shrui %sub3A_771, %shift_right_logical3A_773 : vector<128x128xi32>
    %slice3A_775 = vector.extract_strided_slice %xor3A_581 {offsets = [0, 896], sizes = [1, 1152], strides = [1, 1]} : vector<1x2048xi32> to vector<1x1152xi32>
    %sub3A_776 = vector.broadcast %sub3A_759 : vector<128x1xi32> to vector<128x1152xi32>
    %sub3A_777 = vector.broadcast %slice3A_775 : vector<1x1152xi32> to vector<128x1152xi32>
    %sub3A_778 = arith.subi %sub3A_776, %sub3A_777 : vector<128x1152xi32>
    %shift_right_logical3A_779 = arith.constant 31 : i32
    %shift_right_logical3A_780 = vector.broadcast %shift_right_logical3A_779 : i32 to vector<128x1152xi32>
    %shift_right_logical3A_781 = arith.shrui %sub3A_778, %shift_right_logical3A_780 : vector<128x1152xi32>
    %concatenate3A_782 = tpu.concatenate %shift_right_logical3A_766, %shift_right_logical3A_774, %shift_right_logical3A_781 in 1 : vector<128x768xi32>, vector<128x128xi32>, vector<128x1152xi32> -> vector<128x2048xi32>
    %add3A_783 = arith.addi %add3A_727, %concatenate3A_782 : vector<128x2048xi32>
    %slice3A_784 = vector.extract_strided_slice %transpose3A_590 {offsets = [0, 7], sizes = [128, 1], strides = [1, 1]} : vector<128x16xi32> to vector<128x1xi32>
    %sub3A_785 = arith.constant 1 : i32
    %sub3A_786 = vector.broadcast %sub3A_785 : i32 to vector<128x1xi32>
    %sub3A_787 = arith.subi %slice3A_784, %sub3A_786 : vector<128x1xi32>
    %slice3A_788 = vector.extract_strided_slice %xor3A_581 {offsets = [0, 0], sizes = [1, 896], strides = [1, 1]} : vector<1x2048xi32> to vector<1x896xi32>
    %sub3A_789 = vector.broadcast %slice3A_784 : vector<128x1xi32> to vector<128x896xi32>
    %sub3A_790 = vector.broadcast %slice3A_788 : vector<1x896xi32> to vector<128x896xi32>
    %sub3A_791 = arith.subi %sub3A_789, %sub3A_790 : vector<128x896xi32>
    %shift_right_logical3A_792 = arith.constant 31 : i32
    %shift_right_logical3A_793 = vector.broadcast %shift_right_logical3A_792 : i32 to vector<128x896xi32>
    %shift_right_logical3A_794 = arith.shrui %sub3A_791, %shift_right_logical3A_793 : vector<128x896xi32>
    %slice3A_795 = vector.extract_strided_slice %xor3A_581 {offsets = [0, 896], sizes = [1, 128], strides = [1, 1]} : vector<1x2048xi32> to vector<1x128xi32>
    %sub3A_796 = vector.broadcast %slice3A_784 : vector<128x1xi32> to vector<128x128xi32>
    %sub3A_797 = vector.broadcast %slice3A_795 : vector<1x128xi32> to vector<128x128xi32>
    %sub3A_798 = arith.subi %sub3A_796, %sub3A_797 : vector<128x128xi32>
    %sub3A_799 = arith.subi %sub3A_798, %get3A_1 : vector<128x128xi32>
    %shift_right_logical3A_800 = arith.constant 31 : i32
    %shift_right_logical3A_801 = vector.broadcast %shift_right_logical3A_800 : i32 to vector<128x128xi32>
    %shift_right_logical3A_802 = arith.shrui %sub3A_799, %shift_right_logical3A_801 : vector<128x128xi32>
    %slice3A_803 = vector.extract_strided_slice %xor3A_581 {offsets = [0, 1024], sizes = [1, 1024], strides = [1, 1]} : vector<1x2048xi32> to vector<1x1024xi32>
    %sub3A_804 = vector.broadcast %sub3A_787 : vector<128x1xi32> to vector<128x1024xi32>
    %sub3A_805 = vector.broadcast %slice3A_803 : vector<1x1024xi32> to vector<128x1024xi32>
    %sub3A_806 = arith.subi %sub3A_804, %sub3A_805 : vector<128x1024xi32>
    %shift_right_logical3A_807 = arith.constant 31 : i32
    %shift_right_logical3A_808 = vector.broadcast %shift_right_logical3A_807 : i32 to vector<128x1024xi32>
    %shift_right_logical3A_809 = arith.shrui %sub3A_806, %shift_right_logical3A_808 : vector<128x1024xi32>
    %concatenate3A_810 = tpu.concatenate %shift_right_logical3A_794, %shift_right_logical3A_802, %shift_right_logical3A_809 in 1 : vector<128x896xi32>, vector<128x128xi32>, vector<128x1024xi32> -> vector<128x2048xi32>
    %add3A_811 = arith.addi %add3A_755, %concatenate3A_810 : vector<128x2048xi32>
    %slice3A_812 = vector.extract_strided_slice %transpose3A_590 {offsets = [0, 8], sizes = [128, 1], strides = [1, 1]} : vector<128x16xi32> to vector<128x1xi32>
    %sub3A_813 = arith.constant 1 : i32
    %sub3A_814 = vector.broadcast %sub3A_813 : i32 to vector<128x1xi32>
    %sub3A_815 = arith.subi %slice3A_812, %sub3A_814 : vector<128x1xi32>
    %slice3A_816 = vector.extract_strided_slice %xor3A_581 {offsets = [0, 0], sizes = [1, 1024], strides = [1, 1]} : vector<1x2048xi32> to vector<1x1024xi32>
    %sub3A_817 = vector.broadcast %slice3A_812 : vector<128x1xi32> to vector<128x1024xi32>
    %sub3A_818 = vector.broadcast %slice3A_816 : vector<1x1024xi32> to vector<128x1024xi32>
    %sub3A_819 = arith.subi %sub3A_817, %sub3A_818 : vector<128x1024xi32>
    %shift_right_logical3A_820 = arith.constant 31 : i32
    %shift_right_logical3A_821 = vector.broadcast %shift_right_logical3A_820 : i32 to vector<128x1024xi32>
    %shift_right_logical3A_822 = arith.shrui %sub3A_819, %shift_right_logical3A_821 : vector<128x1024xi32>
    %slice3A_823 = vector.extract_strided_slice %xor3A_581 {offsets = [0, 1024], sizes = [1, 128], strides = [1, 1]} : vector<1x2048xi32> to vector<1x128xi32>
    %sub3A_824 = vector.broadcast %slice3A_812 : vector<128x1xi32> to vector<128x128xi32>
    %sub3A_825 = vector.broadcast %slice3A_823 : vector<1x128xi32> to vector<128x128xi32>
    %sub3A_826 = arith.subi %sub3A_824, %sub3A_825 : vector<128x128xi32>
    %sub3A_827 = arith.subi %sub3A_826, %get3A_1 : vector<128x128xi32>
    %shift_right_logical3A_828 = arith.constant 31 : i32
    %shift_right_logical3A_829 = vector.broadcast %shift_right_logical3A_828 : i32 to vector<128x128xi32>
    %shift_right_logical3A_830 = arith.shrui %sub3A_827, %shift_right_logical3A_829 : vector<128x128xi32>
    %slice3A_831 = vector.extract_strided_slice %xor3A_581 {offsets = [0, 1152], sizes = [1, 896], strides = [1, 1]} : vector<1x2048xi32> to vector<1x896xi32>
    %sub3A_832 = vector.broadcast %sub3A_815 : vector<128x1xi32> to vector<128x896xi32>
    %sub3A_833 = vector.broadcast %slice3A_831 : vector<1x896xi32> to vector<128x896xi32>
    %sub3A_834 = arith.subi %sub3A_832, %sub3A_833 : vector<128x896xi32>
    %shift_right_logical3A_835 = arith.constant 31 : i32
    %shift_right_logical3A_836 = vector.broadcast %shift_right_logical3A_835 : i32 to vector<128x896xi32>
    %shift_right_logical3A_837 = arith.shrui %sub3A_834, %shift_right_logical3A_836 : vector<128x896xi32>
    %concatenate3A_838 = tpu.concatenate %shift_right_logical3A_822, %shift_right_logical3A_830, %shift_right_logical3A_837 in 1 : vector<128x1024xi32>, vector<128x128xi32>, vector<128x896xi32> -> vector<128x2048xi32>
    %add3A_839 = arith.addi %add3A_783, %concatenate3A_838 : vector<128x2048xi32>
    %slice3A_840 = vector.extract_strided_slice %transpose3A_590 {offsets = [0, 9], sizes = [128, 1], strides = [1, 1]} : vector<128x16xi32> to vector<128x1xi32>
    %sub3A_841 = arith.constant 1 : i32
    %sub3A_842 = vector.broadcast %sub3A_841 : i32 to vector<128x1xi32>
    %sub3A_843 = arith.subi %slice3A_840, %sub3A_842 : vector<128x1xi32>
    %slice3A_844 = vector.extract_strided_slice %xor3A_581 {offsets = [0, 0], sizes = [1, 1152], strides = [1, 1]} : vector<1x2048xi32> to vector<1x1152xi32>
    %sub3A_845 = vector.broadcast %slice3A_840 : vector<128x1xi32> to vector<128x1152xi32>
    %sub3A_846 = vector.broadcast %slice3A_844 : vector<1x1152xi32> to vector<128x1152xi32>
    %sub3A_847 = arith.subi %sub3A_845, %sub3A_846 : vector<128x1152xi32>
    %shift_right_logical3A_848 = arith.constant 31 : i32
    %shift_right_logical3A_849 = vector.broadcast %shift_right_logical3A_848 : i32 to vector<128x1152xi32>
    %shift_right_logical3A_850 = arith.shrui %sub3A_847, %shift_right_logical3A_849 : vector<128x1152xi32>
    %slice3A_851 = vector.extract_strided_slice %xor3A_581 {offsets = [0, 1152], sizes = [1, 128], strides = [1, 1]} : vector<1x2048xi32> to vector<1x128xi32>
    %sub3A_852 = vector.broadcast %slice3A_840 : vector<128x1xi32> to vector<128x128xi32>
    %sub3A_853 = vector.broadcast %slice3A_851 : vector<1x128xi32> to vector<128x128xi32>
    %sub3A_854 = arith.subi %sub3A_852, %sub3A_853 : vector<128x128xi32>
    %sub3A_855 = arith.subi %sub3A_854, %get3A_1 : vector<128x128xi32>
    %shift_right_logical3A_856 = arith.constant 31 : i32
    %shift_right_logical3A_857 = vector.broadcast %shift_right_logical3A_856 : i32 to vector<128x128xi32>
    %shift_right_logical3A_858 = arith.shrui %sub3A_855, %shift_right_logical3A_857 : vector<128x128xi32>
    %slice3A_859 = vector.extract_strided_slice %xor3A_581 {offsets = [0, 1280], sizes = [1, 768], strides = [1, 1]} : vector<1x2048xi32> to vector<1x768xi32>
    %sub3A_860 = vector.broadcast %sub3A_843 : vector<128x1xi32> to vector<128x768xi32>
    %sub3A_861 = vector.broadcast %slice3A_859 : vector<1x768xi32> to vector<128x768xi32>
    %sub3A_862 = arith.subi %sub3A_860, %sub3A_861 : vector<128x768xi32>
    %shift_right_logical3A_863 = arith.constant 31 : i32
    %shift_right_logical3A_864 = vector.broadcast %shift_right_logical3A_863 : i32 to vector<128x768xi32>
    %shift_right_logical3A_865 = arith.shrui %sub3A_862, %shift_right_logical3A_864 : vector<128x768xi32>
    %concatenate3A_866 = tpu.concatenate %shift_right_logical3A_850, %shift_right_logical3A_858, %shift_right_logical3A_865 in 1 : vector<128x1152xi32>, vector<128x128xi32>, vector<128x768xi32> -> vector<128x2048xi32>
    %add3A_867 = arith.addi %add3A_811, %concatenate3A_866 : vector<128x2048xi32>
    %slice3A_868 = vector.extract_strided_slice %transpose3A_590 {offsets = [0, 10], sizes = [128, 1], strides = [1, 1]} : vector<128x16xi32> to vector<128x1xi32>
    %sub3A_869 = arith.constant 1 : i32
    %sub3A_870 = vector.broadcast %sub3A_869 : i32 to vector<128x1xi32>
    %sub3A_871 = arith.subi %slice3A_868, %sub3A_870 : vector<128x1xi32>
    %slice3A_872 = vector.extract_strided_slice %xor3A_581 {offsets = [0, 0], sizes = [1, 1280], strides = [1, 1]} : vector<1x2048xi32> to vector<1x1280xi32>
    %sub3A_873 = vector.broadcast %slice3A_868 : vector<128x1xi32> to vector<128x1280xi32>
    %sub3A_874 = vector.broadcast %slice3A_872 : vector<1x1280xi32> to vector<128x1280xi32>
    %sub3A_875 = arith.subi %sub3A_873, %sub3A_874 : vector<128x1280xi32>
    %shift_right_logical3A_876 = arith.constant 31 : i32
    %shift_right_logical3A_877 = vector.broadcast %shift_right_logical3A_876 : i32 to vector<128x1280xi32>
    %shift_right_logical3A_878 = arith.shrui %sub3A_875, %shift_right_logical3A_877 : vector<128x1280xi32>
    %slice3A_879 = vector.extract_strided_slice %xor3A_581 {offsets = [0, 1280], sizes = [1, 128], strides = [1, 1]} : vector<1x2048xi32> to vector<1x128xi32>
    %sub3A_880 = vector.broadcast %slice3A_868 : vector<128x1xi32> to vector<128x128xi32>
    %sub3A_881 = vector.broadcast %slice3A_879 : vector<1x128xi32> to vector<128x128xi32>
    %sub3A_882 = arith.subi %sub3A_880, %sub3A_881 : vector<128x128xi32>
    %sub3A_883 = arith.subi %sub3A_882, %get3A_1 : vector<128x128xi32>
    %shift_right_logical3A_884 = arith.constant 31 : i32
    %shift_right_logical3A_885 = vector.broadcast %shift_right_logical3A_884 : i32 to vector<128x128xi32>
    %shift_right_logical3A_886 = arith.shrui %sub3A_883, %shift_right_logical3A_885 : vector<128x128xi32>
    %slice3A_887 = vector.extract_strided_slice %xor3A_581 {offsets = [0, 1408], sizes = [1, 640], strides = [1, 1]} : vector<1x2048xi32> to vector<1x640xi32>
    %sub3A_888 = vector.broadcast %sub3A_871 : vector<128x1xi32> to vector<128x640xi32>
    %sub3A_889 = vector.broadcast %slice3A_887 : vector<1x640xi32> to vector<128x640xi32>
    %sub3A_890 = arith.subi %sub3A_888, %sub3A_889 : vector<128x640xi32>
    %shift_right_logical3A_891 = arith.constant 31 : i32
    %shift_right_logical3A_892 = vector.broadcast %shift_right_logical3A_891 : i32 to vector<128x640xi32>
    %shift_right_logical3A_893 = arith.shrui %sub3A_890, %shift_right_logical3A_892 : vector<128x640xi32>
    %concatenate3A_894 = tpu.concatenate %shift_right_logical3A_878, %shift_right_logical3A_886, %shift_right_logical3A_893 in 1 : vector<128x1280xi32>, vector<128x128xi32>, vector<128x640xi32> -> vector<128x2048xi32>
    %add3A_895 = arith.addi %add3A_839, %concatenate3A_894 : vector<128x2048xi32>
    %slice3A_896 = vector.extract_strided_slice %transpose3A_590 {offsets = [0, 11], sizes = [128, 1], strides = [1, 1]} : vector<128x16xi32> to vector<128x1xi32>
    %sub3A_897 = arith.constant 1 : i32
    %sub3A_898 = vector.broadcast %sub3A_897 : i32 to vector<128x1xi32>
    %sub3A_899 = arith.subi %slice3A_896, %sub3A_898 : vector<128x1xi32>
    %slice3A_900 = vector.extract_strided_slice %xor3A_581 {offsets = [0, 0], sizes = [1, 1408], strides = [1, 1]} : vector<1x2048xi32> to vector<1x1408xi32>
    %sub3A_901 = vector.broadcast %slice3A_896 : vector<128x1xi32> to vector<128x1408xi32>
    %sub3A_902 = vector.broadcast %slice3A_900 : vector<1x1408xi32> to vector<128x1408xi32>
    %sub3A_903 = arith.subi %sub3A_901, %sub3A_902 : vector<128x1408xi32>
    %shift_right_logical3A_904 = arith.constant 31 : i32
    %shift_right_logical3A_905 = vector.broadcast %shift_right_logical3A_904 : i32 to vector<128x1408xi32>
    %shift_right_logical3A_906 = arith.shrui %sub3A_903, %shift_right_logical3A_905 : vector<128x1408xi32>
    %slice3A_907 = vector.extract_strided_slice %xor3A_581 {offsets = [0, 1408], sizes = [1, 128], strides = [1, 1]} : vector<1x2048xi32> to vector<1x128xi32>
    %sub3A_908 = vector.broadcast %slice3A_896 : vector<128x1xi32> to vector<128x128xi32>
    %sub3A_909 = vector.broadcast %slice3A_907 : vector<1x128xi32> to vector<128x128xi32>
    %sub3A_910 = arith.subi %sub3A_908, %sub3A_909 : vector<128x128xi32>
    %sub3A_911 = arith.subi %sub3A_910, %get3A_1 : vector<128x128xi32>
    %shift_right_logical3A_912 = arith.constant 31 : i32
    %shift_right_logical3A_913 = vector.broadcast %shift_right_logical3A_912 : i32 to vector<128x128xi32>
    %shift_right_logical3A_914 = arith.shrui %sub3A_911, %shift_right_logical3A_913 : vector<128x128xi32>
    %slice3A_915 = vector.extract_strided_slice %xor3A_581 {offsets = [0, 1536], sizes = [1, 512], strides = [1, 1]} : vector<1x2048xi32> to vector<1x512xi32>
    %sub3A_916 = vector.broadcast %sub3A_899 : vector<128x1xi32> to vector<128x512xi32>
    %sub3A_917 = vector.broadcast %slice3A_915 : vector<1x512xi32> to vector<128x512xi32>
    %sub3A_918 = arith.subi %sub3A_916, %sub3A_917 : vector<128x512xi32>
    %shift_right_logical3A_919 = arith.constant 31 : i32
    %shift_right_logical3A_920 = vector.broadcast %shift_right_logical3A_919 : i32 to vector<128x512xi32>
    %shift_right_logical3A_921 = arith.shrui %sub3A_918, %shift_right_logical3A_920 : vector<128x512xi32>
    %concatenate3A_922 = tpu.concatenate %shift_right_logical3A_906, %shift_right_logical3A_914, %shift_right_logical3A_921 in 1 : vector<128x1408xi32>, vector<128x128xi32>, vector<128x512xi32> -> vector<128x2048xi32>
    %add3A_923 = arith.addi %add3A_867, %concatenate3A_922 : vector<128x2048xi32>
    %slice3A_924 = vector.extract_strided_slice %transpose3A_590 {offsets = [0, 12], sizes = [128, 1], strides = [1, 1]} : vector<128x16xi32> to vector<128x1xi32>
    %sub3A_925 = arith.constant 1 : i32
    %sub3A_926 = vector.broadcast %sub3A_925 : i32 to vector<128x1xi32>
    %sub3A_927 = arith.subi %slice3A_924, %sub3A_926 : vector<128x1xi32>
    %slice3A_928 = vector.extract_strided_slice %xor3A_581 {offsets = [0, 0], sizes = [1, 1536], strides = [1, 1]} : vector<1x2048xi32> to vector<1x1536xi32>
    %sub3A_929 = vector.broadcast %slice3A_924 : vector<128x1xi32> to vector<128x1536xi32>
    %sub3A_930 = vector.broadcast %slice3A_928 : vector<1x1536xi32> to vector<128x1536xi32>
    %sub3A_931 = arith.subi %sub3A_929, %sub3A_930 : vector<128x1536xi32>
    %shift_right_logical3A_932 = arith.constant 31 : i32
    %shift_right_logical3A_933 = vector.broadcast %shift_right_logical3A_932 : i32 to vector<128x1536xi32>
    %shift_right_logical3A_934 = arith.shrui %sub3A_931, %shift_right_logical3A_933 : vector<128x1536xi32>
    %slice3A_935 = vector.extract_strided_slice %xor3A_581 {offsets = [0, 1536], sizes = [1, 128], strides = [1, 1]} : vector<1x2048xi32> to vector<1x128xi32>
    %sub3A_936 = vector.broadcast %slice3A_924 : vector<128x1xi32> to vector<128x128xi32>
    %sub3A_937 = vector.broadcast %slice3A_935 : vector<1x128xi32> to vector<128x128xi32>
    %sub3A_938 = arith.subi %sub3A_936, %sub3A_937 : vector<128x128xi32>
    %sub3A_939 = arith.subi %sub3A_938, %get3A_1 : vector<128x128xi32>
    %shift_right_logical3A_940 = arith.constant 31 : i32
    %shift_right_logical3A_941 = vector.broadcast %shift_right_logical3A_940 : i32 to vector<128x128xi32>
    %shift_right_logical3A_942 = arith.shrui %sub3A_939, %shift_right_logical3A_941 : vector<128x128xi32>
    %slice3A_943 = vector.extract_strided_slice %xor3A_581 {offsets = [0, 1664], sizes = [1, 384], strides = [1, 1]} : vector<1x2048xi32> to vector<1x384xi32>
    %sub3A_944 = vector.broadcast %sub3A_927 : vector<128x1xi32> to vector<128x384xi32>
    %sub3A_945 = vector.broadcast %slice3A_943 : vector<1x384xi32> to vector<128x384xi32>
    %sub3A_946 = arith.subi %sub3A_944, %sub3A_945 : vector<128x384xi32>
    %shift_right_logical3A_947 = arith.constant 31 : i32
    %shift_right_logical3A_948 = vector.broadcast %shift_right_logical3A_947 : i32 to vector<128x384xi32>
    %shift_right_logical3A_949 = arith.shrui %sub3A_946, %shift_right_logical3A_948 : vector<128x384xi32>
    %concatenate3A_950 = tpu.concatenate %shift_right_logical3A_934, %shift_right_logical3A_942, %shift_right_logical3A_949 in 1 : vector<128x1536xi32>, vector<128x128xi32>, vector<128x384xi32> -> vector<128x2048xi32>
    %add3A_951 = arith.addi %add3A_895, %concatenate3A_950 : vector<128x2048xi32>
    %slice3A_952 = vector.extract_strided_slice %transpose3A_590 {offsets = [0, 13], sizes = [128, 1], strides = [1, 1]} : vector<128x16xi32> to vector<128x1xi32>
    %sub3A_953 = arith.constant 1 : i32
    %sub3A_954 = vector.broadcast %sub3A_953 : i32 to vector<128x1xi32>
    %sub3A_955 = arith.subi %slice3A_952, %sub3A_954 : vector<128x1xi32>
    %slice3A_956 = vector.extract_strided_slice %xor3A_581 {offsets = [0, 0], sizes = [1, 1664], strides = [1, 1]} : vector<1x2048xi32> to vector<1x1664xi32>
    %sub3A_957 = vector.broadcast %slice3A_952 : vector<128x1xi32> to vector<128x1664xi32>
    %sub3A_958 = vector.broadcast %slice3A_956 : vector<1x1664xi32> to vector<128x1664xi32>
    %sub3A_959 = arith.subi %sub3A_957, %sub3A_958 : vector<128x1664xi32>
    %shift_right_logical3A_960 = arith.constant 31 : i32
    %shift_right_logical3A_961 = vector.broadcast %shift_right_logical3A_960 : i32 to vector<128x1664xi32>
    %shift_right_logical3A_962 = arith.shrui %sub3A_959, %shift_right_logical3A_961 : vector<128x1664xi32>
    %slice3A_963 = vector.extract_strided_slice %xor3A_581 {offsets = [0, 1664], sizes = [1, 128], strides = [1, 1]} : vector<1x2048xi32> to vector<1x128xi32>
    %sub3A_964 = vector.broadcast %slice3A_952 : vector<128x1xi32> to vector<128x128xi32>
    %sub3A_965 = vector.broadcast %slice3A_963 : vector<1x128xi32> to vector<128x128xi32>
    %sub3A_966 = arith.subi %sub3A_964, %sub3A_965 : vector<128x128xi32>
    %sub3A_967 = arith.subi %sub3A_966, %get3A_1 : vector<128x128xi32>
    %shift_right_logical3A_968 = arith.constant 31 : i32
    %shift_right_logical3A_969 = vector.broadcast %shift_right_logical3A_968 : i32 to vector<128x128xi32>
    %shift_right_logical3A_970 = arith.shrui %sub3A_967, %shift_right_logical3A_969 : vector<128x128xi32>
    %slice3A_971 = vector.extract_strided_slice %xor3A_581 {offsets = [0, 1792], sizes = [1, 256], strides = [1, 1]} : vector<1x2048xi32> to vector<1x256xi32>
    %sub3A_972 = vector.broadcast %sub3A_955 : vector<128x1xi32> to vector<128x256xi32>
    %sub3A_973 = vector.broadcast %slice3A_971 : vector<1x256xi32> to vector<128x256xi32>
    %sub3A_974 = arith.subi %sub3A_972, %sub3A_973 : vector<128x256xi32>
    %shift_right_logical3A_975 = arith.constant 31 : i32
    %shift_right_logical3A_976 = vector.broadcast %shift_right_logical3A_975 : i32 to vector<128x256xi32>
    %shift_right_logical3A_977 = arith.shrui %sub3A_974, %shift_right_logical3A_976 : vector<128x256xi32>
    %concatenate3A_978 = tpu.concatenate %shift_right_logical3A_962, %shift_right_logical3A_970, %shift_right_logical3A_977 in 1 : vector<128x1664xi32>, vector<128x128xi32>, vector<128x256xi32> -> vector<128x2048xi32>
    %add3A_979 = arith.addi %add3A_923, %concatenate3A_978 : vector<128x2048xi32>
    %slice3A_980 = vector.extract_strided_slice %transpose3A_590 {offsets = [0, 14], sizes = [128, 1], strides = [1, 1]} : vector<128x16xi32> to vector<128x1xi32>
    %sub3A_981 = arith.constant 1 : i32
    %sub3A_982 = vector.broadcast %sub3A_981 : i32 to vector<128x1xi32>
    %sub3A_983 = arith.subi %slice3A_980, %sub3A_982 : vector<128x1xi32>
    %slice3A_984 = vector.extract_strided_slice %xor3A_581 {offsets = [0, 0], sizes = [1, 1792], strides = [1, 1]} : vector<1x2048xi32> to vector<1x1792xi32>
    %sub3A_985 = vector.broadcast %slice3A_980 : vector<128x1xi32> to vector<128x1792xi32>
    %sub3A_986 = vector.broadcast %slice3A_984 : vector<1x1792xi32> to vector<128x1792xi32>
    %sub3A_987 = arith.subi %sub3A_985, %sub3A_986 : vector<128x1792xi32>
    %shift_right_logical3A_988 = arith.constant 31 : i32
    %shift_right_logical3A_989 = vector.broadcast %shift_right_logical3A_988 : i32 to vector<128x1792xi32>
    %shift_right_logical3A_990 = arith.shrui %sub3A_987, %shift_right_logical3A_989 : vector<128x1792xi32>
    %slice3A_991 = vector.extract_strided_slice %xor3A_581 {offsets = [0, 1792], sizes = [1, 128], strides = [1, 1]} : vector<1x2048xi32> to vector<1x128xi32>
    %sub3A_992 = vector.broadcast %slice3A_980 : vector<128x1xi32> to vector<128x128xi32>
    %sub3A_993 = vector.broadcast %slice3A_991 : vector<1x128xi32> to vector<128x128xi32>
    %sub3A_994 = arith.subi %sub3A_992, %sub3A_993 : vector<128x128xi32>
    %sub3A_995 = arith.subi %sub3A_994, %get3A_1 : vector<128x128xi32>
    %shift_right_logical3A_996 = arith.constant 31 : i32
    %shift_right_logical3A_997 = vector.broadcast %shift_right_logical3A_996 : i32 to vector<128x128xi32>
    %shift_right_logical3A_998 = arith.shrui %sub3A_995, %shift_right_logical3A_997 : vector<128x128xi32>
    %slice3A_999 = vector.extract_strided_slice %xor3A_581 {offsets = [0, 1920], sizes = [1, 128], strides = [1, 1]} : vector<1x2048xi32> to vector<1x128xi32>
    %sub3A_1000 = vector.broadcast %sub3A_983 : vector<128x1xi32> to vector<128x128xi32>
    %sub3A_1001 = vector.broadcast %slice3A_999 : vector<1x128xi32> to vector<128x128xi32>
    %sub3A_1002 = arith.subi %sub3A_1000, %sub3A_1001 : vector<128x128xi32>
    %shift_right_logical3A_1003 = arith.constant 31 : i32
    %shift_right_logical3A_1004 = vector.broadcast %shift_right_logical3A_1003 : i32 to vector<128x128xi32>
    %shift_right_logical3A_1005 = arith.shrui %sub3A_1002, %shift_right_logical3A_1004 : vector<128x128xi32>
    %concatenate3A_1006 = tpu.concatenate %shift_right_logical3A_990, %shift_right_logical3A_998, %shift_right_logical3A_1005 in 1 : vector<128x1792xi32>, vector<128x128xi32>, vector<128x128xi32> -> vector<128x2048xi32>
    %add3A_1007 = arith.addi %add3A_951, %concatenate3A_1006 : vector<128x2048xi32>
    %slice3A_1008 = vector.extract_strided_slice %transpose3A_590 {offsets = [0, 15], sizes = [128, 1], strides = [1, 1]} : vector<128x16xi32> to vector<128x1xi32>
    %slice3A_1009 = vector.extract_strided_slice %xor3A_581 {offsets = [0, 0], sizes = [1, 1920], strides = [1, 1]} : vector<1x2048xi32> to vector<1x1920xi32>
    %sub3A_1010 = vector.broadcast %slice3A_1008 : vector<128x1xi32> to vector<128x1920xi32>
    %sub3A_1011 = vector.broadcast %slice3A_1009 : vector<1x1920xi32> to vector<128x1920xi32>
    %sub3A_1012 = arith.subi %sub3A_1010, %sub3A_1011 : vector<128x1920xi32>
    %shift_right_logical3A_1013 = arith.constant 31 : i32
    %shift_right_logical3A_1014 = vector.broadcast %shift_right_logical3A_1013 : i32 to vector<128x1920xi32>
    %shift_right_logical3A_1015 = arith.shrui %sub3A_1012, %shift_right_logical3A_1014 : vector<128x1920xi32>
    %slice3A_1016 = vector.extract_strided_slice %xor3A_581 {offsets = [0, 1920], sizes = [1, 128], strides = [1, 1]} : vector<1x2048xi32> to vector<1x128xi32>
    %sub3A_1017 = vector.broadcast %slice3A_1008 : vector<128x1xi32> to vector<128x128xi32>
    %sub3A_1018 = vector.broadcast %slice3A_1016 : vector<1x128xi32> to vector<128x128xi32>
    %sub3A_1019 = arith.subi %sub3A_1017, %sub3A_1018 : vector<128x128xi32>
    %sub3A_1020 = arith.subi %sub3A_1019, %get3A_1 : vector<128x128xi32>
    %shift_right_logical3A_1021 = arith.constant 31 : i32
    %shift_right_logical3A_1022 = vector.broadcast %shift_right_logical3A_1021 : i32 to vector<128x128xi32>
    %shift_right_logical3A_1023 = arith.shrui %sub3A_1020, %shift_right_logical3A_1022 : vector<128x128xi32>
    %concatenate3A_1024 = tpu.concatenate %shift_right_logical3A_1015, %shift_right_logical3A_1023 in 1 : vector<128x1920xi32>, vector<128x128xi32> -> vector<128x2048xi32>
    %add3A_1025 = arith.addi %add3A_979, %concatenate3A_1024 : vector<128x2048xi32>
    %add3A_1026 = arith.addi %add3A_1007, %add3A_1025 : vector<128x2048xi32>
    %reduce_sum3A_1027 = arith.constant dense<0> : vector<2048xi32>
    %reduce_sum3A_1028 = vector.multi_reduction <add>, %add3A_1026, %reduce_sum3A_1027 [0] : vector<128x2048xi32> to vector<2048xi32>
    %broadcast_in_dim3A_1029 = vector.shape_cast %reduce_sum3A_1028 : vector<2048xi32> to vector<1x2048xi32>
    %swap3A_1030 = arith.constant 1 : index
    %swap3A_1031 = arith.constant 0 : index
    %swap3A_1032 = arith.constant 0 : index
    %swap3A_1033 = vector.load %arg11[%swap3A_1030, %swap3A_1031, %swap3A_1032] : memref<4x1x2048xi32, #tpu.memory_space<vmem>>, vector<1x1x2048xi32>
    %swap3A_1034 = vector.shape_cast %swap3A_1033 : vector<1x1x2048xi32> to vector<1x2048xi32>
    %swap3A_1035 = vector.shape_cast %broadcast_in_dim3A_1029 : vector<1x2048xi32> to vector<1x1x2048xi32>
    tpu.vector_store %arg11[%swap3A_1030, %swap3A_1031, %swap3A_1032], %swap3A_1035 {strides = array<i32>} : memref<4x1x2048xi32, #tpu.memory_space<vmem>>, vector<1x1x2048xi32>,
    %get3A_1036 = arith.constant 2 : index
    %get3A_1037 = arith.constant 0 : index
    %get3A_1038 = arith.constant 0 : index
    %get3A_1039 = vector.load %arg2[%get3A_1036, %get3A_1037, %get3A_1038] : memref<4x1x2048xf32, #tpu.memory_space<vmem>>, vector<1x1x2048xf32>
    %get3A_1040 = vector.shape_cast %get3A_1039 : vector<1x1x2048xf32> to vector<1x2048xf32>
    %get3A_1041 = arith.constant 2 : index
    %get3A_1042 = arith.constant 0 : index
    %get3A_1043 = arith.constant 0 : index
    %get3A_1044 = vector.load %arg3[%get3A_1041, %get3A_1042, %get3A_1043] : memref<4x1x2048xf32, #tpu.memory_space<vmem>>, vector<1x1x2048xf32>
    %get3A_1045 = vector.shape_cast %get3A_1044 : vector<1x1x2048xf32> to vector<1x2048xf32>
    %get3A_1046 = arith.constant 2 : index
    %get3A_1047 = arith.constant 0 : index
    %get3A_1048 = arith.constant 0 : index
    %get3A_1049 = vector.load %arg4[%get3A_1046, %get3A_1047, %get3A_1048] : memref<4x1x2048xf32, #tpu.memory_space<vmem>>, vector<1x1x2048xf32>
    %get3A_1050 = vector.shape_cast %get3A_1049 : vector<1x1x2048xf32> to vector<1x2048xf32>
    %get3A_1051 = arith.constant 2 : index
    %get3A_1052 = arith.constant 0 : index
    %get3A_1053 = arith.constant 0 : index
    %get3A_1054 = vector.load %arg5[%get3A_1051, %get3A_1052, %get3A_1053] : memref<4x1x2048xf32, #tpu.memory_space<vmem>>, vector<1x1x2048xf32>
    %get3A_1055 = vector.shape_cast %get3A_1054 : vector<1x1x2048xf32> to vector<1x2048xf32>
    %gt3A_1056 = arith.constant 0.000000e+00 : f32
    %gt3A_1057 = vector.broadcast %gt3A_1056 : f32 to vector<1x2048xf32>
    %gt3A_1058 = arith.cmpf ogt, %get3A_1050, %gt3A_1057 : vector<1x2048xf32>
    %max3A_1059 = arith.maximumf %get3A_1040, %get3A_1045 : vector<1x2048xf32>
    %select_n3A_1060 = arith.select %gt3A_1058, %max3A_1059, %get3A_1040 : vector<1x2048xi1>, vector<1x2048xf32>
    %jit3A_1061 = arith.constant -1.000000e+00 : f32
    %jit3A_1062 = arith.constant 1.000000e+00 : f32
    %max3A_1063 = vector.broadcast %jit3A_1061 : f32 to vector<1x2048xf32>
    %max3A_1064 = arith.maximumf %max3A_1063, %select_n3A_1060 : vector<1x2048xf32>
    %min3A_1065 = vector.broadcast %jit3A_1062 : f32 to vector<1x2048xf32>
    %min3A_1066 = arith.minimumf %min3A_1065, %max3A_1064 : vector<1x2048xf32>
    %add3A_1067 = arith.addf %min3A_1066, %get3A_1055 : vector<1x2048xf32>
    %get3A_1068 = arith.constant 2 : index
    %get3A_1069 = arith.constant 0 : index
    %get3A_1070 = arith.constant 0 : index
    %get3A_1071 = vector.load %arg6[%get3A_1068, %get3A_1069, %get3A_1070] : memref<4x16x128xf32, #tpu.memory_space<vmem>>, vector<1x16x128xf32>
    %get3A_1072 = vector.shape_cast %get3A_1071 : vector<1x16x128xf32> to vector<16x128xf32>
    %get3A_1073 = arith.constant 2 : index
    %get3A_1074 = arith.constant 0 : index
    %get3A_1075 = arith.constant 0 : index
    %get3A_1076 = vector.load %arg7[%get3A_1073, %get3A_1074, %get3A_1075] : memref<4x16x128xf32, #tpu.memory_space<vmem>>, vector<1x16x128xf32>
    %get3A_1077 = vector.shape_cast %get3A_1076 : vector<1x16x128xf32> to vector<16x128xf32>
    %get3A_1078 = arith.constant 2 : index
    %get3A_1079 = arith.constant 0 : index
    %get3A_1080 = arith.constant 0 : index
    %get3A_1081 = vector.load %arg8[%get3A_1078, %get3A_1079, %get3A_1080] : memref<4x16x128xf32, #tpu.memory_space<vmem>>, vector<1x16x128xf32>
    %get3A_1082 = vector.shape_cast %get3A_1081 : vector<1x16x128xf32> to vector<16x128xf32>
    %get3A_1083 = arith.constant 2 : index
    %get3A_1084 = arith.constant 0 : index
    %get3A_1085 = arith.constant 0 : index
    %get3A_1086 = vector.load %arg9[%get3A_1083, %get3A_1084, %get3A_1085] : memref<4x16x128xf32, #tpu.memory_space<vmem>>, vector<1x16x128xf32>
    %get3A_1087 = vector.shape_cast %get3A_1086 : vector<1x16x128xf32> to vector<16x128xf32>
    %gt3A_1088 = arith.constant 0.000000e+00 : f32
    %gt3A_1089 = vector.broadcast %gt3A_1088 : f32 to vector<16x128xf32>
    %gt3A_1090 = arith.cmpf ogt, %get3A_1082, %gt3A_1089 : vector<16x128xf32>
    %max3A_1091 = arith.maximumf %get3A_1072, %get3A_1077 : vector<16x128xf32>
    %select_n3A_1092 = arith.select %gt3A_1090, %max3A_1091, %get3A_1072 : vector<16x128xi1>, vector<16x128xf32>
    %jit3A_1093 = arith.constant -1.000000e+00 : f32
    %jit3A_1094 = arith.constant 1.000000e+00 : f32
    %max3A_1095 = vector.broadcast %jit3A_1093 : f32 to vector<16x128xf32>
    %max3A_1096 = arith.maximumf %max3A_1095, %select_n3A_1092 : vector<16x128xf32>
    %min3A_1097 = vector.broadcast %jit3A_1094 : f32 to vector<16x128xf32>
    %min3A_1098 = arith.minimumf %min3A_1097, %max3A_1096 : vector<16x128xf32>
    %add3A_1099 = arith.addf %min3A_1098, %get3A_1087 : vector<16x128xf32>
    %bitcast_convert_type3A_1100 = tpu.bitcast %add3A_1067 : vector<1x2048xf32> -> vector<1x2048xi32>
    %shift_right_arithmetic3A_1101 = arith.constant 31 : i32
    %shift_right_arithmetic3A_1102 = vector.broadcast %shift_right_arithmetic3A_1101 : i32 to vector<1x2048xi32>
    %shift_right_arithmetic3A_1103 = arith.shrsi %bitcast_convert_type3A_1100, %shift_right_arithmetic3A_1102 : vector<1x2048xi32>
    %and3A_1104 = arith.constant 2147483647 : i32
    %and3A_1105 = vector.broadcast %and3A_1104 : i32 to vector<1x2048xi32>
    %and3A_1106 = arith.andi %shift_right_arithmetic3A_1103, %and3A_1105 : vector<1x2048xi32>
    %xor3A_1107 = arith.xori %bitcast_convert_type3A_1100, %and3A_1106 : vector<1x2048xi32>
    %bitcast_convert_type3A_1108 = tpu.bitcast %add3A_1099 : vector<16x128xf32> -> vector<16x128xi32>
    %shift_right_arithmetic3A_1109 = arith.constant 31 : i32
    %shift_right_arithmetic3A_1110 = vector.broadcast %shift_right_arithmetic3A_1109 : i32 to vector<16x128xi32>
    %shift_right_arithmetic3A_1111 = arith.shrsi %bitcast_convert_type3A_1108, %shift_right_arithmetic3A_1110 : vector<16x128xi32>
    %and3A_1112 = arith.constant 2147483647 : i32
    %and3A_1113 = vector.broadcast %and3A_1112 : i32 to vector<16x128xi32>
    %and3A_1114 = arith.andi %shift_right_arithmetic3A_1111, %and3A_1113 : vector<16x128xi32>
    %xor3A_1115 = arith.xori %bitcast_convert_type3A_1108, %and3A_1114 : vector<16x128xi32>
    %transpose3A_1116 = tpu.transpose %xor3A_1115, [1, 0] : vector<16x128xi32> -> vector<128x16xi32>
    %broadcast_in_dim3A_1117 = arith.constant 0 : i32
    %broadcast_in_dim3A_1118 = vector.broadcast %broadcast_in_dim3A_1117 : i32 to vector<128x2048xi32>
    %broadcast_in_dim3A_1119 = arith.constant 0 : i32
    %broadcast_in_dim3A_1120 = vector.broadcast %broadcast_in_dim3A_1119 : i32 to vector<128x2048xi32>
    %slice3A_1121 = vector.extract_strided_slice %transpose3A_1116 {offsets = [0, 0], sizes = [128, 1], strides = [1, 1]} : vector<128x16xi32> to vector<128x1xi32>
    %sub3A_1122 = arith.constant 1 : i32
    %sub3A_1123 = vector.broadcast %sub3A_1122 : i32 to vector<128x1xi32>
    %sub3A_1124 = arith.subi %slice3A_1121, %sub3A_1123 : vector<128x1xi32>
    %slice3A_1125 = vector.extract_strided_slice %xor3A_1107 {offsets = [0, 0], sizes = [1, 128], strides = [1, 1]} : vector<1x2048xi32> to vector<1x128xi32>
    %sub3A_1126 = vector.broadcast %slice3A_1121 : vector<128x1xi32> to vector<128x128xi32>
    %sub3A_1127 = vector.broadcast %slice3A_1125 : vector<1x128xi32> to vector<128x128xi32>
    %sub3A_1128 = arith.subi %sub3A_1126, %sub3A_1127 : vector<128x128xi32>
    %sub3A_1129 = arith.subi %sub3A_1128, %get3A_1 : vector<128x128xi32>
    %shift_right_logical3A_1130 = arith.constant 31 : i32
    %shift_right_logical3A_1131 = vector.broadcast %shift_right_logical3A_1130 : i32 to vector<128x128xi32>
    %shift_right_logical3A_1132 = arith.shrui %sub3A_1129, %shift_right_logical3A_1131 : vector<128x128xi32>
    %slice3A_1133 = vector.extract_strided_slice %xor3A_1107 {offsets = [0, 128], sizes = [1, 1920], strides = [1, 1]} : vector<1x2048xi32> to vector<1x1920xi32>
    %sub3A_1134 = vector.broadcast %sub3A_1124 : vector<128x1xi32> to vector<128x1920xi32>
    %sub3A_1135 = vector.broadcast %slice3A_1133 : vector<1x1920xi32> to vector<128x1920xi32>
    %sub3A_1136 = arith.subi %sub3A_1134, %sub3A_1135 : vector<128x1920xi32>
    %shift_right_logical3A_1137 = arith.constant 31 : i32
    %shift_right_logical3A_1138 = vector.broadcast %shift_right_logical3A_1137 : i32 to vector<128x1920xi32>
    %shift_right_logical3A_1139 = arith.shrui %sub3A_1136, %shift_right_logical3A_1138 : vector<128x1920xi32>
    %concatenate3A_1140 = tpu.concatenate %shift_right_logical3A_1132, %shift_right_logical3A_1139 in 1 : vector<128x128xi32>, vector<128x1920xi32> -> vector<128x2048xi32>
    %add3A_1141 = arith.addi %broadcast_in_dim3A_1118, %concatenate3A_1140 : vector<128x2048xi32>
    %slice3A_1142 = vector.extract_strided_slice %transpose3A_1116 {offsets = [0, 1], sizes = [128, 1], strides = [1, 1]} : vector<128x16xi32> to vector<128x1xi32>
    %sub3A_1143 = arith.constant 1 : i32
    %sub3A_1144 = vector.broadcast %sub3A_1143 : i32 to vector<128x1xi32>
    %sub3A_1145 = arith.subi %slice3A_1142, %sub3A_1144 : vector<128x1xi32>
    %slice3A_1146 = vector.extract_strided_slice %xor3A_1107 {offsets = [0, 0], sizes = [1, 128], strides = [1, 1]} : vector<1x2048xi32> to vector<1x128xi32>
    %sub3A_1147 = vector.broadcast %slice3A_1142 : vector<128x1xi32> to vector<128x128xi32>
    %sub3A_1148 = vector.broadcast %slice3A_1146 : vector<1x128xi32> to vector<128x128xi32>
    %sub3A_1149 = arith.subi %sub3A_1147, %sub3A_1148 : vector<128x128xi32>
    %shift_right_logical3A_1150 = arith.constant 31 : i32
    %shift_right_logical3A_1151 = vector.broadcast %shift_right_logical3A_1150 : i32 to vector<128x128xi32>
    %shift_right_logical3A_1152 = arith.shrui %sub3A_1149, %shift_right_logical3A_1151 : vector<128x128xi32>
    %slice3A_1153 = vector.extract_strided_slice %xor3A_1107 {offsets = [0, 128], sizes = [1, 128], strides = [1, 1]} : vector<1x2048xi32> to vector<1x128xi32>
    %sub3A_1154 = vector.broadcast %slice3A_1142 : vector<128x1xi32> to vector<128x128xi32>
    %sub3A_1155 = vector.broadcast %slice3A_1153 : vector<1x128xi32> to vector<128x128xi32>
    %sub3A_1156 = arith.subi %sub3A_1154, %sub3A_1155 : vector<128x128xi32>
    %sub3A_1157 = arith.subi %sub3A_1156, %get3A_1 : vector<128x128xi32>
    %shift_right_logical3A_1158 = arith.constant 31 : i32
    %shift_right_logical3A_1159 = vector.broadcast %shift_right_logical3A_1158 : i32 to vector<128x128xi32>
    %shift_right_logical3A_1160 = arith.shrui %sub3A_1157, %shift_right_logical3A_1159 : vector<128x128xi32>
    %slice3A_1161 = vector.extract_strided_slice %xor3A_1107 {offsets = [0, 256], sizes = [1, 1792], strides = [1, 1]} : vector<1x2048xi32> to vector<1x1792xi32>
    %sub3A_1162 = vector.broadcast %sub3A_1145 : vector<128x1xi32> to vector<128x1792xi32>
    %sub3A_1163 = vector.broadcast %slice3A_1161 : vector<1x1792xi32> to vector<128x1792xi32>
    %sub3A_1164 = arith.subi %sub3A_1162, %sub3A_1163 : vector<128x1792xi32>
    %shift_right_logical3A_1165 = arith.constant 31 : i32
    %shift_right_logical3A_1166 = vector.broadcast %shift_right_logical3A_1165 : i32 to vector<128x1792xi32>
    %shift_right_logical3A_1167 = arith.shrui %sub3A_1164, %shift_right_logical3A_1166 : vector<128x1792xi32>
    %concatenate3A_1168 = tpu.concatenate %shift_right_logical3A_1152, %shift_right_logical3A_1160, %shift_right_logical3A_1167 in 1 : vector<128x128xi32>, vector<128x128xi32>, vector<128x1792xi32> -> vector<128x2048xi32>
    %add3A_1169 = arith.addi %broadcast_in_dim3A_1120, %concatenate3A_1168 : vector<128x2048xi32>
    %slice3A_1170 = vector.extract_strided_slice %transpose3A_1116 {offsets = [0, 2], sizes = [128, 1], strides = [1, 1]} : vector<128x16xi32> to vector<128x1xi32>
    %sub3A_1171 = arith.constant 1 : i32
    %sub3A_1172 = vector.broadcast %sub3A_1171 : i32 to vector<128x1xi32>
    %sub3A_1173 = arith.subi %slice3A_1170, %sub3A_1172 : vector<128x1xi32>
    %slice3A_1174 = vector.extract_strided_slice %xor3A_1107 {offsets = [0, 0], sizes = [1, 256], strides = [1, 1]} : vector<1x2048xi32> to vector<1x256xi32>
    %sub3A_1175 = vector.broadcast %slice3A_1170 : vector<128x1xi32> to vector<128x256xi32>
    %sub3A_1176 = vector.broadcast %slice3A_1174 : vector<1x256xi32> to vector<128x256xi32>
    %sub3A_1177 = arith.subi %sub3A_1175, %sub3A_1176 : vector<128x256xi32>
    %shift_right_logical3A_1178 = arith.constant 31 : i32
    %shift_right_logical3A_1179 = vector.broadcast %shift_right_logical3A_1178 : i32 to vector<128x256xi32>
    %shift_right_logical3A_1180 = arith.shrui %sub3A_1177, %shift_right_logical3A_1179 : vector<128x256xi32>
    %slice3A_1181 = vector.extract_strided_slice %xor3A_1107 {offsets = [0, 256], sizes = [1, 128], strides = [1, 1]} : vector<1x2048xi32> to vector<1x128xi32>
    %sub3A_1182 = vector.broadcast %slice3A_1170 : vector<128x1xi32> to vector<128x128xi32>
    %sub3A_1183 = vector.broadcast %slice3A_1181 : vector<1x128xi32> to vector<128x128xi32>
    %sub3A_1184 = arith.subi %sub3A_1182, %sub3A_1183 : vector<128x128xi32>
    %sub3A_1185 = arith.subi %sub3A_1184, %get3A_1 : vector<128x128xi32>
    %shift_right_logical3A_1186 = arith.constant 31 : i32
    %shift_right_logical3A_1187 = vector.broadcast %shift_right_logical3A_1186 : i32 to vector<128x128xi32>
    %shift_right_logical3A_1188 = arith.shrui %sub3A_1185, %shift_right_logical3A_1187 : vector<128x128xi32>
    %slice3A_1189 = vector.extract_strided_slice %xor3A_1107 {offsets = [0, 384], sizes = [1, 1664], strides = [1, 1]} : vector<1x2048xi32> to vector<1x1664xi32>
    %sub3A_1190 = vector.broadcast %sub3A_1173 : vector<128x1xi32> to vector<128x1664xi32>
    %sub3A_1191 = vector.broadcast %slice3A_1189 : vector<1x1664xi32> to vector<128x1664xi32>
    %sub3A_1192 = arith.subi %sub3A_1190, %sub3A_1191 : vector<128x1664xi32>
    %shift_right_logical3A_1193 = arith.constant 31 : i32
    %shift_right_logical3A_1194 = vector.broadcast %shift_right_logical3A_1193 : i32 to vector<128x1664xi32>
    %shift_right_logical3A_1195 = arith.shrui %sub3A_1192, %shift_right_logical3A_1194 : vector<128x1664xi32>
    %concatenate3A_1196 = tpu.concatenate %shift_right_logical3A_1180, %shift_right_logical3A_1188, %shift_right_logical3A_1195 in 1 : vector<128x256xi32>, vector<128x128xi32>, vector<128x1664xi32> -> vector<128x2048xi32>
    %add3A_1197 = arith.addi %add3A_1141, %concatenate3A_1196 : vector<128x2048xi32>
    %slice3A_1198 = vector.extract_strided_slice %transpose3A_1116 {offsets = [0, 3], sizes = [128, 1], strides = [1, 1]} : vector<128x16xi32> to vector<128x1xi32>
    %sub3A_1199 = arith.constant 1 : i32
    %sub3A_1200 = vector.broadcast %sub3A_1199 : i32 to vector<128x1xi32>
    %sub3A_1201 = arith.subi %slice3A_1198, %sub3A_1200 : vector<128x1xi32>
    %slice3A_1202 = vector.extract_strided_slice %xor3A_1107 {offsets = [0, 0], sizes = [1, 384], strides = [1, 1]} : vector<1x2048xi32> to vector<1x384xi32>
    %sub3A_1203 = vector.broadcast %slice3A_1198 : vector<128x1xi32> to vector<128x384xi32>
    %sub3A_1204 = vector.broadcast %slice3A_1202 : vector<1x384xi32> to vector<128x384xi32>
    %sub3A_1205 = arith.subi %sub3A_1203, %sub3A_1204 : vector<128x384xi32>
    %shift_right_logical3A_1206 = arith.constant 31 : i32
    %shift_right_logical3A_1207 = vector.broadcast %shift_right_logical3A_1206 : i32 to vector<128x384xi32>
    %shift_right_logical3A_1208 = arith.shrui %sub3A_1205, %shift_right_logical3A_1207 : vector<128x384xi32>
    %slice3A_1209 = vector.extract_strided_slice %xor3A_1107 {offsets = [0, 384], sizes = [1, 128], strides = [1, 1]} : vector<1x2048xi32> to vector<1x128xi32>
    %sub3A_1210 = vector.broadcast %slice3A_1198 : vector<128x1xi32> to vector<128x128xi32>
    %sub3A_1211 = vector.broadcast %slice3A_1209 : vector<1x128xi32> to vector<128x128xi32>
    %sub3A_1212 = arith.subi %sub3A_1210, %sub3A_1211 : vector<128x128xi32>
    %sub3A_1213 = arith.subi %sub3A_1212, %get3A_1 : vector<128x128xi32>
    %shift_right_logical3A_1214 = arith.constant 31 : i32
    %shift_right_logical3A_1215 = vector.broadcast %shift_right_logical3A_1214 : i32 to vector<128x128xi32>
    %shift_right_logical3A_1216 = arith.shrui %sub3A_1213, %shift_right_logical3A_1215 : vector<128x128xi32>
    %slice3A_1217 = vector.extract_strided_slice %xor3A_1107 {offsets = [0, 512], sizes = [1, 1536], strides = [1, 1]} : vector<1x2048xi32> to vector<1x1536xi32>
    %sub3A_1218 = vector.broadcast %sub3A_1201 : vector<128x1xi32> to vector<128x1536xi32>
    %sub3A_1219 = vector.broadcast %slice3A_1217 : vector<1x1536xi32> to vector<128x1536xi32>
    %sub3A_1220 = arith.subi %sub3A_1218, %sub3A_1219 : vector<128x1536xi32>
    %shift_right_logical3A_1221 = arith.constant 31 : i32
    %shift_right_logical3A_1222 = vector.broadcast %shift_right_logical3A_1221 : i32 to vector<128x1536xi32>
    %shift_right_logical3A_1223 = arith.shrui %sub3A_1220, %shift_right_logical3A_1222 : vector<128x1536xi32>
    %concatenate3A_1224 = tpu.concatenate %shift_right_logical3A_1208, %shift_right_logical3A_1216, %shift_right_logical3A_1223 in 1 : vector<128x384xi32>, vector<128x128xi32>, vector<128x1536xi32> -> vector<128x2048xi32>
    %add3A_1225 = arith.addi %add3A_1169, %concatenate3A_1224 : vector<128x2048xi32>
    %slice3A_1226 = vector.extract_strided_slice %transpose3A_1116 {offsets = [0, 4], sizes = [128, 1], strides = [1, 1]} : vector<128x16xi32> to vector<128x1xi32>
    %sub3A_1227 = arith.constant 1 : i32
    %sub3A_1228 = vector.broadcast %sub3A_1227 : i32 to vector<128x1xi32>
    %sub3A_1229 = arith.subi %slice3A_1226, %sub3A_1228 : vector<128x1xi32>
    %slice3A_1230 = vector.extract_strided_slice %xor3A_1107 {offsets = [0, 0], sizes = [1, 512], strides = [1, 1]} : vector<1x2048xi32> to vector<1x512xi32>
    %sub3A_1231 = vector.broadcast %slice3A_1226 : vector<128x1xi32> to vector<128x512xi32>
    %sub3A_1232 = vector.broadcast %slice3A_1230 : vector<1x512xi32> to vector<128x512xi32>
    %sub3A_1233 = arith.subi %sub3A_1231, %sub3A_1232 : vector<128x512xi32>
    %shift_right_logical3A_1234 = arith.constant 31 : i32
    %shift_right_logical3A_1235 = vector.broadcast %shift_right_logical3A_1234 : i32 to vector<128x512xi32>
    %shift_right_logical3A_1236 = arith.shrui %sub3A_1233, %shift_right_logical3A_1235 : vector<128x512xi32>
    %slice3A_1237 = vector.extract_strided_slice %xor3A_1107 {offsets = [0, 512], sizes = [1, 128], strides = [1, 1]} : vector<1x2048xi32> to vector<1x128xi32>
    %sub3A_1238 = vector.broadcast %slice3A_1226 : vector<128x1xi32> to vector<128x128xi32>
    %sub3A_1239 = vector.broadcast %slice3A_1237 : vector<1x128xi32> to vector<128x128xi32>
    %sub3A_1240 = arith.subi %sub3A_1238, %sub3A_1239 : vector<128x128xi32>
    %sub3A_1241 = arith.subi %sub3A_1240, %get3A_1 : vector<128x128xi32>
    %shift_right_logical3A_1242 = arith.constant 31 : i32
    %shift_right_logical3A_1243 = vector.broadcast %shift_right_logical3A_1242 : i32 to vector<128x128xi32>
    %shift_right_logical3A_1244 = arith.shrui %sub3A_1241, %shift_right_logical3A_1243 : vector<128x128xi32>
    %slice3A_1245 = vector.extract_strided_slice %xor3A_1107 {offsets = [0, 640], sizes = [1, 1408], strides = [1, 1]} : vector<1x2048xi32> to vector<1x1408xi32>
    %sub3A_1246 = vector.broadcast %sub3A_1229 : vector<128x1xi32> to vector<128x1408xi32>
    %sub3A_1247 = vector.broadcast %slice3A_1245 : vector<1x1408xi32> to vector<128x1408xi32>
    %sub3A_1248 = arith.subi %sub3A_1246, %sub3A_1247 : vector<128x1408xi32>
    %shift_right_logical3A_1249 = arith.constant 31 : i32
    %shift_right_logical3A_1250 = vector.broadcast %shift_right_logical3A_1249 : i32 to vector<128x1408xi32>
    %shift_right_logical3A_1251 = arith.shrui %sub3A_1248, %shift_right_logical3A_1250 : vector<128x1408xi32>
    %concatenate3A_1252 = tpu.concatenate %shift_right_logical3A_1236, %shift_right_logical3A_1244, %shift_right_logical3A_1251 in 1 : vector<128x512xi32>, vector<128x128xi32>, vector<128x1408xi32> -> vector<128x2048xi32>
    %add3A_1253 = arith.addi %add3A_1197, %concatenate3A_1252 : vector<128x2048xi32>
    %slice3A_1254 = vector.extract_strided_slice %transpose3A_1116 {offsets = [0, 5], sizes = [128, 1], strides = [1, 1]} : vector<128x16xi32> to vector<128x1xi32>
    %sub3A_1255 = arith.constant 1 : i32
    %sub3A_1256 = vector.broadcast %sub3A_1255 : i32 to vector<128x1xi32>
    %sub3A_1257 = arith.subi %slice3A_1254, %sub3A_1256 : vector<128x1xi32>
    %slice3A_1258 = vector.extract_strided_slice %xor3A_1107 {offsets = [0, 0], sizes = [1, 640], strides = [1, 1]} : vector<1x2048xi32> to vector<1x640xi32>
    %sub3A_1259 = vector.broadcast %slice3A_1254 : vector<128x1xi32> to vector<128x640xi32>
    %sub3A_1260 = vector.broadcast %slice3A_1258 : vector<1x640xi32> to vector<128x640xi32>
    %sub3A_1261 = arith.subi %sub3A_1259, %sub3A_1260 : vector<128x640xi32>
    %shift_right_logical3A_1262 = arith.constant 31 : i32
    %shift_right_logical3A_1263 = vector.broadcast %shift_right_logical3A_1262 : i32 to vector<128x640xi32>
    %shift_right_logical3A_1264 = arith.shrui %sub3A_1261, %shift_right_logical3A_1263 : vector<128x640xi32>
    %slice3A_1265 = vector.extract_strided_slice %xor3A_1107 {offsets = [0, 640], sizes = [1, 128], strides = [1, 1]} : vector<1x2048xi32> to vector<1x128xi32>
    %sub3A_1266 = vector.broadcast %slice3A_1254 : vector<128x1xi32> to vector<128x128xi32>
    %sub3A_1267 = vector.broadcast %slice3A_1265 : vector<1x128xi32> to vector<128x128xi32>
    %sub3A_1268 = arith.subi %sub3A_1266, %sub3A_1267 : vector<128x128xi32>
    %sub3A_1269 = arith.subi %sub3A_1268, %get3A_1 : vector<128x128xi32>
    %shift_right_logical3A_1270 = arith.constant 31 : i32
    %shift_right_logical3A_1271 = vector.broadcast %shift_right_logical3A_1270 : i32 to vector<128x128xi32>
    %shift_right_logical3A_1272 = arith.shrui %sub3A_1269, %shift_right_logical3A_1271 : vector<128x128xi32>
    %slice3A_1273 = vector.extract_strided_slice %xor3A_1107 {offsets = [0, 768], sizes = [1, 1280], strides = [1, 1]} : vector<1x2048xi32> to vector<1x1280xi32>
    %sub3A_1274 = vector.broadcast %sub3A_1257 : vector<128x1xi32> to vector<128x1280xi32>
    %sub3A_1275 = vector.broadcast %slice3A_1273 : vector<1x1280xi32> to vector<128x1280xi32>
    %sub3A_1276 = arith.subi %sub3A_1274, %sub3A_1275 : vector<128x1280xi32>
    %shift_right_logical3A_1277 = arith.constant 31 : i32
    %shift_right_logical3A_1278 = vector.broadcast %shift_right_logical3A_1277 : i32 to vector<128x1280xi32>
    %shift_right_logical3A_1279 = arith.shrui %sub3A_1276, %shift_right_logical3A_1278 : vector<128x1280xi32>
    %concatenate3A_1280 = tpu.concatenate %shift_right_logical3A_1264, %shift_right_logical3A_1272, %shift_right_logical3A_1279 in 1 : vector<128x640xi32>, vector<128x128xi32>, vector<128x1280xi32> -> vector<128x2048xi32>
    %add3A_1281 = arith.addi %add3A_1225, %concatenate3A_1280 : vector<128x2048xi32>
    %slice3A_1282 = vector.extract_strided_slice %transpose3A_1116 {offsets = [0, 6], sizes = [128, 1], strides = [1, 1]} : vector<128x16xi32> to vector<128x1xi32>
    %sub3A_1283 = arith.constant 1 : i32
    %sub3A_1284 = vector.broadcast %sub3A_1283 : i32 to vector<128x1xi32>
    %sub3A_1285 = arith.subi %slice3A_1282, %sub3A_1284 : vector<128x1xi32>
    %slice3A_1286 = vector.extract_strided_slice %xor3A_1107 {offsets = [0, 0], sizes = [1, 768], strides = [1, 1]} : vector<1x2048xi32> to vector<1x768xi32>
    %sub3A_1287 = vector.broadcast %slice3A_1282 : vector<128x1xi32> to vector<128x768xi32>
    %sub3A_1288 = vector.broadcast %slice3A_1286 : vector<1x768xi32> to vector<128x768xi32>
    %sub3A_1289 = arith.subi %sub3A_1287, %sub3A_1288 : vector<128x768xi32>
    %shift_right_logical3A_1290 = arith.constant 31 : i32
    %shift_right_logical3A_1291 = vector.broadcast %shift_right_logical3A_1290 : i32 to vector<128x768xi32>
    %shift_right_logical3A_1292 = arith.shrui %sub3A_1289, %shift_right_logical3A_1291 : vector<128x768xi32>
    %slice3A_1293 = vector.extract_strided_slice %xor3A_1107 {offsets = [0, 768], sizes = [1, 128], strides = [1, 1]} : vector<1x2048xi32> to vector<1x128xi32>
    %sub3A_1294 = vector.broadcast %slice3A_1282 : vector<128x1xi32> to vector<128x128xi32>
    %sub3A_1295 = vector.broadcast %slice3A_1293 : vector<1x128xi32> to vector<128x128xi32>
    %sub3A_1296 = arith.subi %sub3A_1294, %sub3A_1295 : vector<128x128xi32>
    %sub3A_1297 = arith.subi %sub3A_1296, %get3A_1 : vector<128x128xi32>
    %shift_right_logical3A_1298 = arith.constant 31 : i32
    %shift_right_logical3A_1299 = vector.broadcast %shift_right_logical3A_1298 : i32 to vector<128x128xi32>
    %shift_right_logical3A_1300 = arith.shrui %sub3A_1297, %shift_right_logical3A_1299 : vector<128x128xi32>
    %slice3A_1301 = vector.extract_strided_slice %xor3A_1107 {offsets = [0, 896], sizes = [1, 1152], strides = [1, 1]} : vector<1x2048xi32> to vector<1x1152xi32>
    %sub3A_1302 = vector.broadcast %sub3A_1285 : vector<128x1xi32> to vector<128x1152xi32>
    %sub3A_1303 = vector.broadcast %slice3A_1301 : vector<1x1152xi32> to vector<128x1152xi32>
    %sub3A_1304 = arith.subi %sub3A_1302, %sub3A_1303 : vector<128x1152xi32>
    %shift_right_logical3A_1305 = arith.constant 31 : i32
    %shift_right_logical3A_1306 = vector.broadcast %shift_right_logical3A_1305 : i32 to vector<128x1152xi32>
    %shift_right_logical3A_1307 = arith.shrui %sub3A_1304, %shift_right_logical3A_1306 : vector<128x1152xi32>
    %concatenate3A_1308 = tpu.concatenate %shift_right_logical3A_1292, %shift_right_logical3A_1300, %shift_right_logical3A_1307 in 1 : vector<128x768xi32>, vector<128x128xi32>, vector<128x1152xi32> -> vector<128x2048xi32>
    %add3A_1309 = arith.addi %add3A_1253, %concatenate3A_1308 : vector<128x2048xi32>
    %slice3A_1310 = vector.extract_strided_slice %transpose3A_1116 {offsets = [0, 7], sizes = [128, 1], strides = [1, 1]} : vector<128x16xi32> to vector<128x1xi32>
    %sub3A_1311 = arith.constant 1 : i32
    %sub3A_1312 = vector.broadcast %sub3A_1311 : i32 to vector<128x1xi32>
    %sub3A_1313 = arith.subi %slice3A_1310, %sub3A_1312 : vector<128x1xi32>
    %slice3A_1314 = vector.extract_strided_slice %xor3A_1107 {offsets = [0, 0], sizes = [1, 896], strides = [1, 1]} : vector<1x2048xi32> to vector<1x896xi32>
    %sub3A_1315 = vector.broadcast %slice3A_1310 : vector<128x1xi32> to vector<128x896xi32>
    %sub3A_1316 = vector.broadcast %slice3A_1314 : vector<1x896xi32> to vector<128x896xi32>
    %sub3A_1317 = arith.subi %sub3A_1315, %sub3A_1316 : vector<128x896xi32>
    %shift_right_logical3A_1318 = arith.constant 31 : i32
    %shift_right_logical3A_1319 = vector.broadcast %shift_right_logical3A_1318 : i32 to vector<128x896xi32>
    %shift_right_logical3A_1320 = arith.shrui %sub3A_1317, %shift_right_logical3A_1319 : vector<128x896xi32>
    %slice3A_1321 = vector.extract_strided_slice %xor3A_1107 {offsets = [0, 896], sizes = [1, 128], strides = [1, 1]} : vector<1x2048xi32> to vector<1x128xi32>
    %sub3A_1322 = vector.broadcast %slice3A_1310 : vector<128x1xi32> to vector<128x128xi32>
    %sub3A_1323 = vector.broadcast %slice3A_1321 : vector<1x128xi32> to vector<128x128xi32>
    %sub3A_1324 = arith.subi %sub3A_1322, %sub3A_1323 : vector<128x128xi32>
    %sub3A_1325 = arith.subi %sub3A_1324, %get3A_1 : vector<128x128xi32>
    %shift_right_logical3A_1326 = arith.constant 31 : i32
    %shift_right_logical3A_1327 = vector.broadcast %shift_right_logical3A_1326 : i32 to vector<128x128xi32>
    %shift_right_logical3A_1328 = arith.shrui %sub3A_1325, %shift_right_logical3A_1327 : vector<128x128xi32>
    %slice3A_1329 = vector.extract_strided_slice %xor3A_1107 {offsets = [0, 1024], sizes = [1, 1024], strides = [1, 1]} : vector<1x2048xi32> to vector<1x1024xi32>
    %sub3A_1330 = vector.broadcast %sub3A_1313 : vector<128x1xi32> to vector<128x1024xi32>
    %sub3A_1331 = vector.broadcast %slice3A_1329 : vector<1x1024xi32> to vector<128x1024xi32>
    %sub3A_1332 = arith.subi %sub3A_1330, %sub3A_1331 : vector<128x1024xi32>
    %shift_right_logical3A_1333 = arith.constant 31 : i32
    %shift_right_logical3A_1334 = vector.broadcast %shift_right_logical3A_1333 : i32 to vector<128x1024xi32>
    %shift_right_logical3A_1335 = arith.shrui %sub3A_1332, %shift_right_logical3A_1334 : vector<128x1024xi32>
    %concatenate3A_1336 = tpu.concatenate %shift_right_logical3A_1320, %shift_right_logical3A_1328, %shift_right_logical3A_1335 in 1 : vector<128x896xi32>, vector<128x128xi32>, vector<128x1024xi32> -> vector<128x2048xi32>
    %add3A_1337 = arith.addi %add3A_1281, %concatenate3A_1336 : vector<128x2048xi32>
    %slice3A_1338 = vector.extract_strided_slice %transpose3A_1116 {offsets = [0, 8], sizes = [128, 1], strides = [1, 1]} : vector<128x16xi32> to vector<128x1xi32>
    %sub3A_1339 = arith.constant 1 : i32
    %sub3A_1340 = vector.broadcast %sub3A_1339 : i32 to vector<128x1xi32>
    %sub3A_1341 = arith.subi %slice3A_1338, %sub3A_1340 : vector<128x1xi32>
    %slice3A_1342 = vector.extract_strided_slice %xor3A_1107 {offsets = [0, 0], sizes = [1, 1024], strides = [1, 1]} : vector<1x2048xi32> to vector<1x1024xi32>
    %sub3A_1343 = vector.broadcast %slice3A_1338 : vector<128x1xi32> to vector<128x1024xi32>
    %sub3A_1344 = vector.broadcast %slice3A_1342 : vector<1x1024xi32> to vector<128x1024xi32>
    %sub3A_1345 = arith.subi %sub3A_1343, %sub3A_1344 : vector<128x1024xi32>
    %shift_right_logical3A_1346 = arith.constant 31 : i32
    %shift_right_logical3A_1347 = vector.broadcast %shift_right_logical3A_1346 : i32 to vector<128x1024xi32>
    %shift_right_logical3A_1348 = arith.shrui %sub3A_1345, %shift_right_logical3A_1347 : vector<128x1024xi32>
    %slice3A_1349 = vector.extract_strided_slice %xor3A_1107 {offsets = [0, 1024], sizes = [1, 128], strides = [1, 1]} : vector<1x2048xi32> to vector<1x128xi32>
    %sub3A_1350 = vector.broadcast %slice3A_1338 : vector<128x1xi32> to vector<128x128xi32>
    %sub3A_1351 = vector.broadcast %slice3A_1349 : vector<1x128xi32> to vector<128x128xi32>
    %sub3A_1352 = arith.subi %sub3A_1350, %sub3A_1351 : vector<128x128xi32>
    %sub3A_1353 = arith.subi %sub3A_1352, %get3A_1 : vector<128x128xi32>
    %shift_right_logical3A_1354 = arith.constant 31 : i32
    %shift_right_logical3A_1355 = vector.broadcast %shift_right_logical3A_1354 : i32 to vector<128x128xi32>
    %shift_right_logical3A_1356 = arith.shrui %sub3A_1353, %shift_right_logical3A_1355 : vector<128x128xi32>
    %slice3A_1357 = vector.extract_strided_slice %xor3A_1107 {offsets = [0, 1152], sizes = [1, 896], strides = [1, 1]} : vector<1x2048xi32> to vector<1x896xi32>
    %sub3A_1358 = vector.broadcast %sub3A_1341 : vector<128x1xi32> to vector<128x896xi32>
    %sub3A_1359 = vector.broadcast %slice3A_1357 : vector<1x896xi32> to vector<128x896xi32>
    %sub3A_1360 = arith.subi %sub3A_1358, %sub3A_1359 : vector<128x896xi32>
    %shift_right_logical3A_1361 = arith.constant 31 : i32
    %shift_right_logical3A_1362 = vector.broadcast %shift_right_logical3A_1361 : i32 to vector<128x896xi32>
    %shift_right_logical3A_1363 = arith.shrui %sub3A_1360, %shift_right_logical3A_1362 : vector<128x896xi32>
    %concatenate3A_1364 = tpu.concatenate %shift_right_logical3A_1348, %shift_right_logical3A_1356, %shift_right_logical3A_1363 in 1 : vector<128x1024xi32>, vector<128x128xi32>, vector<128x896xi32> -> vector<128x2048xi32>
    %add3A_1365 = arith.addi %add3A_1309, %concatenate3A_1364 : vector<128x2048xi32>
    %slice3A_1366 = vector.extract_strided_slice %transpose3A_1116 {offsets = [0, 9], sizes = [128, 1], strides = [1, 1]} : vector<128x16xi32> to vector<128x1xi32>
    %sub3A_1367 = arith.constant 1 : i32
    %sub3A_1368 = vector.broadcast %sub3A_1367 : i32 to vector<128x1xi32>
    %sub3A_1369 = arith.subi %slice3A_1366, %sub3A_1368 : vector<128x1xi32>
    %slice3A_1370 = vector.extract_strided_slice %xor3A_1107 {offsets = [0, 0], sizes = [1, 1152], strides = [1, 1]} : vector<1x2048xi32> to vector<1x1152xi32>
    %sub3A_1371 = vector.broadcast %slice3A_1366 : vector<128x1xi32> to vector<128x1152xi32>
    %sub3A_1372 = vector.broadcast %slice3A_1370 : vector<1x1152xi32> to vector<128x1152xi32>
    %sub3A_1373 = arith.subi %sub3A_1371, %sub3A_1372 : vector<128x1152xi32>
    %shift_right_logical3A_1374 = arith.constant 31 : i32
    %shift_right_logical3A_1375 = vector.broadcast %shift_right_logical3A_1374 : i32 to vector<128x1152xi32>
    %shift_right_logical3A_1376 = arith.shrui %sub3A_1373, %shift_right_logical3A_1375 : vector<128x1152xi32>
    %slice3A_1377 = vector.extract_strided_slice %xor3A_1107 {offsets = [0, 1152], sizes = [1, 128], strides = [1, 1]} : vector<1x2048xi32> to vector<1x128xi32>
    %sub3A_1378 = vector.broadcast %slice3A_1366 : vector<128x1xi32> to vector<128x128xi32>
    %sub3A_1379 = vector.broadcast %slice3A_1377 : vector<1x128xi32> to vector<128x128xi32>
    %sub3A_1380 = arith.subi %sub3A_1378, %sub3A_1379 : vector<128x128xi32>
    %sub3A_1381 = arith.subi %sub3A_1380, %get3A_1 : vector<128x128xi32>
    %shift_right_logical3A_1382 = arith.constant 31 : i32
    %shift_right_logical3A_1383 = vector.broadcast %shift_right_logical3A_1382 : i32 to vector<128x128xi32>
    %shift_right_logical3A_1384 = arith.shrui %sub3A_1381, %shift_right_logical3A_1383 : vector<128x128xi32>
    %slice3A_1385 = vector.extract_strided_slice %xor3A_1107 {offsets = [0, 1280], sizes = [1, 768], strides = [1, 1]} : vector<1x2048xi32> to vector<1x768xi32>
    %sub3A_1386 = vector.broadcast %sub3A_1369 : vector<128x1xi32> to vector<128x768xi32>
    %sub3A_1387 = vector.broadcast %slice3A_1385 : vector<1x768xi32> to vector<128x768xi32>
    %sub3A_1388 = arith.subi %sub3A_1386, %sub3A_1387 : vector<128x768xi32>
    %shift_right_logical3A_1389 = arith.constant 31 : i32
    %shift_right_logical3A_1390 = vector.broadcast %shift_right_logical3A_1389 : i32 to vector<128x768xi32>
    %shift_right_logical3A_1391 = arith.shrui %sub3A_1388, %shift_right_logical3A_1390 : vector<128x768xi32>
    %concatenate3A_1392 = tpu.concatenate %shift_right_logical3A_1376, %shift_right_logical3A_1384, %shift_right_logical3A_1391 in 1 : vector<128x1152xi32>, vector<128x128xi32>, vector<128x768xi32> -> vector<128x2048xi32>
    %add3A_1393 = arith.addi %add3A_1337, %concatenate3A_1392 : vector<128x2048xi32>
    %slice3A_1394 = vector.extract_strided_slice %transpose3A_1116 {offsets = [0, 10], sizes = [128, 1], strides = [1, 1]} : vector<128x16xi32> to vector<128x1xi32>
    %sub3A_1395 = arith.constant 1 : i32
    %sub3A_1396 = vector.broadcast %sub3A_1395 : i32 to vector<128x1xi32>
    %sub3A_1397 = arith.subi %slice3A_1394, %sub3A_1396 : vector<128x1xi32>
    %slice3A_1398 = vector.extract_strided_slice %xor3A_1107 {offsets = [0, 0], sizes = [1, 1280], strides = [1, 1]} : vector<1x2048xi32> to vector<1x1280xi32>
    %sub3A_1399 = vector.broadcast %slice3A_1394 : vector<128x1xi32> to vector<128x1280xi32>
    %sub3A_1400 = vector.broadcast %slice3A_1398 : vector<1x1280xi32> to vector<128x1280xi32>
    %sub3A_1401 = arith.subi %sub3A_1399, %sub3A_1400 : vector<128x1280xi32>
    %shift_right_logical3A_1402 = arith.constant 31 : i32
    %shift_right_logical3A_1403 = vector.broadcast %shift_right_logical3A_1402 : i32 to vector<128x1280xi32>
    %shift_right_logical3A_1404 = arith.shrui %sub3A_1401, %shift_right_logical3A_1403 : vector<128x1280xi32>
    %slice3A_1405 = vector.extract_strided_slice %xor3A_1107 {offsets = [0, 1280], sizes = [1, 128], strides = [1, 1]} : vector<1x2048xi32> to vector<1x128xi32>
    %sub3A_1406 = vector.broadcast %slice3A_1394 : vector<128x1xi32> to vector<128x128xi32>
    %sub3A_1407 = vector.broadcast %slice3A_1405 : vector<1x128xi32> to vector<128x128xi32>
    %sub3A_1408 = arith.subi %sub3A_1406, %sub3A_1407 : vector<128x128xi32>
    %sub3A_1409 = arith.subi %sub3A_1408, %get3A_1 : vector<128x128xi32>
    %shift_right_logical3A_1410 = arith.constant 31 : i32
    %shift_right_logical3A_1411 = vector.broadcast %shift_right_logical3A_1410 : i32 to vector<128x128xi32>
    %shift_right_logical3A_1412 = arith.shrui %sub3A_1409, %shift_right_logical3A_1411 : vector<128x128xi32>
    %slice3A_1413 = vector.extract_strided_slice %xor3A_1107 {offsets = [0, 1408], sizes = [1, 640], strides = [1, 1]} : vector<1x2048xi32> to vector<1x640xi32>
    %sub3A_1414 = vector.broadcast %sub3A_1397 : vector<128x1xi32> to vector<128x640xi32>
    %sub3A_1415 = vector.broadcast %slice3A_1413 : vector<1x640xi32> to vector<128x640xi32>
    %sub3A_1416 = arith.subi %sub3A_1414, %sub3A_1415 : vector<128x640xi32>
    %shift_right_logical3A_1417 = arith.constant 31 : i32
    %shift_right_logical3A_1418 = vector.broadcast %shift_right_logical3A_1417 : i32 to vector<128x640xi32>
    %shift_right_logical3A_1419 = arith.shrui %sub3A_1416, %shift_right_logical3A_1418 : vector<128x640xi32>
    %concatenate3A_1420 = tpu.concatenate %shift_right_logical3A_1404, %shift_right_logical3A_1412, %shift_right_logical3A_1419 in 1 : vector<128x1280xi32>, vector<128x128xi32>, vector<128x640xi32> -> vector<128x2048xi32>
    %add3A_1421 = arith.addi %add3A_1365, %concatenate3A_1420 : vector<128x2048xi32>
    %slice3A_1422 = vector.extract_strided_slice %transpose3A_1116 {offsets = [0, 11], sizes = [128, 1], strides = [1, 1]} : vector<128x16xi32> to vector<128x1xi32>
    %sub3A_1423 = arith.constant 1 : i32
    %sub3A_1424 = vector.broadcast %sub3A_1423 : i32 to vector<128x1xi32>
    %sub3A_1425 = arith.subi %slice3A_1422, %sub3A_1424 : vector<128x1xi32>
    %slice3A_1426 = vector.extract_strided_slice %xor3A_1107 {offsets = [0, 0], sizes = [1, 1408], strides = [1, 1]} : vector<1x2048xi32> to vector<1x1408xi32>
    %sub3A_1427 = vector.broadcast %slice3A_1422 : vector<128x1xi32> to vector<128x1408xi32>
    %sub3A_1428 = vector.broadcast %slice3A_1426 : vector<1x1408xi32> to vector<128x1408xi32>
    %sub3A_1429 = arith.subi %sub3A_1427, %sub3A_1428 : vector<128x1408xi32>
    %shift_right_logical3A_1430 = arith.constant 31 : i32
    %shift_right_logical3A_1431 = vector.broadcast %shift_right_logical3A_1430 : i32 to vector<128x1408xi32>
    %shift_right_logical3A_1432 = arith.shrui %sub3A_1429, %shift_right_logical3A_1431 : vector<128x1408xi32>
    %slice3A_1433 = vector.extract_strided_slice %xor3A_1107 {offsets = [0, 1408], sizes = [1, 128], strides = [1, 1]} : vector<1x2048xi32> to vector<1x128xi32>
    %sub3A_1434 = vector.broadcast %slice3A_1422 : vector<128x1xi32> to vector<128x128xi32>
    %sub3A_1435 = vector.broadcast %slice3A_1433 : vector<1x128xi32> to vector<128x128xi32>
    %sub3A_1436 = arith.subi %sub3A_1434, %sub3A_1435 : vector<128x128xi32>
    %sub3A_1437 = arith.subi %sub3A_1436, %get3A_1 : vector<128x128xi32>
    %shift_right_logical3A_1438 = arith.constant 31 : i32
    %shift_right_logical3A_1439 = vector.broadcast %shift_right_logical3A_1438 : i32 to vector<128x128xi32>
    %shift_right_logical3A_1440 = arith.shrui %sub3A_1437, %shift_right_logical3A_1439 : vector<128x128xi32>
    %slice3A_1441 = vector.extract_strided_slice %xor3A_1107 {offsets = [0, 1536], sizes = [1, 512], strides = [1, 1]} : vector<1x2048xi32> to vector<1x512xi32>
    %sub3A_1442 = vector.broadcast %sub3A_1425 : vector<128x1xi32> to vector<128x512xi32>
    %sub3A_1443 = vector.broadcast %slice3A_1441 : vector<1x512xi32> to vector<128x512xi32>
    %sub3A_1444 = arith.subi %sub3A_1442, %sub3A_1443 : vector<128x512xi32>
    %shift_right_logical3A_1445 = arith.constant 31 : i32
    %shift_right_logical3A_1446 = vector.broadcast %shift_right_logical3A_1445 : i32 to vector<128x512xi32>
    %shift_right_logical3A_1447 = arith.shrui %sub3A_1444, %shift_right_logical3A_1446 : vector<128x512xi32>
    %concatenate3A_1448 = tpu.concatenate %shift_right_logical3A_1432, %shift_right_logical3A_1440, %shift_right_logical3A_1447 in 1 : vector<128x1408xi32>, vector<128x128xi32>, vector<128x512xi32> -> vector<128x2048xi32>
    %add3A_1449 = arith.addi %add3A_1393, %concatenate3A_1448 : vector<128x2048xi32>
    %slice3A_1450 = vector.extract_strided_slice %transpose3A_1116 {offsets = [0, 12], sizes = [128, 1], strides = [1, 1]} : vector<128x16xi32> to vector<128x1xi32>
    %sub3A_1451 = arith.constant 1 : i32
    %sub3A_1452 = vector.broadcast %sub3A_1451 : i32 to vector<128x1xi32>
    %sub3A_1453 = arith.subi %slice3A_1450, %sub3A_1452 : vector<128x1xi32>
    %slice3A_1454 = vector.extract_strided_slice %xor3A_1107 {offsets = [0, 0], sizes = [1, 1536], strides = [1, 1]} : vector<1x2048xi32> to vector<1x1536xi32>
    %sub3A_1455 = vector.broadcast %slice3A_1450 : vector<128x1xi32> to vector<128x1536xi32>
    %sub3A_1456 = vector.broadcast %slice3A_1454 : vector<1x1536xi32> to vector<128x1536xi32>
    %sub3A_1457 = arith.subi %sub3A_1455, %sub3A_1456 : vector<128x1536xi32>
    %shift_right_logical3A_1458 = arith.constant 31 : i32
    %shift_right_logical3A_1459 = vector.broadcast %shift_right_logical3A_1458 : i32 to vector<128x1536xi32>
    %shift_right_logical3A_1460 = arith.shrui %sub3A_1457, %shift_right_logical3A_1459 : vector<128x1536xi32>
    %slice3A_1461 = vector.extract_strided_slice %xor3A_1107 {offsets = [0, 1536], sizes = [1, 128], strides = [1, 1]} : vector<1x2048xi32> to vector<1x128xi32>
    %sub3A_1462 = vector.broadcast %slice3A_1450 : vector<128x1xi32> to vector<128x128xi32>
    %sub3A_1463 = vector.broadcast %slice3A_1461 : vector<1x128xi32> to vector<128x128xi32>
    %sub3A_1464 = arith.subi %sub3A_1462, %sub3A_1463 : vector<128x128xi32>
    %sub3A_1465 = arith.subi %sub3A_1464, %get3A_1 : vector<128x128xi32>
    %shift_right_logical3A_1466 = arith.constant 31 : i32
    %shift_right_logical3A_1467 = vector.broadcast %shift_right_logical3A_1466 : i32 to vector<128x128xi32>
    %shift_right_logical3A_1468 = arith.shrui %sub3A_1465, %shift_right_logical3A_1467 : vector<128x128xi32>
    %slice3A_1469 = vector.extract_strided_slice %xor3A_1107 {offsets = [0, 1664], sizes = [1, 384], strides = [1, 1]} : vector<1x2048xi32> to vector<1x384xi32>
    %sub3A_1470 = vector.broadcast %sub3A_1453 : vector<128x1xi32> to vector<128x384xi32>
    %sub3A_1471 = vector.broadcast %slice3A_1469 : vector<1x384xi32> to vector<128x384xi32>
    %sub3A_1472 = arith.subi %sub3A_1470, %sub3A_1471 : vector<128x384xi32>
    %shift_right_logical3A_1473 = arith.constant 31 : i32
    %shift_right_logical3A_1474 = vector.broadcast %shift_right_logical3A_1473 : i32 to vector<128x384xi32>
    %shift_right_logical3A_1475 = arith.shrui %sub3A_1472, %shift_right_logical3A_1474 : vector<128x384xi32>
    %concatenate3A_1476 = tpu.concatenate %shift_right_logical3A_1460, %shift_right_logical3A_1468, %shift_right_logical3A_1475 in 1 : vector<128x1536xi32>, vector<128x128xi32>, vector<128x384xi32> -> vector<128x2048xi32>
    %add3A_1477 = arith.addi %add3A_1421, %concatenate3A_1476 : vector<128x2048xi32>
    %slice3A_1478 = vector.extract_strided_slice %transpose3A_1116 {offsets = [0, 13], sizes = [128, 1], strides = [1, 1]} : vector<128x16xi32> to vector<128x1xi32>
    %sub3A_1479 = arith.constant 1 : i32
    %sub3A_1480 = vector.broadcast %sub3A_1479 : i32 to vector<128x1xi32>
    %sub3A_1481 = arith.subi %slice3A_1478, %sub3A_1480 : vector<128x1xi32>
    %slice3A_1482 = vector.extract_strided_slice %xor3A_1107 {offsets = [0, 0], sizes = [1, 1664], strides = [1, 1]} : vector<1x2048xi32> to vector<1x1664xi32>
    %sub3A_1483 = vector.broadcast %slice3A_1478 : vector<128x1xi32> to vector<128x1664xi32>
    %sub3A_1484 = vector.broadcast %slice3A_1482 : vector<1x1664xi32> to vector<128x1664xi32>
    %sub3A_1485 = arith.subi %sub3A_1483, %sub3A_1484 : vector<128x1664xi32>
    %shift_right_logical3A_1486 = arith.constant 31 : i32
    %shift_right_logical3A_1487 = vector.broadcast %shift_right_logical3A_1486 : i32 to vector<128x1664xi32>
    %shift_right_logical3A_1488 = arith.shrui %sub3A_1485, %shift_right_logical3A_1487 : vector<128x1664xi32>
    %slice3A_1489 = vector.extract_strided_slice %xor3A_1107 {offsets = [0, 1664], sizes = [1, 128], strides = [1, 1]} : vector<1x2048xi32> to vector<1x128xi32>
    %sub3A_1490 = vector.broadcast %slice3A_1478 : vector<128x1xi32> to vector<128x128xi32>
    %sub3A_1491 = vector.broadcast %slice3A_1489 : vector<1x128xi32> to vector<128x128xi32>
    %sub3A_1492 = arith.subi %sub3A_1490, %sub3A_1491 : vector<128x128xi32>
    %sub3A_1493 = arith.subi %sub3A_1492, %get3A_1 : vector<128x128xi32>
    %shift_right_logical3A_1494 = arith.constant 31 : i32
    %shift_right_logical3A_1495 = vector.broadcast %shift_right_logical3A_1494 : i32 to vector<128x128xi32>
    %shift_right_logical3A_1496 = arith.shrui %sub3A_1493, %shift_right_logical3A_1495 : vector<128x128xi32>
    %slice3A_1497 = vector.extract_strided_slice %xor3A_1107 {offsets = [0, 1792], sizes = [1, 256], strides = [1, 1]} : vector<1x2048xi32> to vector<1x256xi32>
    %sub3A_1498 = vector.broadcast %sub3A_1481 : vector<128x1xi32> to vector<128x256xi32>
    %sub3A_1499 = vector.broadcast %slice3A_1497 : vector<1x256xi32> to vector<128x256xi32>
    %sub3A_1500 = arith.subi %sub3A_1498, %sub3A_1499 : vector<128x256xi32>
    %shift_right_logical3A_1501 = arith.constant 31 : i32
    %shift_right_logical3A_1502 = vector.broadcast %shift_right_logical3A_1501 : i32 to vector<128x256xi32>
    %shift_right_logical3A_1503 = arith.shrui %sub3A_1500, %shift_right_logical3A_1502 : vector<128x256xi32>
    %concatenate3A_1504 = tpu.concatenate %shift_right_logical3A_1488, %shift_right_logical3A_1496, %shift_right_logical3A_1503 in 1 : vector<128x1664xi32>, vector<128x128xi32>, vector<128x256xi32> -> vector<128x2048xi32>
    %add3A_1505 = arith.addi %add3A_1449, %concatenate3A_1504 : vector<128x2048xi32>
    %slice3A_1506 = vector.extract_strided_slice %transpose3A_1116 {offsets = [0, 14], sizes = [128, 1], strides = [1, 1]} : vector<128x16xi32> to vector<128x1xi32>
    %sub3A_1507 = arith.constant 1 : i32
    %sub3A_1508 = vector.broadcast %sub3A_1507 : i32 to vector<128x1xi32>
    %sub3A_1509 = arith.subi %slice3A_1506, %sub3A_1508 : vector<128x1xi32>
    %slice3A_1510 = vector.extract_strided_slice %xor3A_1107 {offsets = [0, 0], sizes = [1, 1792], strides = [1, 1]} : vector<1x2048xi32> to vector<1x1792xi32>
    %sub3A_1511 = vector.broadcast %slice3A_1506 : vector<128x1xi32> to vector<128x1792xi32>
    %sub3A_1512 = vector.broadcast %slice3A_1510 : vector<1x1792xi32> to vector<128x1792xi32>
    %sub3A_1513 = arith.subi %sub3A_1511, %sub3A_1512 : vector<128x1792xi32>
    %shift_right_logical3A_1514 = arith.constant 31 : i32
    %shift_right_logical3A_1515 = vector.broadcast %shift_right_logical3A_1514 : i32 to vector<128x1792xi32>
    %shift_right_logical3A_1516 = arith.shrui %sub3A_1513, %shift_right_logical3A_1515 : vector<128x1792xi32>
    %slice3A_1517 = vector.extract_strided_slice %xor3A_1107 {offsets = [0, 1792], sizes = [1, 128], strides = [1, 1]} : vector<1x2048xi32> to vector<1x128xi32>
    %sub3A_1518 = vector.broadcast %slice3A_1506 : vector<128x1xi32> to vector<128x128xi32>
    %sub3A_1519 = vector.broadcast %slice3A_1517 : vector<1x128xi32> to vector<128x128xi32>
    %sub3A_1520 = arith.subi %sub3A_1518, %sub3A_1519 : vector<128x128xi32>
    %sub3A_1521 = arith.subi %sub3A_1520, %get3A_1 : vector<128x128xi32>
    %shift_right_logical3A_1522 = arith.constant 31 : i32
    %shift_right_logical3A_1523 = vector.broadcast %shift_right_logical3A_1522 : i32 to vector<128x128xi32>
    %shift_right_logical3A_1524 = arith.shrui %sub3A_1521, %shift_right_logical3A_1523 : vector<128x128xi32>
    %slice3A_1525 = vector.extract_strided_slice %xor3A_1107 {offsets = [0, 1920], sizes = [1, 128], strides = [1, 1]} : vector<1x2048xi32> to vector<1x128xi32>
    %sub3A_1526 = vector.broadcast %sub3A_1509 : vector<128x1xi32> to vector<128x128xi32>
    %sub3A_1527 = vector.broadcast %slice3A_1525 : vector<1x128xi32> to vector<128x128xi32>
    %sub3A_1528 = arith.subi %sub3A_1526, %sub3A_1527 : vector<128x128xi32>
    %shift_right_logical3A_1529 = arith.constant 31 : i32
    %shift_right_logical3A_1530 = vector.broadcast %shift_right_logical3A_1529 : i32 to vector<128x128xi32>
    %shift_right_logical3A_1531 = arith.shrui %sub3A_1528, %shift_right_logical3A_1530 : vector<128x128xi32>
    %concatenate3A_1532 = tpu.concatenate %shift_right_logical3A_1516, %shift_right_logical3A_1524, %shift_right_logical3A_1531 in 1 : vector<128x1792xi32>, vector<128x128xi32>, vector<128x128xi32> -> vector<128x2048xi32>
    %add3A_1533 = arith.addi %add3A_1477, %concatenate3A_1532 : vector<128x2048xi32>
    %slice3A_1534 = vector.extract_strided_slice %transpose3A_1116 {offsets = [0, 15], sizes = [128, 1], strides = [1, 1]} : vector<128x16xi32> to vector<128x1xi32>
    %slice3A_1535 = vector.extract_strided_slice %xor3A_1107 {offsets = [0, 0], sizes = [1, 1920], strides = [1, 1]} : vector<1x2048xi32> to vector<1x1920xi32>
    %sub3A_1536 = vector.broadcast %slice3A_1534 : vector<128x1xi32> to vector<128x1920xi32>
    %sub3A_1537 = vector.broadcast %slice3A_1535 : vector<1x1920xi32> to vector<128x1920xi32>
    %sub3A_1538 = arith.subi %sub3A_1536, %sub3A_1537 : vector<128x1920xi32>
    %shift_right_logical3A_1539 = arith.constant 31 : i32
    %shift_right_logical3A_1540 = vector.broadcast %shift_right_logical3A_1539 : i32 to vector<128x1920xi32>
    %shift_right_logical3A_1541 = arith.shrui %sub3A_1538, %shift_right_logical3A_1540 : vector<128x1920xi32>
    %slice3A_1542 = vector.extract_strided_slice %xor3A_1107 {offsets = [0, 1920], sizes = [1, 128], strides = [1, 1]} : vector<1x2048xi32> to vector<1x128xi32>
    %sub3A_1543 = vector.broadcast %slice3A_1534 : vector<128x1xi32> to vector<128x128xi32>
    %sub3A_1544 = vector.broadcast %slice3A_1542 : vector<1x128xi32> to vector<128x128xi32>
    %sub3A_1545 = arith.subi %sub3A_1543, %sub3A_1544 : vector<128x128xi32>
    %sub3A_1546 = arith.subi %sub3A_1545, %get3A_1 : vector<128x128xi32>
    %shift_right_logical3A_1547 = arith.constant 31 : i32
    %shift_right_logical3A_1548 = vector.broadcast %shift_right_logical3A_1547 : i32 to vector<128x128xi32>
    %shift_right_logical3A_1549 = arith.shrui %sub3A_1546, %shift_right_logical3A_1548 : vector<128x128xi32>
    %concatenate3A_1550 = tpu.concatenate %shift_right_logical3A_1541, %shift_right_logical3A_1549 in 1 : vector<128x1920xi32>, vector<128x128xi32> -> vector<128x2048xi32>
    %add3A_1551 = arith.addi %add3A_1505, %concatenate3A_1550 : vector<128x2048xi32>
    %add3A_1552 = arith.addi %add3A_1533, %add3A_1551 : vector<128x2048xi32>
    %reduce_sum3A_1553 = arith.constant dense<0> : vector<2048xi32>
    %reduce_sum3A_1554 = vector.multi_reduction <add>, %add3A_1552, %reduce_sum3A_1553 [0] : vector<128x2048xi32> to vector<2048xi32>
    %broadcast_in_dim3A_1555 = vector.shape_cast %reduce_sum3A_1554 : vector<2048xi32> to vector<1x2048xi32>
    %swap3A_1556 = arith.constant 2 : index
    %swap3A_1557 = arith.constant 0 : index
    %swap3A_1558 = arith.constant 0 : index
    %swap3A_1559 = vector.load %arg11[%swap3A_1556, %swap3A_1557, %swap3A_1558] : memref<4x1x2048xi32, #tpu.memory_space<vmem>>, vector<1x1x2048xi32>
    %swap3A_1560 = vector.shape_cast %swap3A_1559 : vector<1x1x2048xi32> to vector<1x2048xi32>
    %swap3A_1561 = vector.shape_cast %broadcast_in_dim3A_1555 : vector<1x2048xi32> to vector<1x1x2048xi32>
    tpu.vector_store %arg11[%swap3A_1556, %swap3A_1557, %swap3A_1558], %swap3A_1561 {strides = array<i32>} : memref<4x1x2048xi32, #tpu.memory_space<vmem>>, vector<1x1x2048xi32>,
    %get3A_1562 = arith.constant 3 : index
    %get3A_1563 = arith.constant 0 : index
    %get3A_1564 = arith.constant 0 : index
    %get3A_1565 = vector.load %arg2[%get3A_1562, %get3A_1563, %get3A_1564] : memref<4x1x2048xf32, #tpu.memory_space<vmem>>, vector<1x1x2048xf32>
    %get3A_1566 = vector.shape_cast %get3A_1565 : vector<1x1x2048xf32> to vector<1x2048xf32>
    %get3A_1567 = arith.constant 3 : index
    %get3A_1568 = arith.constant 0 : index
    %get3A_1569 = arith.constant 0 : index
    %get3A_1570 = vector.load %arg3[%get3A_1567, %get3A_1568, %get3A_1569] : memref<4x1x2048xf32, #tpu.memory_space<vmem>>, vector<1x1x2048xf32>
    %get3A_1571 = vector.shape_cast %get3A_1570 : vector<1x1x2048xf32> to vector<1x2048xf32>
    %get3A_1572 = arith.constant 3 : index
    %get3A_1573 = arith.constant 0 : index
    %get3A_1574 = arith.constant 0 : index
    %get3A_1575 = vector.load %arg4[%get3A_1572, %get3A_1573, %get3A_1574] : memref<4x1x2048xf32, #tpu.memory_space<vmem>>, vector<1x1x2048xf32>
    %get3A_1576 = vector.shape_cast %get3A_1575 : vector<1x1x2048xf32> to vector<1x2048xf32>
    %get3A_1577 = arith.constant 3 : index
    %get3A_1578 = arith.constant 0 : index
    %get3A_1579 = arith.constant 0 : index
    %get3A_1580 = vector.load %arg5[%get3A_1577, %get3A_1578, %get3A_1579] : memref<4x1x2048xf32, #tpu.memory_space<vmem>>, vector<1x1x2048xf32>
    %get3A_1581 = vector.shape_cast %get3A_1580 : vector<1x1x2048xf32> to vector<1x2048xf32>
    %gt3A_1582 = arith.constant 0.000000e+00 : f32
    %gt3A_1583 = vector.broadcast %gt3A_1582 : f32 to vector<1x2048xf32>
    %gt3A_1584 = arith.cmpf ogt, %get3A_1576, %gt3A_1583 : vector<1x2048xf32>
    %max3A_1585 = arith.maximumf %get3A_1566, %get3A_1571 : vector<1x2048xf32>
    %select_n3A_1586 = arith.select %gt3A_1584, %max3A_1585, %get3A_1566 : vector<1x2048xi1>, vector<1x2048xf32>
    %jit3A_1587 = arith.constant -1.000000e+00 : f32
    %jit3A_1588 = arith.constant 1.000000e+00 : f32
    %max3A_1589 = vector.broadcast %jit3A_1587 : f32 to vector<1x2048xf32>
    %max3A_1590 = arith.maximumf %max3A_1589, %select_n3A_1586 : vector<1x2048xf32>
    %min3A_1591 = vector.broadcast %jit3A_1588 : f32 to vector<1x2048xf32>
    %min3A_1592 = arith.minimumf %min3A_1591, %max3A_1590 : vector<1x2048xf32>
    %add3A_1593 = arith.addf %min3A_1592, %get3A_1581 : vector<1x2048xf32>
    %get3A_1594 = arith.constant 3 : index
    %get3A_1595 = arith.constant 0 : index
    %get3A_1596 = arith.constant 0 : index
    %get3A_1597 = vector.load %arg6[%get3A_1594, %get3A_1595, %get3A_1596] : memref<4x16x128xf32, #tpu.memory_space<vmem>>, vector<1x16x128xf32>
    %get3A_1598 = vector.shape_cast %get3A_1597 : vector<1x16x128xf32> to vector<16x128xf32>
    %get3A_1599 = arith.constant 3 : index
    %get3A_1600 = arith.constant 0 : index
    %get3A_1601 = arith.constant 0 : index
    %get3A_1602 = vector.load %arg7[%get3A_1599, %get3A_1600, %get3A_1601] : memref<4x16x128xf32, #tpu.memory_space<vmem>>, vector<1x16x128xf32>
    %get3A_1603 = vector.shape_cast %get3A_1602 : vector<1x16x128xf32> to vector<16x128xf32>
    %get3A_1604 = arith.constant 3 : index
    %get3A_1605 = arith.constant 0 : index
    %get3A_1606 = arith.constant 0 : index
    %get3A_1607 = vector.load %arg8[%get3A_1604, %get3A_1605, %get3A_1606] : memref<4x16x128xf32, #tpu.memory_space<vmem>>, vector<1x16x128xf32>
    %get3A_1608 = vector.shape_cast %get3A_1607 : vector<1x16x128xf32> to vector<16x128xf32>
    %get3A_1609 = arith.constant 3 : index
    %get3A_1610 = arith.constant 0 : index
    %get3A_1611 = arith.constant 0 : index
    %get3A_1612 = vector.load %arg9[%get3A_1609, %get3A_1610, %get3A_1611] : memref<4x16x128xf32, #tpu.memory_space<vmem>>, vector<1x16x128xf32>
    %get3A_1613 = vector.shape_cast %get3A_1612 : vector<1x16x128xf32> to vector<16x128xf32>
    %gt3A_1614 = arith.constant 0.000000e+00 : f32
    %gt3A_1615 = vector.broadcast %gt3A_1614 : f32 to vector<16x128xf32>
    %gt3A_1616 = arith.cmpf ogt, %get3A_1608, %gt3A_1615 : vector<16x128xf32>
    %max3A_1617 = arith.maximumf %get3A_1598, %get3A_1603 : vector<16x128xf32>
    %select_n3A_1618 = arith.select %gt3A_1616, %max3A_1617, %get3A_1598 : vector<16x128xi1>, vector<16x128xf32>
    %jit3A_1619 = arith.constant -1.000000e+00 : f32
    %jit3A_1620 = arith.constant 1.000000e+00 : f32
    %max3A_1621 = vector.broadcast %jit3A_1619 : f32 to vector<16x128xf32>
    %max3A_1622 = arith.maximumf %max3A_1621, %select_n3A_1618 : vector<16x128xf32>
    %min3A_1623 = vector.broadcast %jit3A_1620 : f32 to vector<16x128xf32>
    %min3A_1624 = arith.minimumf %min3A_1623, %max3A_1622 : vector<16x128xf32>
    %add3A_1625 = arith.addf %min3A_1624, %get3A_1613 : vector<16x128xf32>
    %bitcast_convert_type3A_1626 = tpu.bitcast %add3A_1593 : vector<1x2048xf32> -> vector<1x2048xi32>
    %shift_right_arithmetic3A_1627 = arith.constant 31 : i32
    %shift_right_arithmetic3A_1628 = vector.broadcast %shift_right_arithmetic3A_1627 : i32 to vector<1x2048xi32>
    %shift_right_arithmetic3A_1629 = arith.shrsi %bitcast_convert_type3A_1626, %shift_right_arithmetic3A_1628 : vector<1x2048xi32>
    %and3A_1630 = arith.constant 2147483647 : i32
    %and3A_1631 = vector.broadcast %and3A_1630 : i32 to vector<1x2048xi32>
    %and3A_1632 = arith.andi %shift_right_arithmetic3A_1629, %and3A_1631 : vector<1x2048xi32>
    %xor3A_1633 = arith.xori %bitcast_convert_type3A_1626, %and3A_1632 : vector<1x2048xi32>
    %bitcast_convert_type3A_1634 = tpu.bitcast %add3A_1625 : vector<16x128xf32> -> vector<16x128xi32>
    %shift_right_arithmetic3A_1635 = arith.constant 31 : i32
    %shift_right_arithmetic3A_1636 = vector.broadcast %shift_right_arithmetic3A_1635 : i32 to vector<16x128xi32>
    %shift_right_arithmetic3A_1637 = arith.shrsi %bitcast_convert_type3A_1634, %shift_right_arithmetic3A_1636 : vector<16x128xi32>
    %and3A_1638 = arith.constant 2147483647 : i32
    %and3A_1639 = vector.broadcast %and3A_1638 : i32 to vector<16x128xi32>
    %and3A_1640 = arith.andi %shift_right_arithmetic3A_1637, %and3A_1639 : vector<16x128xi32>
    %xor3A_1641 = arith.xori %bitcast_convert_type3A_1634, %and3A_1640 : vector<16x128xi32>
    %transpose3A_1642 = tpu.transpose %xor3A_1641, [1, 0] : vector<16x128xi32> -> vector<128x16xi32>
    %broadcast_in_dim3A_1643 = arith.constant 0 : i32
    %broadcast_in_dim3A_1644 = vector.broadcast %broadcast_in_dim3A_1643 : i32 to vector<128x2048xi32>
    %broadcast_in_dim3A_1645 = arith.constant 0 : i32
    %broadcast_in_dim3A_1646 = vector.broadcast %broadcast_in_dim3A_1645 : i32 to vector<128x2048xi32>
    %slice3A_1647 = vector.extract_strided_slice %transpose3A_1642 {offsets = [0, 0], sizes = [128, 1], strides = [1, 1]} : vector<128x16xi32> to vector<128x1xi32>
    %sub3A_1648 = arith.constant 1 : i32
    %sub3A_1649 = vector.broadcast %sub3A_1648 : i32 to vector<128x1xi32>
    %sub3A_1650 = arith.subi %slice3A_1647, %sub3A_1649 : vector<128x1xi32>
    %slice3A_1651 = vector.extract_strided_slice %xor3A_1633 {offsets = [0, 0], sizes = [1, 128], strides = [1, 1]} : vector<1x2048xi32> to vector<1x128xi32>
    %sub3A_1652 = vector.broadcast %slice3A_1647 : vector<128x1xi32> to vector<128x128xi32>
    %sub3A_1653 = vector.broadcast %slice3A_1651 : vector<1x128xi32> to vector<128x128xi32>
    %sub3A_1654 = arith.subi %sub3A_1652, %sub3A_1653 : vector<128x128xi32>
    %sub3A_1655 = arith.subi %sub3A_1654, %get3A_1 : vector<128x128xi32>
    %shift_right_logical3A_1656 = arith.constant 31 : i32
    %shift_right_logical3A_1657 = vector.broadcast %shift_right_logical3A_1656 : i32 to vector<128x128xi32>
    %shift_right_logical3A_1658 = arith.shrui %sub3A_1655, %shift_right_logical3A_1657 : vector<128x128xi32>
    %slice3A_1659 = vector.extract_strided_slice %xor3A_1633 {offsets = [0, 128], sizes = [1, 1920], strides = [1, 1]} : vector<1x2048xi32> to vector<1x1920xi32>
    %sub3A_1660 = vector.broadcast %sub3A_1650 : vector<128x1xi32> to vector<128x1920xi32>
    %sub3A_1661 = vector.broadcast %slice3A_1659 : vector<1x1920xi32> to vector<128x1920xi32>
    %sub3A_1662 = arith.subi %sub3A_1660, %sub3A_1661 : vector<128x1920xi32>
    %shift_right_logical3A_1663 = arith.constant 31 : i32
    %shift_right_logical3A_1664 = vector.broadcast %shift_right_logical3A_1663 : i32 to vector<128x1920xi32>
    %shift_right_logical3A_1665 = arith.shrui %sub3A_1662, %shift_right_logical3A_1664 : vector<128x1920xi32>
    %concatenate3A_1666 = tpu.concatenate %shift_right_logical3A_1658, %shift_right_logical3A_1665 in 1 : vector<128x128xi32>, vector<128x1920xi32> -> vector<128x2048xi32>
    %add3A_1667 = arith.addi %broadcast_in_dim3A_1644, %concatenate3A_1666 : vector<128x2048xi32>
    %slice3A_1668 = vector.extract_strided_slice %transpose3A_1642 {offsets = [0, 1], sizes = [128, 1], strides = [1, 1]} : vector<128x16xi32> to vector<128x1xi32>
    %sub3A_1669 = arith.constant 1 : i32
    %sub3A_1670 = vector.broadcast %sub3A_1669 : i32 to vector<128x1xi32>
    %sub3A_1671 = arith.subi %slice3A_1668, %sub3A_1670 : vector<128x1xi32>
    %slice3A_1672 = vector.extract_strided_slice %xor3A_1633 {offsets = [0, 0], sizes = [1, 128], strides = [1, 1]} : vector<1x2048xi32> to vector<1x128xi32>
    %sub3A_1673 = vector.broadcast %slice3A_1668 : vector<128x1xi32> to vector<128x128xi32>
    %sub3A_1674 = vector.broadcast %slice3A_1672 : vector<1x128xi32> to vector<128x128xi32>
    %sub3A_1675 = arith.subi %sub3A_1673, %sub3A_1674 : vector<128x128xi32>
    %shift_right_logical3A_1676 = arith.constant 31 : i32
    %shift_right_logical3A_1677 = vector.broadcast %shift_right_logical3A_1676 : i32 to vector<128x128xi32>
    %shift_right_logical3A_1678 = arith.shrui %sub3A_1675, %shift_right_logical3A_1677 : vector<128x128xi32>
    %slice3A_1679 = vector.extract_strided_slice %xor3A_1633 {offsets = [0, 128], sizes = [1, 128], strides = [1, 1]} : vector<1x2048xi32> to vector<1x128xi32>
    %sub3A_1680 = vector.broadcast %slice3A_1668 : vector<128x1xi32> to vector<128x128xi32>
    %sub3A_1681 = vector.broadcast %slice3A_1679 : vector<1x128xi32> to vector<128x128xi32>
    %sub3A_1682 = arith.subi %sub3A_1680, %sub3A_1681 : vector<128x128xi32>
    %sub3A_1683 = arith.subi %sub3A_1682, %get3A_1 : vector<128x128xi32>
    %shift_right_logical3A_1684 = arith.constant 31 : i32
    %shift_right_logical3A_1685 = vector.broadcast %shift_right_logical3A_1684 : i32 to vector<128x128xi32>
    %shift_right_logical3A_1686 = arith.shrui %sub3A_1683, %shift_right_logical3A_1685 : vector<128x128xi32>
    %slice3A_1687 = vector.extract_strided_slice %xor3A_1633 {offsets = [0, 256], sizes = [1, 1792], strides = [1, 1]} : vector<1x2048xi32> to vector<1x1792xi32>
    %sub3A_1688 = vector.broadcast %sub3A_1671 : vector<128x1xi32> to vector<128x1792xi32>
    %sub3A_1689 = vector.broadcast %slice3A_1687 : vector<1x1792xi32> to vector<128x1792xi32>
    %sub3A_1690 = arith.subi %sub3A_1688, %sub3A_1689 : vector<128x1792xi32>
    %shift_right_logical3A_1691 = arith.constant 31 : i32
    %shift_right_logical3A_1692 = vector.broadcast %shift_right_logical3A_1691 : i32 to vector<128x1792xi32>
    %shift_right_logical3A_1693 = arith.shrui %sub3A_1690, %shift_right_logical3A_1692 : vector<128x1792xi32>
    %concatenate3A_1694 = tpu.concatenate %shift_right_logical3A_1678, %shift_right_logical3A_1686, %shift_right_logical3A_1693 in 1 : vector<128x128xi32>, vector<128x128xi32>, vector<128x1792xi32> -> vector<128x2048xi32>
    %add3A_1695 = arith.addi %broadcast_in_dim3A_1646, %concatenate3A_1694 : vector<128x2048xi32>
    %slice3A_1696 = vector.extract_strided_slice %transpose3A_1642 {offsets = [0, 2], sizes = [128, 1], strides = [1, 1]} : vector<128x16xi32> to vector<128x1xi32>
    %sub3A_1697 = arith.constant 1 : i32
    %sub3A_1698 = vector.broadcast %sub3A_1697 : i32 to vector<128x1xi32>
    %sub3A_1699 = arith.subi %slice3A_1696, %sub3A_1698 : vector<128x1xi32>
    %slice3A_1700 = vector.extract_strided_slice %xor3A_1633 {offsets = [0, 0], sizes = [1, 256], strides = [1, 1]} : vector<1x2048xi32> to vector<1x256xi32>
    %sub3A_1701 = vector.broadcast %slice3A_1696 : vector<128x1xi32> to vector<128x256xi32>
    %sub3A_1702 = vector.broadcast %slice3A_1700 : vector<1x256xi32> to vector<128x256xi32>
    %sub3A_1703 = arith.subi %sub3A_1701, %sub3A_1702 : vector<128x256xi32>
    %shift_right_logical3A_1704 = arith.constant 31 : i32
    %shift_right_logical3A_1705 = vector.broadcast %shift_right_logical3A_1704 : i32 to vector<128x256xi32>
    %shift_right_logical3A_1706 = arith.shrui %sub3A_1703, %shift_right_logical3A_1705 : vector<128x256xi32>
    %slice3A_1707 = vector.extract_strided_slice %xor3A_1633 {offsets = [0, 256], sizes = [1, 128], strides = [1, 1]} : vector<1x2048xi32> to vector<1x128xi32>
    %sub3A_1708 = vector.broadcast %slice3A_1696 : vector<128x1xi32> to vector<128x128xi32>
    %sub3A_1709 = vector.broadcast %slice3A_1707 : vector<1x128xi32> to vector<128x128xi32>
    %sub3A_1710 = arith.subi %sub3A_1708, %sub3A_1709 : vector<128x128xi32>
    %sub3A_1711 = arith.subi %sub3A_1710, %get3A_1 : vector<128x128xi32>
    %shift_right_logical3A_1712 = arith.constant 31 : i32
    %shift_right_logical3A_1713 = vector.broadcast %shift_right_logical3A_1712 : i32 to vector<128x128xi32>
    %shift_right_logical3A_1714 = arith.shrui %sub3A_1711, %shift_right_logical3A_1713 : vector<128x128xi32>
    %slice3A_1715 = vector.extract_strided_slice %xor3A_1633 {offsets = [0, 384], sizes = [1, 1664], strides = [1, 1]} : vector<1x2048xi32> to vector<1x1664xi32>
    %sub3A_1716 = vector.broadcast %sub3A_1699 : vector<128x1xi32> to vector<128x1664xi32>
    %sub3A_1717 = vector.broadcast %slice3A_1715 : vector<1x1664xi32> to vector<128x1664xi32>
    %sub3A_1718 = arith.subi %sub3A_1716, %sub3A_1717 : vector<128x1664xi32>
    %shift_right_logical3A_1719 = arith.constant 31 : i32
    %shift_right_logical3A_1720 = vector.broadcast %shift_right_logical3A_1719 : i32 to vector<128x1664xi32>
    %shift_right_logical3A_1721 = arith.shrui %sub3A_1718, %shift_right_logical3A_1720 : vector<128x1664xi32>
    %concatenate3A_1722 = tpu.concatenate %shift_right_logical3A_1706, %shift_right_logical3A_1714, %shift_right_logical3A_1721 in 1 : vector<128x256xi32>, vector<128x128xi32>, vector<128x1664xi32> -> vector<128x2048xi32>
    %add3A_1723 = arith.addi %add3A_1667, %concatenate3A_1722 : vector<128x2048xi32>
    %slice3A_1724 = vector.extract_strided_slice %transpose3A_1642 {offsets = [0, 3], sizes = [128, 1], strides = [1, 1]} : vector<128x16xi32> to vector<128x1xi32>
    %sub3A_1725 = arith.constant 1 : i32
    %sub3A_1726 = vector.broadcast %sub3A_1725 : i32 to vector<128x1xi32>
    %sub3A_1727 = arith.subi %slice3A_1724, %sub3A_1726 : vector<128x1xi32>
    %slice3A_1728 = vector.extract_strided_slice %xor3A_1633 {offsets = [0, 0], sizes = [1, 384], strides = [1, 1]} : vector<1x2048xi32> to vector<1x384xi32>
    %sub3A_1729 = vector.broadcast %slice3A_1724 : vector<128x1xi32> to vector<128x384xi32>
    %sub3A_1730 = vector.broadcast %slice3A_1728 : vector<1x384xi32> to vector<128x384xi32>
    %sub3A_1731 = arith.subi %sub3A_1729, %sub3A_1730 : vector<128x384xi32>
    %shift_right_logical3A_1732 = arith.constant 31 : i32
    %shift_right_logical3A_1733 = vector.broadcast %shift_right_logical3A_1732 : i32 to vector<128x384xi32>
    %shift_right_logical3A_1734 = arith.shrui %sub3A_1731, %shift_right_logical3A_1733 : vector<128x384xi32>
    %slice3A_1735 = vector.extract_strided_slice %xor3A_1633 {offsets = [0, 384], sizes = [1, 128], strides = [1, 1]} : vector<1x2048xi32> to vector<1x128xi32>
    %sub3A_1736 = vector.broadcast %slice3A_1724 : vector<128x1xi32> to vector<128x128xi32>
    %sub3A_1737 = vector.broadcast %slice3A_1735 : vector<1x128xi32> to vector<128x128xi32>
    %sub3A_1738 = arith.subi %sub3A_1736, %sub3A_1737 : vector<128x128xi32>
    %sub3A_1739 = arith.subi %sub3A_1738, %get3A_1 : vector<128x128xi32>
    %shift_right_logical3A_1740 = arith.constant 31 : i32
    %shift_right_logical3A_1741 = vector.broadcast %shift_right_logical3A_1740 : i32 to vector<128x128xi32>
    %shift_right_logical3A_1742 = arith.shrui %sub3A_1739, %shift_right_logical3A_1741 : vector<128x128xi32>
    %slice3A_1743 = vector.extract_strided_slice %xor3A_1633 {offsets = [0, 512], sizes = [1, 1536], strides = [1, 1]} : vector<1x2048xi32> to vector<1x1536xi32>
    %sub3A_1744 = vector.broadcast %sub3A_1727 : vector<128x1xi32> to vector<128x1536xi32>
    %sub3A_1745 = vector.broadcast %slice3A_1743 : vector<1x1536xi32> to vector<128x1536xi32>
    %sub3A_1746 = arith.subi %sub3A_1744, %sub3A_1745 : vector<128x1536xi32>
    %shift_right_logical3A_1747 = arith.constant 31 : i32
    %shift_right_logical3A_1748 = vector.broadcast %shift_right_logical3A_1747 : i32 to vector<128x1536xi32>
    %shift_right_logical3A_1749 = arith.shrui %sub3A_1746, %shift_right_logical3A_1748 : vector<128x1536xi32>
    %concatenate3A_1750 = tpu.concatenate %shift_right_logical3A_1734, %shift_right_logical3A_1742, %shift_right_logical3A_1749 in 1 : vector<128x384xi32>, vector<128x128xi32>, vector<128x1536xi32> -> vector<128x2048xi32>
    %add3A_1751 = arith.addi %add3A_1695, %concatenate3A_1750 : vector<128x2048xi32>
    %slice3A_1752 = vector.extract_strided_slice %transpose3A_1642 {offsets = [0, 4], sizes = [128, 1], strides = [1, 1]} : vector<128x16xi32> to vector<128x1xi32>
    %sub3A_1753 = arith.constant 1 : i32
    %sub3A_1754 = vector.broadcast %sub3A_1753 : i32 to vector<128x1xi32>
    %sub3A_1755 = arith.subi %slice3A_1752, %sub3A_1754 : vector<128x1xi32>
    %slice3A_1756 = vector.extract_strided_slice %xor3A_1633 {offsets = [0, 0], sizes = [1, 512], strides = [1, 1]} : vector<1x2048xi32> to vector<1x512xi32>
    %sub3A_1757 = vector.broadcast %slice3A_1752 : vector<128x1xi32> to vector<128x512xi32>
    %sub3A_1758 = vector.broadcast %slice3A_1756 : vector<1x512xi32> to vector<128x512xi32>
    %sub3A_1759 = arith.subi %sub3A_1757, %sub3A_1758 : vector<128x512xi32>
    %shift_right_logical3A_1760 = arith.constant 31 : i32
    %shift_right_logical3A_1761 = vector.broadcast %shift_right_logical3A_1760 : i32 to vector<128x512xi32>
    %shift_right_logical3A_1762 = arith.shrui %sub3A_1759, %shift_right_logical3A_1761 : vector<128x512xi32>
    %slice3A_1763 = vector.extract_strided_slice %xor3A_1633 {offsets = [0, 512], sizes = [1, 128], strides = [1, 1]} : vector<1x2048xi32> to vector<1x128xi32>
    %sub3A_1764 = vector.broadcast %slice3A_1752 : vector<128x1xi32> to vector<128x128xi32>
    %sub3A_1765 = vector.broadcast %slice3A_1763 : vector<1x128xi32> to vector<128x128xi32>
    %sub3A_1766 = arith.subi %sub3A_1764, %sub3A_1765 : vector<128x128xi32>
    %sub3A_1767 = arith.subi %sub3A_1766, %get3A_1 : vector<128x128xi32>
    %shift_right_logical3A_1768 = arith.constant 31 : i32
    %shift_right_logical3A_1769 = vector.broadcast %shift_right_logical3A_1768 : i32 to vector<128x128xi32>
    %shift_right_logical3A_1770 = arith.shrui %sub3A_1767, %shift_right_logical3A_1769 : vector<128x128xi32>
    %slice3A_1771 = vector.extract_strided_slice %xor3A_1633 {offsets = [0, 640], sizes = [1, 1408], strides = [1, 1]} : vector<1x2048xi32> to vector<1x1408xi32>
    %sub3A_1772 = vector.broadcast %sub3A_1755 : vector<128x1xi32> to vector<128x1408xi32>
    %sub3A_1773 = vector.broadcast %slice3A_1771 : vector<1x1408xi32> to vector<128x1408xi32>
    %sub3A_1774 = arith.subi %sub3A_1772, %sub3A_1773 : vector<128x1408xi32>
    %shift_right_logical3A_1775 = arith.constant 31 : i32
    %shift_right_logical3A_1776 = vector.broadcast %shift_right_logical3A_1775 : i32 to vector<128x1408xi32>
    %shift_right_logical3A_1777 = arith.shrui %sub3A_1774, %shift_right_logical3A_1776 : vector<128x1408xi32>
    %concatenate3A_1778 = tpu.concatenate %shift_right_logical3A_1762, %shift_right_logical3A_1770, %shift_right_logical3A_1777 in 1 : vector<128x512xi32>, vector<128x128xi32>, vector<128x1408xi32> -> vector<128x2048xi32>
    %add3A_1779 = arith.addi %add3A_1723, %concatenate3A_1778 : vector<128x2048xi32>
    %slice3A_1780 = vector.extract_strided_slice %transpose3A_1642 {offsets = [0, 5], sizes = [128, 1], strides = [1, 1]} : vector<128x16xi32> to vector<128x1xi32>
    %sub3A_1781 = arith.constant 1 : i32
    %sub3A_1782 = vector.broadcast %sub3A_1781 : i32 to vector<128x1xi32>
    %sub3A_1783 = arith.subi %slice3A_1780, %sub3A_1782 : vector<128x1xi32>
    %slice3A_1784 = vector.extract_strided_slice %xor3A_1633 {offsets = [0, 0], sizes = [1, 640], strides = [1, 1]} : vector<1x2048xi32> to vector<1x640xi32>
    %sub3A_1785 = vector.broadcast %slice3A_1780 : vector<128x1xi32> to vector<128x640xi32>
    %sub3A_1786 = vector.broadcast %slice3A_1784 : vector<1x640xi32> to vector<128x640xi32>
    %sub3A_1787 = arith.subi %sub3A_1785, %sub3A_1786 : vector<128x640xi32>
    %shift_right_logical3A_1788 = arith.constant 31 : i32
    %shift_right_logical3A_1789 = vector.broadcast %shift_right_logical3A_1788 : i32 to vector<128x640xi32>
    %shift_right_logical3A_1790 = arith.shrui %sub3A_1787, %shift_right_logical3A_1789 : vector<128x640xi32>
    %slice3A_1791 = vector.extract_strided_slice %xor3A_1633 {offsets = [0, 640], sizes = [1, 128], strides = [1, 1]} : vector<1x2048xi32> to vector<1x128xi32>
    %sub3A_1792 = vector.broadcast %slice3A_1780 : vector<128x1xi32> to vector<128x128xi32>
    %sub3A_1793 = vector.broadcast %slice3A_1791 : vector<1x128xi32> to vector<128x128xi32>
    %sub3A_1794 = arith.subi %sub3A_1792, %sub3A_1793 : vector<128x128xi32>
    %sub3A_1795 = arith.subi %sub3A_1794, %get3A_1 : vector<128x128xi32>
    %shift_right_logical3A_1796 = arith.constant 31 : i32
    %shift_right_logical3A_1797 = vector.broadcast %shift_right_logical3A_1796 : i32 to vector<128x128xi32>
    %shift_right_logical3A_1798 = arith.shrui %sub3A_1795, %shift_right_logical3A_1797 : vector<128x128xi32>
    %slice3A_1799 = vector.extract_strided_slice %xor3A_1633 {offsets = [0, 768], sizes = [1, 1280], strides = [1, 1]} : vector<1x2048xi32> to vector<1x1280xi32>
    %sub3A_1800 = vector.broadcast %sub3A_1783 : vector<128x1xi32> to vector<128x1280xi32>
    %sub3A_1801 = vector.broadcast %slice3A_1799 : vector<1x1280xi32> to vector<128x1280xi32>
    %sub3A_1802 = arith.subi %sub3A_1800, %sub3A_1801 : vector<128x1280xi32>
    %shift_right_logical3A_1803 = arith.constant 31 : i32
    %shift_right_logical3A_1804 = vector.broadcast %shift_right_logical3A_1803 : i32 to vector<128x1280xi32>
    %shift_right_logical3A_1805 = arith.shrui %sub3A_1802, %shift_right_logical3A_1804 : vector<128x1280xi32>
    %concatenate3A_1806 = tpu.concatenate %shift_right_logical3A_1790, %shift_right_logical3A_1798, %shift_right_logical3A_1805 in 1 : vector<128x640xi32>, vector<128x128xi32>, vector<128x1280xi32> -> vector<128x2048xi32>
    %add3A_1807 = arith.addi %add3A_1751, %concatenate3A_1806 : vector<128x2048xi32>
    %slice3A_1808 = vector.extract_strided_slice %transpose3A_1642 {offsets = [0, 6], sizes = [128, 1], strides = [1, 1]} : vector<128x16xi32> to vector<128x1xi32>
    %sub3A_1809 = arith.constant 1 : i32
    %sub3A_1810 = vector.broadcast %sub3A_1809 : i32 to vector<128x1xi32>
    %sub3A_1811 = arith.subi %slice3A_1808, %sub3A_1810 : vector<128x1xi32>
    %slice3A_1812 = vector.extract_strided_slice %xor3A_1633 {offsets = [0, 0], sizes = [1, 768], strides = [1, 1]} : vector<1x2048xi32> to vector<1x768xi32>
    %sub3A_1813 = vector.broadcast %slice3A_1808 : vector<128x1xi32> to vector<128x768xi32>
    %sub3A_1814 = vector.broadcast %slice3A_1812 : vector<1x768xi32> to vector<128x768xi32>
    %sub3A_1815 = arith.subi %sub3A_1813, %sub3A_1814 : vector<128x768xi32>
    %shift_right_logical3A_1816 = arith.constant 31 : i32
    %shift_right_logical3A_1817 = vector.broadcast %shift_right_logical3A_1816 : i32 to vector<128x768xi32>
    %shift_right_logical3A_1818 = arith.shrui %sub3A_1815, %shift_right_logical3A_1817 : vector<128x768xi32>
    %slice3A_1819 = vector.extract_strided_slice %xor3A_1633 {offsets = [0, 768], sizes = [1, 128], strides = [1, 1]} : vector<1x2048xi32> to vector<1x128xi32>
    %sub3A_1820 = vector.broadcast %slice3A_1808 : vector<128x1xi32> to vector<128x128xi32>
    %sub3A_1821 = vector.broadcast %slice3A_1819 : vector<1x128xi32> to vector<128x128xi32>
    %sub3A_1822 = arith.subi %sub3A_1820, %sub3A_1821 : vector<128x128xi32>
    %sub3A_1823 = arith.subi %sub3A_1822, %get3A_1 : vector<128x128xi32>
    %shift_right_logical3A_1824 = arith.constant 31 : i32
    %shift_right_logical3A_1825 = vector.broadcast %shift_right_logical3A_1824 : i32 to vector<128x128xi32>
    %shift_right_logical3A_1826 = arith.shrui %sub3A_1823, %shift_right_logical3A_1825 : vector<128x128xi32>
    %slice3A_1827 = vector.extract_strided_slice %xor3A_1633 {offsets = [0, 896], sizes = [1, 1152], strides = [1, 1]} : vector<1x2048xi32> to vector<1x1152xi32>
    %sub3A_1828 = vector.broadcast %sub3A_1811 : vector<128x1xi32> to vector<128x1152xi32>
    %sub3A_1829 = vector.broadcast %slice3A_1827 : vector<1x1152xi32> to vector<128x1152xi32>
    %sub3A_1830 = arith.subi %sub3A_1828, %sub3A_1829 : vector<128x1152xi32>
    %shift_right_logical3A_1831 = arith.constant 31 : i32
    %shift_right_logical3A_1832 = vector.broadcast %shift_right_logical3A_1831 : i32 to vector<128x1152xi32>
    %shift_right_logical3A_1833 = arith.shrui %sub3A_1830, %shift_right_logical3A_1832 : vector<128x1152xi32>
    %concatenate3A_1834 = tpu.concatenate %shift_right_logical3A_1818, %shift_right_logical3A_1826, %shift_right_logical3A_1833 in 1 : vector<128x768xi32>, vector<128x128xi32>, vector<128x1152xi32> -> vector<128x2048xi32>
    %add3A_1835 = arith.addi %add3A_1779, %concatenate3A_1834 : vector<128x2048xi32>
    %slice3A_1836 = vector.extract_strided_slice %transpose3A_1642 {offsets = [0, 7], sizes = [128, 1], strides = [1, 1]} : vector<128x16xi32> to vector<128x1xi32>
    %sub3A_1837 = arith.constant 1 : i32
    %sub3A_1838 = vector.broadcast %sub3A_1837 : i32 to vector<128x1xi32>
    %sub3A_1839 = arith.subi %slice3A_1836, %sub3A_1838 : vector<128x1xi32>
    %slice3A_1840 = vector.extract_strided_slice %xor3A_1633 {offsets = [0, 0], sizes = [1, 896], strides = [1, 1]} : vector<1x2048xi32> to vector<1x896xi32>
    %sub3A_1841 = vector.broadcast %slice3A_1836 : vector<128x1xi32> to vector<128x896xi32>
    %sub3A_1842 = vector.broadcast %slice3A_1840 : vector<1x896xi32> to vector<128x896xi32>
    %sub3A_1843 = arith.subi %sub3A_1841, %sub3A_1842 : vector<128x896xi32>
    %shift_right_logical3A_1844 = arith.constant 31 : i32
    %shift_right_logical3A_1845 = vector.broadcast %shift_right_logical3A_1844 : i32 to vector<128x896xi32>
    %shift_right_logical3A_1846 = arith.shrui %sub3A_1843, %shift_right_logical3A_1845 : vector<128x896xi32>
    %slice3A_1847 = vector.extract_strided_slice %xor3A_1633 {offsets = [0, 896], sizes = [1, 128], strides = [1, 1]} : vector<1x2048xi32> to vector<1x128xi32>
    %sub3A_1848 = vector.broadcast %slice3A_1836 : vector<128x1xi32> to vector<128x128xi32>
    %sub3A_1849 = vector.broadcast %slice3A_1847 : vector<1x128xi32> to vector<128x128xi32>
    %sub3A_1850 = arith.subi %sub3A_1848, %sub3A_1849 : vector<128x128xi32>
    %sub3A_1851 = arith.subi %sub3A_1850, %get3A_1 : vector<128x128xi32>
    %shift_right_logical3A_1852 = arith.constant 31 : i32
    %shift_right_logical3A_1853 = vector.broadcast %shift_right_logical3A_1852 : i32 to vector<128x128xi32>
    %shift_right_logical3A_1854 = arith.shrui %sub3A_1851, %shift_right_logical3A_1853 : vector<128x128xi32>
    %slice3A_1855 = vector.extract_strided_slice %xor3A_1633 {offsets = [0, 1024], sizes = [1, 1024], strides = [1, 1]} : vector<1x2048xi32> to vector<1x1024xi32>
    %sub3A_1856 = vector.broadcast %sub3A_1839 : vector<128x1xi32> to vector<128x1024xi32>
    %sub3A_1857 = vector.broadcast %slice3A_1855 : vector<1x1024xi32> to vector<128x1024xi32>
    %sub3A_1858 = arith.subi %sub3A_1856, %sub3A_1857 : vector<128x1024xi32>
    %shift_right_logical3A_1859 = arith.constant 31 : i32
    %shift_right_logical3A_1860 = vector.broadcast %shift_right_logical3A_1859 : i32 to vector<128x1024xi32>
    %shift_right_logical3A_1861 = arith.shrui %sub3A_1858, %shift_right_logical3A_1860 : vector<128x1024xi32>
    %concatenate3A_1862 = tpu.concatenate %shift_right_logical3A_1846, %shift_right_logical3A_1854, %shift_right_logical3A_1861 in 1 : vector<128x896xi32>, vector<128x128xi32>, vector<128x1024xi32> -> vector<128x2048xi32>
    %add3A_1863 = arith.addi %add3A_1807, %concatenate3A_1862 : vector<128x2048xi32>
    %slice3A_1864 = vector.extract_strided_slice %transpose3A_1642 {offsets = [0, 8], sizes = [128, 1], strides = [1, 1]} : vector<128x16xi32> to vector<128x1xi32>
    %sub3A_1865 = arith.constant 1 : i32
    %sub3A_1866 = vector.broadcast %sub3A_1865 : i32 to vector<128x1xi32>
    %sub3A_1867 = arith.subi %slice3A_1864, %sub3A_1866 : vector<128x1xi32>
    %slice3A_1868 = vector.extract_strided_slice %xor3A_1633 {offsets = [0, 0], sizes = [1, 1024], strides = [1, 1]} : vector<1x2048xi32> to vector<1x1024xi32>
    %sub3A_1869 = vector.broadcast %slice3A_1864 : vector<128x1xi32> to vector<128x1024xi32>
    %sub3A_1870 = vector.broadcast %slice3A_1868 : vector<1x1024xi32> to vector<128x1024xi32>
    %sub3A_1871 = arith.subi %sub3A_1869, %sub3A_1870 : vector<128x1024xi32>
    %shift_right_logical3A_1872 = arith.constant 31 : i32
    %shift_right_logical3A_1873 = vector.broadcast %shift_right_logical3A_1872 : i32 to vector<128x1024xi32>
    %shift_right_logical3A_1874 = arith.shrui %sub3A_1871, %shift_right_logical3A_1873 : vector<128x1024xi32>
    %slice3A_1875 = vector.extract_strided_slice %xor3A_1633 {offsets = [0, 1024], sizes = [1, 128], strides = [1, 1]} : vector<1x2048xi32> to vector<1x128xi32>
    %sub3A_1876 = vector.broadcast %slice3A_1864 : vector<128x1xi32> to vector<128x128xi32>
    %sub3A_1877 = vector.broadcast %slice3A_1875 : vector<1x128xi32> to vector<128x128xi32>
    %sub3A_1878 = arith.subi %sub3A_1876, %sub3A_1877 : vector<128x128xi32>
    %sub3A_1879 = arith.subi %sub3A_1878, %get3A_1 : vector<128x128xi32>
    %shift_right_logical3A_1880 = arith.constant 31 : i32
    %shift_right_logical3A_1881 = vector.broadcast %shift_right_logical3A_1880 : i32 to vector<128x128xi32>
    %shift_right_logical3A_1882 = arith.shrui %sub3A_1879, %shift_right_logical3A_1881 : vector<128x128xi32>
    %slice3A_1883 = vector.extract_strided_slice %xor3A_1633 {offsets = [0, 1152], sizes = [1, 896], strides = [1, 1]} : vector<1x2048xi32> to vector<1x896xi32>
    %sub3A_1884 = vector.broadcast %sub3A_1867 : vector<128x1xi32> to vector<128x896xi32>
    %sub3A_1885 = vector.broadcast %slice3A_1883 : vector<1x896xi32> to vector<128x896xi32>
    %sub3A_1886 = arith.subi %sub3A_1884, %sub3A_1885 : vector<128x896xi32>
    %shift_right_logical3A_1887 = arith.constant 31 : i32
    %shift_right_logical3A_1888 = vector.broadcast %shift_right_logical3A_1887 : i32 to vector<128x896xi32>
    %shift_right_logical3A_1889 = arith.shrui %sub3A_1886, %shift_right_logical3A_1888 : vector<128x896xi32>
    %concatenate3A_1890 = tpu.concatenate %shift_right_logical3A_1874, %shift_right_logical3A_1882, %shift_right_logical3A_1889 in 1 : vector<128x1024xi32>, vector<128x128xi32>, vector<128x896xi32> -> vector<128x2048xi32>
    %add3A_1891 = arith.addi %add3A_1835, %concatenate3A_1890 : vector<128x2048xi32>
    %slice3A_1892 = vector.extract_strided_slice %transpose3A_1642 {offsets = [0, 9], sizes = [128, 1], strides = [1, 1]} : vector<128x16xi32> to vector<128x1xi32>
    %sub3A_1893 = arith.constant 1 : i32
    %sub3A_1894 = vector.broadcast %sub3A_1893 : i32 to vector<128x1xi32>
    %sub3A_1895 = arith.subi %slice3A_1892, %sub3A_1894 : vector<128x1xi32>
    %slice3A_1896 = vector.extract_strided_slice %xor3A_1633 {offsets = [0, 0], sizes = [1, 1152], strides = [1, 1]} : vector<1x2048xi32> to vector<1x1152xi32>
    %sub3A_1897 = vector.broadcast %slice3A_1892 : vector<128x1xi32> to vector<128x1152xi32>
    %sub3A_1898 = vector.broadcast %slice3A_1896 : vector<1x1152xi32> to vector<128x1152xi32>
    %sub3A_1899 = arith.subi %sub3A_1897, %sub3A_1898 : vector<128x1152xi32>
    %shift_right_logical3A_1900 = arith.constant 31 : i32
    %shift_right_logical3A_1901 = vector.broadcast %shift_right_logical3A_1900 : i32 to vector<128x1152xi32>
    %shift_right_logical3A_1902 = arith.shrui %sub3A_1899, %shift_right_logical3A_1901 : vector<128x1152xi32>
    %slice3A_1903 = vector.extract_strided_slice %xor3A_1633 {offsets = [0, 1152], sizes = [1, 128], strides = [1, 1]} : vector<1x2048xi32> to vector<1x128xi32>
    %sub3A_1904 = vector.broadcast %slice3A_1892 : vector<128x1xi32> to vector<128x128xi32>
    %sub3A_1905 = vector.broadcast %slice3A_1903 : vector<1x128xi32> to vector<128x128xi32>
    %sub3A_1906 = arith.subi %sub3A_1904, %sub3A_1905 : vector<128x128xi32>
    %sub3A_1907 = arith.subi %sub3A_1906, %get3A_1 : vector<128x128xi32>
    %shift_right_logical3A_1908 = arith.constant 31 : i32
    %shift_right_logical3A_1909 = vector.broadcast %shift_right_logical3A_1908 : i32 to vector<128x128xi32>
    %shift_right_logical3A_1910 = arith.shrui %sub3A_1907, %shift_right_logical3A_1909 : vector<128x128xi32>
    %slice3A_1911 = vector.extract_strided_slice %xor3A_1633 {offsets = [0, 1280], sizes = [1, 768], strides = [1, 1]} : vector<1x2048xi32> to vector<1x768xi32>
    %sub3A_1912 = vector.broadcast %sub3A_1895 : vector<128x1xi32> to vector<128x768xi32>
    %sub3A_1913 = vector.broadcast %slice3A_1911 : vector<1x768xi32> to vector<128x768xi32>
    %sub3A_1914 = arith.subi %sub3A_1912, %sub3A_1913 : vector<128x768xi32>
    %shift_right_logical3A_1915 = arith.constant 31 : i32
    %shift_right_logical3A_1916 = vector.broadcast %shift_right_logical3A_1915 : i32 to vector<128x768xi32>
    %shift_right_logical3A_1917 = arith.shrui %sub3A_1914, %shift_right_logical3A_1916 : vector<128x768xi32>
    %concatenate3A_1918 = tpu.concatenate %shift_right_logical3A_1902, %shift_right_logical3A_1910, %shift_right_logical3A_1917 in 1 : vector<128x1152xi32>, vector<128x128xi32>, vector<128x768xi32> -> vector<128x2048xi32>
    %add3A_1919 = arith.addi %add3A_1863, %concatenate3A_1918 : vector<128x2048xi32>
    %slice3A_1920 = vector.extract_strided_slice %transpose3A_1642 {offsets = [0, 10], sizes = [128, 1], strides = [1, 1]} : vector<128x16xi32> to vector<128x1xi32>
    %sub3A_1921 = arith.constant 1 : i32
    %sub3A_1922 = vector.broadcast %sub3A_1921 : i32 to vector<128x1xi32>
    %sub3A_1923 = arith.subi %slice3A_1920, %sub3A_1922 : vector<128x1xi32>
    %slice3A_1924 = vector.extract_strided_slice %xor3A_1633 {offsets = [0, 0], sizes = [1, 1280], strides = [1, 1]} : vector<1x2048xi32> to vector<1x1280xi32>
    %sub3A_1925 = vector.broadcast %slice3A_1920 : vector<128x1xi32> to vector<128x1280xi32>
    %sub3A_1926 = vector.broadcast %slice3A_1924 : vector<1x1280xi32> to vector<128x1280xi32>
    %sub3A_1927 = arith.subi %sub3A_1925, %sub3A_1926 : vector<128x1280xi32>
    %shift_right_logical3A_1928 = arith.constant 31 : i32
    %shift_right_logical3A_1929 = vector.broadcast %shift_right_logical3A_1928 : i32 to vector<128x1280xi32>
    %shift_right_logical3A_1930 = arith.shrui %sub3A_1927, %shift_right_logical3A_1929 : vector<128x1280xi32>
    %slice3A_1931 = vector.extract_strided_slice %xor3A_1633 {offsets = [0, 1280], sizes = [1, 128], strides = [1, 1]} : vector<1x2048xi32> to vector<1x128xi32>
    %sub3A_1932 = vector.broadcast %slice3A_1920 : vector<128x1xi32> to vector<128x128xi32>
    %sub3A_1933 = vector.broadcast %slice3A_1931 : vector<1x128xi32> to vector<128x128xi32>
    %sub3A_1934 = arith.subi %sub3A_1932, %sub3A_1933 : vector<128x128xi32>
    %sub3A_1935 = arith.subi %sub3A_1934, %get3A_1 : vector<128x128xi32>
    %shift_right_logical3A_1936 = arith.constant 31 : i32
    %shift_right_logical3A_1937 = vector.broadcast %shift_right_logical3A_1936 : i32 to vector<128x128xi32>
    %shift_right_logical3A_1938 = arith.shrui %sub3A_1935, %shift_right_logical3A_1937 : vector<128x128xi32>
    %slice3A_1939 = vector.extract_strided_slice %xor3A_1633 {offsets = [0, 1408], sizes = [1, 640], strides = [1, 1]} : vector<1x2048xi32> to vector<1x640xi32>
    %sub3A_1940 = vector.broadcast %sub3A_1923 : vector<128x1xi32> to vector<128x640xi32>
    %sub3A_1941 = vector.broadcast %slice3A_1939 : vector<1x640xi32> to vector<128x640xi32>
    %sub3A_1942 = arith.subi %sub3A_1940, %sub3A_1941 : vector<128x640xi32>
    %shift_right_logical3A_1943 = arith.constant 31 : i32
    %shift_right_logical3A_1944 = vector.broadcast %shift_right_logical3A_1943 : i32 to vector<128x640xi32>
    %shift_right_logical3A_1945 = arith.shrui %sub3A_1942, %shift_right_logical3A_1944 : vector<128x640xi32>
    %concatenate3A_1946 = tpu.concatenate %shift_right_logical3A_1930, %shift_right_logical3A_1938, %shift_right_logical3A_1945 in 1 : vector<128x1280xi32>, vector<128x128xi32>, vector<128x640xi32> -> vector<128x2048xi32>
    %add3A_1947 = arith.addi %add3A_1891, %concatenate3A_1946 : vector<128x2048xi32>
    %slice3A_1948 = vector.extract_strided_slice %transpose3A_1642 {offsets = [0, 11], sizes = [128, 1], strides = [1, 1]} : vector<128x16xi32> to vector<128x1xi32>
    %sub3A_1949 = arith.constant 1 : i32
    %sub3A_1950 = vector.broadcast %sub3A_1949 : i32 to vector<128x1xi32>
    %sub3A_1951 = arith.subi %slice3A_1948, %sub3A_1950 : vector<128x1xi32>
    %slice3A_1952 = vector.extract_strided_slice %xor3A_1633 {offsets = [0, 0], sizes = [1, 1408], strides = [1, 1]} : vector<1x2048xi32> to vector<1x1408xi32>
    %sub3A_1953 = vector.broadcast %slice3A_1948 : vector<128x1xi32> to vector<128x1408xi32>
    %sub3A_1954 = vector.broadcast %slice3A_1952 : vector<1x1408xi32> to vector<128x1408xi32>
    %sub3A_1955 = arith.subi %sub3A_1953, %sub3A_1954 : vector<128x1408xi32>
    %shift_right_logical3A_1956 = arith.constant 31 : i32
    %shift_right_logical3A_1957 = vector.broadcast %shift_right_logical3A_1956 : i32 to vector<128x1408xi32>
    %shift_right_logical3A_1958 = arith.shrui %sub3A_1955, %shift_right_logical3A_1957 : vector<128x1408xi32>
    %slice3A_1959 = vector.extract_strided_slice %xor3A_1633 {offsets = [0, 1408], sizes = [1, 128], strides = [1, 1]} : vector<1x2048xi32> to vector<1x128xi32>
    %sub3A_1960 = vector.broadcast %slice3A_1948 : vector<128x1xi32> to vector<128x128xi32>
    %sub3A_1961 = vector.broadcast %slice3A_1959 : vector<1x128xi32> to vector<128x128xi32>
    %sub3A_1962 = arith.subi %sub3A_1960, %sub3A_1961 : vector<128x128xi32>
    %sub3A_1963 = arith.subi %sub3A_1962, %get3A_1 : vector<128x128xi32>
    %shift_right_logical3A_1964 = arith.constant 31 : i32
    %shift_right_logical3A_1965 = vector.broadcast %shift_right_logical3A_1964 : i32 to vector<128x128xi32>
    %shift_right_logical3A_1966 = arith.shrui %sub3A_1963, %shift_right_logical3A_1965 : vector<128x128xi32>
    %slice3A_1967 = vector.extract_strided_slice %xor3A_1633 {offsets = [0, 1536], sizes = [1, 512], strides = [1, 1]} : vector<1x2048xi32> to vector<1x512xi32>
    %sub3A_1968 = vector.broadcast %sub3A_1951 : vector<128x1xi32> to vector<128x512xi32>
    %sub3A_1969 = vector.broadcast %slice3A_1967 : vector<1x512xi32> to vector<128x512xi32>
    %sub3A_1970 = arith.subi %sub3A_1968, %sub3A_1969 : vector<128x512xi32>
    %shift_right_logical3A_1971 = arith.constant 31 : i32
    %shift_right_logical3A_1972 = vector.broadcast %shift_right_logical3A_1971 : i32 to vector<128x512xi32>
    %shift_right_logical3A_1973 = arith.shrui %sub3A_1970, %shift_right_logical3A_1972 : vector<128x512xi32>
    %concatenate3A_1974 = tpu.concatenate %shift_right_logical3A_1958, %shift_right_logical3A_1966, %shift_right_logical3A_1973 in 1 : vector<128x1408xi32>, vector<128x128xi32>, vector<128x512xi32> -> vector<128x2048xi32>
    %add3A_1975 = arith.addi %add3A_1919, %concatenate3A_1974 : vector<128x2048xi32>
    %slice3A_1976 = vector.extract_strided_slice %transpose3A_1642 {offsets = [0, 12], sizes = [128, 1], strides = [1, 1]} : vector<128x16xi32> to vector<128x1xi32>
    %sub3A_1977 = arith.constant 1 : i32
    %sub3A_1978 = vector.broadcast %sub3A_1977 : i32 to vector<128x1xi32>
    %sub3A_1979 = arith.subi %slice3A_1976, %sub3A_1978 : vector<128x1xi32>
    %slice3A_1980 = vector.extract_strided_slice %xor3A_1633 {offsets = [0, 0], sizes = [1, 1536], strides = [1, 1]} : vector<1x2048xi32> to vector<1x1536xi32>
    %sub3A_1981 = vector.broadcast %slice3A_1976 : vector<128x1xi32> to vector<128x1536xi32>
    %sub3A_1982 = vector.broadcast %slice3A_1980 : vector<1x1536xi32> to vector<128x1536xi32>
    %sub3A_1983 = arith.subi %sub3A_1981, %sub3A_1982 : vector<128x1536xi32>
    %shift_right_logical3A_1984 = arith.constant 31 : i32
    %shift_right_logical3A_1985 = vector.broadcast %shift_right_logical3A_1984 : i32 to vector<128x1536xi32>
    %shift_right_logical3A_1986 = arith.shrui %sub3A_1983, %shift_right_logical3A_1985 : vector<128x1536xi32>
    %slice3A_1987 = vector.extract_strided_slice %xor3A_1633 {offsets = [0, 1536], sizes = [1, 128], strides = [1, 1]} : vector<1x2048xi32> to vector<1x128xi32>
    %sub3A_1988 = vector.broadcast %slice3A_1976 : vector<128x1xi32> to vector<128x128xi32>
    %sub3A_1989 = vector.broadcast %slice3A_1987 : vector<1x128xi32> to vector<128x128xi32>
    %sub3A_1990 = arith.subi %sub3A_1988, %sub3A_1989 : vector<128x128xi32>
    %sub3A_1991 = arith.subi %sub3A_1990, %get3A_1 : vector<128x128xi32>
    %shift_right_logical3A_1992 = arith.constant 31 : i32
    %shift_right_logical3A_1993 = vector.broadcast %shift_right_logical3A_1992 : i32 to vector<128x128xi32>
    %shift_right_logical3A_1994 = arith.shrui %sub3A_1991, %shift_right_logical3A_1993 : vector<128x128xi32>
    %slice3A_1995 = vector.extract_strided_slice %xor3A_1633 {offsets = [0, 1664], sizes = [1, 384], strides = [1, 1]} : vector<1x2048xi32> to vector<1x384xi32>
    %sub3A_1996 = vector.broadcast %sub3A_1979 : vector<128x1xi32> to vector<128x384xi32>
    %sub3A_1997 = vector.broadcast %slice3A_1995 : vector<1x384xi32> to vector<128x384xi32>
    %sub3A_1998 = arith.subi %sub3A_1996, %sub3A_1997 : vector<128x384xi32>
    %shift_right_logical3A_1999 = arith.constant 31 : i32
    %shift_right_logical3A_2000 = vector.broadcast %shift_right_logical3A_1999 : i32 to vector<128x384xi32>
    %shift_right_logical3A_2001 = arith.shrui %sub3A_1998, %shift_right_logical3A_2000 : vector<128x384xi32>
    %concatenate3A_2002 = tpu.concatenate %shift_right_logical3A_1986, %shift_right_logical3A_1994, %shift_right_logical3A_2001 in 1 : vector<128x1536xi32>, vector<128x128xi32>, vector<128x384xi32> -> vector<128x2048xi32>
    %add3A_2003 = arith.addi %add3A_1947, %concatenate3A_2002 : vector<128x2048xi32>
    %slice3A_2004 = vector.extract_strided_slice %transpose3A_1642 {offsets = [0, 13], sizes = [128, 1], strides = [1, 1]} : vector<128x16xi32> to vector<128x1xi32>
    %sub3A_2005 = arith.constant 1 : i32
    %sub3A_2006 = vector.broadcast %sub3A_2005 : i32 to vector<128x1xi32>
    %sub3A_2007 = arith.subi %slice3A_2004, %sub3A_2006 : vector<128x1xi32>
    %slice3A_2008 = vector.extract_strided_slice %xor3A_1633 {offsets = [0, 0], sizes = [1, 1664], strides = [1, 1]} : vector<1x2048xi32> to vector<1x1664xi32>
    %sub3A_2009 = vector.broadcast %slice3A_2004 : vector<128x1xi32> to vector<128x1664xi32>
    %sub3A_2010 = vector.broadcast %slice3A_2008 : vector<1x1664xi32> to vector<128x1664xi32>
    %sub3A_2011 = arith.subi %sub3A_2009, %sub3A_2010 : vector<128x1664xi32>
    %shift_right_logical3A_2012 = arith.constant 31 : i32
    %shift_right_logical3A_2013 = vector.broadcast %shift_right_logical3A_2012 : i32 to vector<128x1664xi32>
    %shift_right_logical3A_2014 = arith.shrui %sub3A_2011, %shift_right_logical3A_2013 : vector<128x1664xi32>
    %slice3A_2015 = vector.extract_strided_slice %xor3A_1633 {offsets = [0, 1664], sizes = [1, 128], strides = [1, 1]} : vector<1x2048xi32> to vector<1x128xi32>
    %sub3A_2016 = vector.broadcast %slice3A_2004 : vector<128x1xi32> to vector<128x128xi32>
    %sub3A_2017 = vector.broadcast %slice3A_2015 : vector<1x128xi32> to vector<128x128xi32>
    %sub3A_2018 = arith.subi %sub3A_2016, %sub3A_2017 : vector<128x128xi32>
    %sub3A_2019 = arith.subi %sub3A_2018, %get3A_1 : vector<128x128xi32>
    %shift_right_logical3A_2020 = arith.constant 31 : i32
    %shift_right_logical3A_2021 = vector.broadcast %shift_right_logical3A_2020 : i32 to vector<128x128xi32>
    %shift_right_logical3A_2022 = arith.shrui %sub3A_2019, %shift_right_logical3A_2021 : vector<128x128xi32>
    %slice3A_2023 = vector.extract_strided_slice %xor3A_1633 {offsets = [0, 1792], sizes = [1, 256], strides = [1, 1]} : vector<1x2048xi32> to vector<1x256xi32>
    %sub3A_2024 = vector.broadcast %sub3A_2007 : vector<128x1xi32> to vector<128x256xi32>
    %sub3A_2025 = vector.broadcast %slice3A_2023 : vector<1x256xi32> to vector<128x256xi32>
    %sub3A_2026 = arith.subi %sub3A_2024, %sub3A_2025 : vector<128x256xi32>
    %shift_right_logical3A_2027 = arith.constant 31 : i32
    %shift_right_logical3A_2028 = vector.broadcast %shift_right_logical3A_2027 : i32 to vector<128x256xi32>
    %shift_right_logical3A_2029 = arith.shrui %sub3A_2026, %shift_right_logical3A_2028 : vector<128x256xi32>
    %concatenate3A_2030 = tpu.concatenate %shift_right_logical3A_2014, %shift_right_logical3A_2022, %shift_right_logical3A_2029 in 1 : vector<128x1664xi32>, vector<128x128xi32>, vector<128x256xi32> -> vector<128x2048xi32>
    %add3A_2031 = arith.addi %add3A_1975, %concatenate3A_2030 : vector<128x2048xi32>
    %slice3A_2032 = vector.extract_strided_slice %transpose3A_1642 {offsets = [0, 14], sizes = [128, 1], strides = [1, 1]} : vector<128x16xi32> to vector<128x1xi32>
    %sub3A_2033 = arith.constant 1 : i32
    %sub3A_2034 = vector.broadcast %sub3A_2033 : i32 to vector<128x1xi32>
    %sub3A_2035 = arith.subi %slice3A_2032, %sub3A_2034 : vector<128x1xi32>
    %slice3A_2036 = vector.extract_strided_slice %xor3A_1633 {offsets = [0, 0], sizes = [1, 1792], strides = [1, 1]} : vector<1x2048xi32> to vector<1x1792xi32>
    %sub3A_2037 = vector.broadcast %slice3A_2032 : vector<128x1xi32> to vector<128x1792xi32>
    %sub3A_2038 = vector.broadcast %slice3A_2036 : vector<1x1792xi32> to vector<128x1792xi32>
    %sub3A_2039 = arith.subi %sub3A_2037, %sub3A_2038 : vector<128x1792xi32>
    %shift_right_logical3A_2040 = arith.constant 31 : i32
    %shift_right_logical3A_2041 = vector.broadcast %shift_right_logical3A_2040 : i32 to vector<128x1792xi32>
    %shift_right_logical3A_2042 = arith.shrui %sub3A_2039, %shift_right_logical3A_2041 : vector<128x1792xi32>
    %slice3A_2043 = vector.extract_strided_slice %xor3A_1633 {offsets = [0, 1792], sizes = [1, 128], strides = [1, 1]} : vector<1x2048xi32> to vector<1x128xi32>
    %sub3A_2044 = vector.broadcast %slice3A_2032 : vector<128x1xi32> to vector<128x128xi32>
    %sub3A_2045 = vector.broadcast %slice3A_2043 : vector<1x128xi32> to vector<128x128xi32>
    %sub3A_2046 = arith.subi %sub3A_2044, %sub3A_2045 : vector<128x128xi32>
    %sub3A_2047 = arith.subi %sub3A_2046, %get3A_1 : vector<128x128xi32>
    %shift_right_logical3A_2048 = arith.constant 31 : i32
    %shift_right_logical3A_2049 = vector.broadcast %shift_right_logical3A_2048 : i32 to vector<128x128xi32>
    %shift_right_logical3A_2050 = arith.shrui %sub3A_2047, %shift_right_logical3A_2049 : vector<128x128xi32>
    %slice3A_2051 = vector.extract_strided_slice %xor3A_1633 {offsets = [0, 1920], sizes = [1, 128], strides = [1, 1]} : vector<1x2048xi32> to vector<1x128xi32>
    %sub3A_2052 = vector.broadcast %sub3A_2035 : vector<128x1xi32> to vector<128x128xi32>
    %sub3A_2053 = vector.broadcast %slice3A_2051 : vector<1x128xi32> to vector<128x128xi32>
    %sub3A_2054 = arith.subi %sub3A_2052, %sub3A_2053 : vector<128x128xi32>
    %shift_right_logical3A_2055 = arith.constant 31 : i32
    %shift_right_logical3A_2056 = vector.broadcast %shift_right_logical3A_2055 : i32 to vector<128x128xi32>
    %shift_right_logical3A_2057 = arith.shrui %sub3A_2054, %shift_right_logical3A_2056 : vector<128x128xi32>
    %concatenate3A_2058 = tpu.concatenate %shift_right_logical3A_2042, %shift_right_logical3A_2050, %shift_right_logical3A_2057 in 1 : vector<128x1792xi32>, vector<128x128xi32>, vector<128x128xi32> -> vector<128x2048xi32>
    %add3A_2059 = arith.addi %add3A_2003, %concatenate3A_2058 : vector<128x2048xi32>
    %slice3A_2060 = vector.extract_strided_slice %transpose3A_1642 {offsets = [0, 15], sizes = [128, 1], strides = [1, 1]} : vector<128x16xi32> to vector<128x1xi32>
    %slice3A_2061 = vector.extract_strided_slice %xor3A_1633 {offsets = [0, 0], sizes = [1, 1920], strides = [1, 1]} : vector<1x2048xi32> to vector<1x1920xi32>
    %sub3A_2062 = vector.broadcast %slice3A_2060 : vector<128x1xi32> to vector<128x1920xi32>
    %sub3A_2063 = vector.broadcast %slice3A_2061 : vector<1x1920xi32> to vector<128x1920xi32>
    %sub3A_2064 = arith.subi %sub3A_2062, %sub3A_2063 : vector<128x1920xi32>
    %shift_right_logical3A_2065 = arith.constant 31 : i32
    %shift_right_logical3A_2066 = vector.broadcast %shift_right_logical3A_2065 : i32 to vector<128x1920xi32>
    %shift_right_logical3A_2067 = arith.shrui %sub3A_2064, %shift_right_logical3A_2066 : vector<128x1920xi32>
    %slice3A_2068 = vector.extract_strided_slice %xor3A_1633 {offsets = [0, 1920], sizes = [1, 128], strides = [1, 1]} : vector<1x2048xi32> to vector<1x128xi32>
    %sub3A_2069 = vector.broadcast %slice3A_2060 : vector<128x1xi32> to vector<128x128xi32>
    %sub3A_2070 = vector.broadcast %slice3A_2068 : vector<1x128xi32> to vector<128x128xi32>
    %sub3A_2071 = arith.subi %sub3A_2069, %sub3A_2070 : vector<128x128xi32>
    %sub3A_2072 = arith.subi %sub3A_2071, %get3A_1 : vector<128x128xi32>
    %shift_right_logical3A_2073 = arith.constant 31 : i32
    %shift_right_logical3A_2074 = vector.broadcast %shift_right_logical3A_2073 : i32 to vector<128x128xi32>
    %shift_right_logical3A_2075 = arith.shrui %sub3A_2072, %shift_right_logical3A_2074 : vector<128x128xi32>
    %concatenate3A_2076 = tpu.concatenate %shift_right_logical3A_2067, %shift_right_logical3A_2075 in 1 : vector<128x1920xi32>, vector<128x128xi32> -> vector<128x2048xi32>
    %add3A_2077 = arith.addi %add3A_2031, %concatenate3A_2076 : vector<128x2048xi32>
    %add3A_2078 = arith.addi %add3A_2059, %add3A_2077 : vector<128x2048xi32>
    %reduce_sum3A_2079 = arith.constant dense<0> : vector<2048xi32>
    %reduce_sum3A_2080 = vector.multi_reduction <add>, %add3A_2078, %reduce_sum3A_2079 [0] : vector<128x2048xi32> to vector<2048xi32>
    %broadcast_in_dim3A_2081 = vector.shape_cast %reduce_sum3A_2080 : vector<2048xi32> to vector<1x2048xi32>
    %swap3A_2082 = arith.constant 3 : index
    %swap3A_2083 = arith.constant 0 : index
    %swap3A_2084 = arith.constant 0 : index
    %swap3A_2085 = vector.load %arg11[%swap3A_2082, %swap3A_2083, %swap3A_2084] : memref<4x1x2048xi32, #tpu.memory_space<vmem>>, vector<1x1x2048xi32>
    %swap3A_2086 = vector.shape_cast %swap3A_2085 : vector<1x1x2048xi32> to vector<1x2048xi32>
    %swap3A_2087 = vector.shape_cast %broadcast_in_dim3A_2081 : vector<1x2048xi32> to vector<1x1x2048xi32>
    tpu.vector_store %arg11[%swap3A_2082, %swap3A_2083, %swap3A_2084], %swap3A_2087 {strides = array<i32>} : memref<4x1x2048xi32, #tpu.memory_space<vmem>>, vector<1x1x2048xi32>,
    %get3A_2088 = arith.constant 0 : index
    %get3A_2089 = memref.load %arg1[%get3A_2088] : memref<1xf32, #tpu.memory_space<smem>>
    %iota3A = tpu.iota {dimensions = array<i32: 1>} : vector<1x512xi32>
    %convert_element_type3A = arith.sitofp %iota3A : vector<1x512xi32> to vector<1x512xf32>
    %add3A_2090 = arith.constant 1.536000e+03 : f32
    %add3A_2091 = vector.broadcast %add3A_2090 : f32 to vector<1x512xf32>
    %add3A_2092 = arith.addf %convert_element_type3A, %add3A_2091 : vector<1x512xf32>
    %sub3A_2093 = arith.constant 2.048000e+03 : f32
    %sub3A_2094 = arith.subf %sub3A_2093, %get3A_2089 : f32
    %sub3A_2095 = vector.broadcast %sub3A_2094 : f32 to vector<1x512xf32>
    %sub3A_2096 = arith.subf %add3A_2092, %sub3A_2095 : vector<1x512xf32>
    %mul3A = arith.constant 1.000000e-01 : f32
    %mul3A_2097 = arith.mulf %mul3A, %get3A_2089 : f32
    %div3A = vector.broadcast %mul3A_2097 : f32 to vector<1x512xf32>
    %div3A_2098 = arith.divf %sub3A_2096, %div3A : vector<1x512xf32>
    %min3A_2099 = arith.constant 1.000000e+00 : f32
    %min3A_2100 = vector.broadcast %min3A_2099 : f32 to vector<1x512xf32>
    %min3A_2101 = arith.minimumf %div3A_2098, %min3A_2100 : vector<1x512xf32>
    %broadcast_in_dim3A_2102 = vector.shape_cast %min3A_2101 : vector<1x512xf32> to vector<1x1x512xf32>
    %broadcast_in_dim3A_2103 = vector.broadcast %broadcast_in_dim3A_2102 : vector<1x1x512xf32> to vector<4x1x512xf32>
    %swap3A_2104 = arith.constant 0 : index
    %swap3A_2105 = arith.constant 0 : index
    %swap3A_2106 = arith.constant 0 : index
    %swap3A_2107 = vector.load %arg12[%swap3A_2104, %swap3A_2105, %swap3A_2106] : memref<4x1x512xf32, #tpu.memory_space<vmem>>, vector<4x1x512xf32>
    tpu.vector_store %arg12[%swap3A_2104, %swap3A_2105, %swap3A_2106], %broadcast_in_dim3A_2103 {strides = array<i32>} : memref<4x1x512xf32, #tpu.memory_space<vmem>>, vector<4x1x512xf32>,
    return
  }
  func.func @transform_0(%arg0: i32) -> i32 {
    %c0_i32 = arith.constant 0 : i32
    %c0_i32_0 = arith.constant 0 : i32
    return %c0_i32 : i32
  }
  func.func @transform_1(%arg0: i32) -> (i32, i32, i32) {
    %c0_i32 = arith.constant 0 : i32
    %c0_i32_0 = arith.constant 0 : i32
    %c0_i32_1 = arith.constant 0 : i32
    return %arg0, %c0_i32, %c0_i32_0 : i32, i32, i32
  }
  func.func @transform_2(%arg0: i32) -> (i32, i32, i32) {
    %c0_i32 = arith.constant 0 : i32
    %c0_i32_0 = arith.constant 0 : i32
    %c0_i32_1 = arith.constant 0 : i32
    return %arg0, %c0_i32, %c0_i32_0 : i32, i32, i32
  }
  func.func @transform_3(%arg0: i32) -> (i32, i32, i32) {
    %c0_i32 = arith.constant 0 : i32
    %c0_i32_0 = arith.constant 0 : i32
    %c0_i32_1 = arith.constant 0 : i32
    return %arg0, %c0_i32, %c0_i32_0 : i32, i32, i32
  }
  func.func @transform_4(%arg0: i32) -> (i32, i32, i32) {
    %c0_i32 = arith.constant 0 : i32
    %c0_i32_0 = arith.constant 0 : i32
    %c0_i32_1 = arith.constant 0 : i32
    return %arg0, %c0_i32, %c0_i32_0 : i32, i32, i32
  }
  func.func @transform_5(%arg0: i32) -> (i32, i32, i32) {
    %c0_i32 = arith.constant 0 : i32
    %c0_i32_0 = arith.constant 0 : i32
    %c0_i32_1 = arith.constant 0 : i32
    return %arg0, %c0_i32, %c0_i32_0 : i32, i32, i32
  }
  func.func @transform_6(%arg0: i32) -> (i32, i32, i32) {
    %c0_i32 = arith.constant 0 : i32
    %c0_i32_0 = arith.constant 0 : i32
    %c0_i32_1 = arith.constant 0 : i32
    return %arg0, %c0_i32, %c0_i32_0 : i32, i32, i32
  }
  func.func @transform_7(%arg0: i32) -> (i32, i32, i32) {
    %c0_i32 = arith.constant 0 : i32
    %c0_i32_0 = arith.constant 0 : i32
    %c0_i32_1 = arith.constant 0 : i32
    return %arg0, %c0_i32, %c0_i32_0 : i32, i32, i32
  }
  func.func @transform_8(%arg0: i32) -> (i32, i32, i32) {
    %c0_i32 = arith.constant 0 : i32
    %c0_i32_0 = arith.constant 0 : i32
    %c0_i32_1 = arith.constant 0 : i32
    return %arg0, %c0_i32, %c0_i32_0 : i32, i32, i32
  }
  func.func @transform_9(%arg0: i32) -> (i32, i32) {
    %c0_i32 = arith.constant 0 : i32
    %c0_i32_0 = arith.constant 0 : i32
    %c0_i32_1 = arith.constant 0 : i32
    return %c0_i32, %c0_i32_0 : i32, i32
  }
  func.func @transform_10(%arg0: i32) -> (i32, i32, i32) {
    %c0_i32 = arith.constant 0 : i32
    %c0_i32_0 = arith.constant 0 : i32
    %c0_i32_1 = arith.constant 0 : i32
    return %arg0, %c0_i32, %c0_i32_0 : i32, i32, i32
  }
  func.func @transform_11(%arg0: i32) -> (i32, i32, i32) {
    %c0_i32 = arith.constant 0 : i32
    %c0_i32_0 = arith.constant 0 : i32
    %c0_i32_1 = arith.constant 0 : i32
    return %arg0, %c0_i32, %c0_i32_0 : i32, i32, i32
  }
}

</mosaic_0001>

<sc_bundles>
// kernel: kernel.4.cloned.1.call-start
scs
__scs_entry_jumppad:
0x0: {  	(pc) =	sbr.rel $0x88, $3  }
0x1: {  	(tag) =	ssettag $0x0;
	lr =	simm.s32 $0x1  }
0x2: {  	[smem:$0x3F9F] =	sst lr;
	_ =	strace $0xD0000000  }
0x3: {  	_ = 	snop  }
0x4: {  	_ = 	snop  }
0x5: {  	_ = 	snop  }
0x6: {  	_ = 	snop  }
0x7: {  	_ = 	snop  }
__scs_overlays_trampoline_lowered:
0x8: {  	[smem:$0x3FAE] =	sst s0  }
0x9: {  	[smem:$0x3FAF] =	sst s1  }
0xa: {  	[smem:$0x3FB0] =	sst s2  }
0xb: {  	[smem:$0x3FB1] =	sst s3  }
0xc: {  	[smem:$0x3FB2] =	sst s4  }
0xd: {  	[smem:$0x3FB3] =	sst s5  }
0xe: {  	[smem:$0x3FB4] =	sst s6  }
0xf: {  	[smem:$0x3FB5] =	sst s7  }
0x10: {  	[smem:$0x3FB6] =	sst s8  }
0x11: {  	[smem:$0x3FB7] =	sst s9;
	s0 =	simm.s32 @!p0 $0x0  }
0x12: {  	s1 =	sld [smem:$0x3F9D];
	s0 =	simm.s32 @p0 $0x1  }
0x13: {  	[smem:$0x3FB8] =	sst s0;
	s0 =	simm.s32 @!p1 $0x0  }
0x14: {  	s2 =	sld [smem:$0x3F9C];
	s0 =	simm.s32 @p1 $0x1  }
0x15: {  	[smem:$0x3FB9] =	sst s0;
	s0 =	simm.s32 @!p2 $0x0  }
0x16: {  	s3 =	sld [smem:$0x3FDB];
	s0 =	simm.s32 @p2 $0x1  }
0x17: {  	s4 =	simm.s32 $0x1BF5;
	[smem:$0x3FBB] =	sst s0  }
0x18: {  	s0 =	sld [smem:$0x3F9E];
	_ =	swait.ge [sflag:s4], $0x0  }
0x19: {  	s7 =	sld [smem:$0x3F9F]  }
0x1a: {  	s8 =	sadd.s32 $0xFFFFE003, lr  }
0x1b: {  	s9 =	sadd.s32 $0xFFFFFEF7, lr;
	s5 =	simm.s32 $0xFFFFFFFF;
	p2 =	slt.u32 s8, $0xFFFFF086  }
0x1c: {  	p1 =	slt.u32 s9, $0xF7A;
	s5 =	simm.s32 @!p2 $0x0  }
0x1d: {  	s5 =	simm.s32 @p1 $0x1;
	p0 =	seq.s32 s7, s2  }
0x1e: {  	s7 =	smul.u32 @!p0 $0xF7A, s2;
	p2 =	seq.s32 @!p0 s5, $0x0  }
0x1f: {  	s9 =	smul.u32 $0xF7A, s1;
	s8 =	simm.s32 @!p0 $0x1BF5;
	p2 =	por !p2, p0  }
0x20: {  	[sflag:s8] =	ssyncset.s32 @!p0 $0xFFFFF086;
	s6 =	sadd.s32 @!p0 s3, s7;
	s7 =	simm.s32 @!p0 $0x108  }
0x21: {  	s3 =	sadd.s32 s3, s9;
	s6 =	sadd.s32 @!p0 $0x88, s6;
	s7 =	simm.s32 @p2 $0x1082  }
0x22: {  	[simem:s7], [sflag:s8] =	dma.local @!p0 [hbm:s6], $0xF7A  }
0x23: {  	s9 =	sor.u32 $0xD0000000, s2;
	s6 =	simm.s32 $0x108;
	_ =	swait.ge @!p0 [sflag:s8], $0x0  }
0x24: {  	s3 =	sadd.s32 $0x88, s3;
	s6 =	simm.s32 @!p1 $0x1082;
	[sflag:s4] =	ssyncset.s32 $0xFFFFF086  }
0x25: {  	[simem:s6], [sflag:s4] =	dma.local [hbm:s3], $0xF7A  }
0x26: {  	[smem:$0x3F9F] =	sst s1;
	(tag) =	ssettag s2;
	_ =	strace s9  }
0x27: {  	s1 =	sld [smem:$0x3FAF]  }
0x28: {  	s2 =	sld [smem:$0x3FB0]  }
0x29: {  	s4 =	sld [smem:$0x3FB2]  }
0x2a: {  	p0 =	seq.s32 s5, $0x0;
	s5 =	sld [smem:$0x3FB3]  }
0x2b: {  	s6 =	sld [smem:$0x3FB4]  }
0x2c: {  	s7 =	sld [smem:$0x3FB5]  }
0x2d: {  	s3 =	simm.s32 $0x108;
	s8 =	sld [smem:$0x3FB6]  }
0x2e: {  	s3 =	simm.s32 @!p0 $0x1082;
	s9 =	sld [smem:$0x3FB7]  }
0x2f: {  	lr =	sadd.s32 s0, s3;
	s0 =	sld [smem:$0x3FAE]  }
0x30: {  	s3 =	sld [smem:$0x3FB1]  }
0x31: {  	[smem:$0x3FBA] =	sst s10  }
0x32: {  	s10 =	sld [smem:$0x3FB8];
	_ =	sdelay $0x3  }
0x33: {  	p0 =	seq.s32 s10, $0x1;
	s10 =	sld [smem:$0x3FBA];
	_ =	sdelay $0x3  }
0x34: {  	[smem:$0x3FBA] =	sst s10  }
0x35: {  	s10 =	sld [smem:$0x3FB9];
	_ =	sdelay $0x3  }
0x36: {  	p1 =	seq.s32 s10, $0x1;
	s10 =	sld [smem:$0x3FBA];
	_ =	sdelay $0x3  }
0x37: {  	[smem:$0x3FBA] =	sst s10  }
0x38: {  	s10 =	sld [smem:$0x3FBB]  }
0x39: {  	_ = 	snop;
	(pc) =	sbr.ind lr, $3  }
0x3a: {  	_ = 	snop  }
0x3b: {  	_ = 	snop  }
0x3c: {  	p2 =	seq.s32 s10, $0x1;
	s10 =	sld [smem:$0x3FBA]  }
0x3d: {  	_ =	shalt  }
0x3e: {  	_ =	shalt  }
0x3f: {  	_ =	shalt  }
0x40: {  	_ =	shalt  }
0x41: {  	_ =	shalt  }
0x42: {  	_ =	shalt  }
0x43: {  	_ =	shalt  }
0x44: {  	_ =	shalt  }
0x45: {  	_ =	shalt  }
0x46: {  	_ =	shalt  }
0x47: {  	_ =	shalt  }
0x48: {  	_ =	shalt  }
0x49: {  	_ =	shalt  }
0x4a: {  	_ =	shalt  }
0x4b: {  	_ =	shalt  }
0x4c: {  	_ =	shalt  }
0x4d: {  	_ =	shalt  }
0x4e: {  	_ =	shalt  }
0x4f: {  	_ =	shalt  }
0x50: {  	_ =	shalt  }
0x51: {  	_ =	shalt  }
0x52: {  	_ =	shalt  }
0x53: {  	_ =	shalt  }
0x54: {  	_ =	shalt  }
0x55: {  	_ =	shalt  }
0x56: {  	_ =	shalt  }
0x57: {  	_ =	shalt  }
0x58: {  	_ =	shalt  }
0x59: {  	_ =	shalt  }
0x5a: {  	_ =	shalt  }
0x5b: {  	_ =	shalt  }
0x5c: {  	_ =	shalt  }
0x5d: {  	_ =	shalt  }
0x5e: {  	_ =	shalt  }
0x5f: {  	_ =	shalt  }
0x60: {  	_ =	shalt  }
0x61: {  	_ =	shalt  }
0x62: {  	_ =	shalt  }
0x63: {  	_ =	shalt  }
0x64: {  	_ =	shalt  }
0x65: {  	_ =	shalt  }
0x66: {  	_ =	shalt  }
0x67: {  	_ =	shalt  }
0x68: {  	_ =	shalt  }
0x69: {  	_ =	shalt  }
0x6a: {  	_ =	shalt  }
0x6b: {  	_ =	shalt  }
0x6c: {  	_ =	shalt  }
0x6d: {  	_ =	shalt  }
0x6e: {  	_ =	shalt  }
0x6f: {  	_ =	shalt  }
0x70: {  	_ =	shalt  }
0x71: {  	_ =	shalt  }
0x72: {  	_ =	shalt  }
0x73: {  	_ =	shalt  }
0x74: {  	_ =	shalt  }
0x75: {  	_ =	shalt  }
0x76: {  	_ =	shalt  }
0x77: {  	_ =	shalt  }
0x78: {  	_ =	shalt  }
0x79: {  	_ =	shalt  }
0x7a: {  	_ =	shalt  }
0x7b: {  	_ =	shalt  }
0x7c: {  	_ =	shalt  }
0x7d: {  	_ =	shalt  }
0x7e: {  	_ =	shalt  }
0x7f: {  	_ =	shalt  }
0x80: {  	_ =	shalt  }
0x81: {  	_ =	shalt  }
0x82: {  	_ =	shalt  }
0x83: {  	_ =	shalt  }
0x84: {  	_ =	shalt  }
0x85: {  	_ =	shalt  }
0x86: {  	_ =	shalt  }
0x87: {  	_ =	shalt  }
.Lfunc_end0:
.L_simem_size_0:
called_computation_lowered:
.L_overlay_start_0:
0x88: {  	s0 =	sld [smem:$0x3FD9]  }
0x89: {  	s1 =	sld [smem:$0x3FFE];
	_ =	sdelay $0x3  }
0x8a: {  	s0 =	sadd.s32 s1, s0  }
0x8b: {  	[smem:$0x3FC6] =	sst s0  }
0x8c: {  	_ = 	snop  }
0x8d: {  	s0 =	sld [smem:$0x3FD0];
	_ =	sdelay $0x2  }
0x8e: {  	s13 =	simm.s32 $0xA;
	s2 =	simm.s32 $0x10  }
0x8f: {  	[smem:s2], [sflag:s13] =	dma.local [hbm:s0], $0x1  }
0x90: {  	_ =	swait.eq [sflag:s13], $0x1  }
0x91: {  	[sflag:s13] =	ssyncset.done $0x0  }
0x92: {  	[sflag:s13] =	ssyncadd.s32 $0xFFFFFFFF  }
0x93: {  	s14 =	sld [smem:$0x10];
	(tm) =	ssettm $0x1  }
0x94: {  	s15 =	sld [smem:$0x3FFB];
	_ =	sdelay $0x3  }
0x95: {  	_ =	strace s15  }
0x96: {  	s1 =	sld [smem:$0x3FFC];
	_ =	sdelay $0x3  }
0x97: {  	_ =	strace s1  }
0x98: {  	s1 =	sld [smem:$0x3FFD];
	_ =	sdelay $0x3  }
0x99: {  	_ =	strace s1  }
0x9a: {  	_ =	strace $0x8FFFFFFF  }
0x9b: {  	s16 =	sld [smem:$0x3FDB];
	_ =	sdelay $0x1  }
0x9c: {  	s17 =	simm.s32 $_scs_section_size  }
0x9d: {  	s3 =	simm.s32 $_size__tile_overlayer_lowered;
	s4 =	simm.s32 $_tile_overlayer_lowered  }
0x9e: {  	s20 =	simm.s32 $0x1BFF;
	s19 =	sshll.u32 s4, $0x1;
	s1 =	sadd.s32 s17, s16  }
0x9f: {  	s5 =	simm.s32 $0x0;
	s18 =	sshll.u32 s3, $0x1;
	s3 =	sadd.s32 s19, s1  }
0xa0: {  	[timem:s5], [sflag:s20] =	dma.local [hbm:s3], s18  }
0xa1: {  	_ =	swait.ge [sflag:s20], s18  }
0xa2: {  	s2 =	ssub.s32 $0x0, s18;
	[sflag:s20] =	ssyncset.done $0x0  }
0xa3: {  	[sflag:s20] =	ssyncadd.s32 s2;
	_ =	sdelay $0x1  }
0xa4: {  	s21 =	simm.s32 $0x1B8B  }
0xa5: {  	_ =	swait.ge [sflag:s21], $0x1  }
0xa6: {  	[sflag:s21] =	ssyncset.done $0x0  }
0xa7: {  	s23 =	simm.s32 $0x1B8E;
	s22 =	sld [smem:$0x3FFE];
	[sflag:s21] =	ssyncadd.s32 $0xFFFFFFFF  }
0xa8: {  	s24 =	simm.s32 $execute0_lowered;
	[smem:$0x3FD2] =	sst s23  }
0xa9: {  	s3 =	sshll.u32 s24, $0x1;
	_ =	strace $0x80000046;
	[dreg:$0x1] =	wrdreg $0xFFFFFFFF  }
0xaa: {  	s25 =	simm.s32 $_size_execute0_lowered;
	s1 =	sadd.s32 s1, s3;
	[dreg:$0x0] =	wrdreg $0x0  }
0xab: {  	s3 =	sshll.u32 s25, $0x1;
	[dreg:$0x2] =	wrdreg s1  }
0xac: {  	[dreg:$0x3] =	wrdreg s3  }
0xad: {  	[dreg:$0x4] =	wrdreg $0xC0  }
0xae: {  	_ =	task [dreg:s5], $0x5FFFF  }
0xaf: {  	[dreg:$0x1] =	wrdreg $0xFFFFFFFF  }
0xb0: {  	[dreg:$0x0] =	wrdreg $0x60  }
0xb1: {  	[dreg:$0x2] =	wrdreg s22  }
0xb2: {  	[dreg:$0x3] =	wrdreg s14  }
0xb3: {  	[dreg:$0x4] =	wrdreg $0x9  }
0xb4: {  	_ =	task.clear_ibuf [dreg:s5], $0x5FFFF;
	_ =	strace $0x90000046  }
0xb5: {  	s26 =	simm.s32 $0x9;
	_ =	strace $0x80000048  }
0xb6: {  	_ =	swait.ge [sflag:s26], $0x1  }
0xb7: {  	[sflag:s26] =	ssyncadd.s32 $0xFFFFFFFF  }
0xb8: {  	_ =	strace $0x90000048  }
0xb9: {  	_ =	sfence  }
0xba: {  	s28 =	sld [smem:$0x0];
	_ =	sdelay $0x1  }
0xbb: {  	s29 =	srdreg.scid  }
0xbc: {  	s30 =	sshll.u32 s29, $0xD;
	s31 =	sshrl.u32 s29, $0x2  }
0xbd: {  	s2 =	sand.u32 $0x4000, s30;
	s1 =	sand.u32 $0x1, s29;
	s0 =	sadd.s32 s31, s28  }
0xbe: {  	s1 =	sor.u32 s2, s1;
	s0 =	sshll.u32 s0, $0x11  }
0xbf: {  	s0 =	sor.u32 s0, s1  }
0xc0: {  	s0 =	sadd.s32 $0x8F2B, s0  }
0xc1: {  	[sflag:s0] =	ssyncadd.remote.s32 $0x1  }
0xc2: {  	_ =	sfence.sel $0xFFFF  }
0xc3: {  	[dreg:$0x0] =	wrdreg $0xFFFFFFFF;
	(pc) =	sbr.abs _section_cstart, $3  }
0xc4: {  	[dreg:$0x1] =	wrdreg $0xFFFFFFFF  }
0xc5: {  	_ =	task.clear_ibuf [dreg:s5], $0x2FFFF;
	_ =	strace $0x9FFFFFFF  }
0xc6: {  	(tm) =	ssettm $0x7FFFFFFF  }
0xc7: {  	_ =	shalt  }
tec
execute0_lowered:
.L_overlay_start_1:
0x0: {  	(tag) =	ssettag $0x1  }
0x1: {  	s1 =	stileid.u32  }
0x2: {  	p0 =	sgt.u32 s1, $0x7  }
.Ltmp0:
0x3: {  	_ = 	snop;
	(pc) =	sbr.rel @p0 .LBB2_2-.Ltmp0, $4  }
0x4: {  	s3 =	rddreg [dreg:$0x0]  }
0x5: {  	s2 =	rddreg [dreg:$0x1];
	s4 =	simm.s32 $0x0  }
0x6: {  	[smem:$0x7FF] =	sst s4  }
0x7: {  	s0 =	rddreg [dreg:$0x2];
	_ =	strace $0x80000047  }
0x8: {  	s3 =	sadd.s32 $0x1400, s3;
	s5 =	sshll.u32 s1, $0x4;
	s28 =	simm.s32 $0x80  }
0x9: {  	s6 =	simm.s32 $0x400;
	s29 =	simm.s32 $0x1;
	s7 =	sadd.s32 s3, s5  }
0xa: {  	[tilespmem:s4], [sflag:$0x1] =	stream.strided.gather [hbm4b:s7+s28], $0x800, s6, s28, $0x38;
	[tilespmem:$0x1000] =	vst v63  }
0xb: {  	_ =	swait.ge [sflag:s29], $0x800  }
0xc: {  	[sflag:s29] =	ssyncset.done $0x0  }
0xd: {  	[sflag:s29] =	ssyncadd.s32 $0xFFFFF800  }
0xe: {  	v1 =	vld [tilespmem:$0x0];
	_ =	sdelay $0x6  }
0xf: {  	v0 =	vlaneseq.u32;
	s30 =	simm.s32 $0x800  }
0x10: {  	[tilespmem:v1+s30+$0x0] =	vst.idx.msk $0xffff, v0  }
0x11: {  	v1 =	vld [tilespmem:$0x10];
	_ =	sdelay $0x6  }
0x12: {  	v2 =	vor.u32 $0x10, v0  }
0x13: {  	[tilespmem:v1+s30+$0x0] =	vst.idx.msk $0xffff, v2  }
0x14: {  	v1 =	vld [tilespmem:$0x20];
	_ =	sdelay $0x6  }
0x15: {  	v59 =	vor.u32 $0x20, v0  }
0x16: {  	[tilespmem:v1+s30+$0x0] =	vst.idx.msk $0xffff, v59  }
0x17: {  	v1 =	vld [tilespmem:$0x30];
	_ =	sdelay $0x6  }
0x18: {  	v60 =	vor.u32 $0x30, v0  }
0x19: {  	[tilespmem:v1+s30+$0x0] =	vst.idx.msk $0xffff, v60  }
0x1a: {  	v1 =	vld [tilespmem:$0x40];
	_ =	sdelay $0x6  }
0x1b: {  	v61 =	vor.u32 $0x40, v0  }
0x1c: {  	[tilespmem:v1+s30+$0x0] =	vst.idx.msk $0xffff, v61  }
0x1d: {  	v1 =	vld [tilespmem:$0x50];
	_ =	sdelay $0x6  }
0x1e: {  	v62 =	vor.u32 $0x50, v0  }
0x1f: {  	[tilespmem:v1+s30+$0x0] =	vst.idx.msk $0xffff, v62  }
0x20: {  	v1 =	vld [tilespmem:$0x60];
	_ =	sdelay $0x6  }
0x21: {  	v63 =	vor.u32 $0x60, v0  }
0x22: {  	[tilespmem:v1+s30+$0x0] =	vst.idx.msk $0xffff, v63  }
0x23: {  	v1 =	vld [tilespmem:$0x70];
	_ =	sdelay $0x6  }
0x24: {  	v4 =	vor.u32 $0x70, v0  }
0x25: {  	[tilespmem:v1+s30+$0x0] =	vst.idx.msk $0xffff, v4  }
0x26: {  	v1 =	vld [tilespmem:$0x80];
	_ =	sdelay $0x6  }
0x27: {  	v5 =	vor.u32 $0x80, v0  }
0x28: {  	[tilespmem:v1+s30+$0x0] =	vst.idx.msk $0xffff, v5  }
0x29: {  	v1 =	vld [tilespmem:$0x90];
	_ =	sdelay $0x6  }
0x2a: {  	v6 =	vor.u32 $0x90, v0  }
0x2b: {  	[tilespmem:v1+s30+$0x0] =	vst.idx.msk $0xffff, v6  }
0x2c: {  	v1 =	vld [tilespmem:$0xA0];
	_ =	sdelay $0x6  }
0x2d: {  	v7 =	vor.u32 $0xA0, v0  }
0x2e: {  	[tilespmem:v1+s30+$0x0] =	vst.idx.msk $0xffff, v7  }
0x2f: {  	v1 =	vld [tilespmem:$0xB0];
	_ =	sdelay $0x6  }
0x30: {  	v8 =	vor.u32 $0xB0, v0  }
0x31: {  	[tilespmem:v1+s30+$0x0] =	vst.idx.msk $0xffff, v8  }
0x32: {  	v1 =	vld [tilespmem:$0xC0];
	_ =	sdelay $0x6  }
0x33: {  	v9 =	vor.u32 $0xC0, v0  }
0x34: {  	[tilespmem:v1+s30+$0x0] =	vst.idx.msk $0xffff, v9  }
0x35: {  	v1 =	vld [tilespmem:$0xD0];
	_ =	sdelay $0x6  }
0x36: {  	v10 =	vor.u32 $0xD0, v0  }
0x37: {  	[tilespmem:v1+s30+$0x0] =	vst.idx.msk $0xffff, v10  }
0x38: {  	v1 =	vld [tilespmem:$0xE0];
	_ =	sdelay $0x6  }
0x39: {  	v11 =	vor.u32 $0xE0, v0  }
0x3a: {  	[tilespmem:v1+s30+$0x0] =	vst.idx.msk $0xffff, v11  }
0x3b: {  	v1 =	vld [tilespmem:$0xF0];
	_ =	sdelay $0x6  }
0x3c: {  	v12 =	vor.u32 $0xF0, v0  }
0x3d: {  	[tilespmem:v1+s30+$0x0] =	vst.idx.msk $0xffff, v12  }
0x3e: {  	v1 =	vld [tilespmem:$0x100];
	_ =	sdelay $0x6  }
0x3f: {  	v13 =	vor.u32 $0x100, v0  }
0x40: {  	[tilespmem:v1+s30+$0x0] =	vst.idx.msk $0xffff, v13  }
0x41: {  	v1 =	vld [tilespmem:$0x110];
	_ =	sdelay $0x6  }
0x42: {  	v14 =	vor.u32 $0x110, v0  }
0x43: {  	[tilespmem:v1+s30+$0x0] =	vst.idx.msk $0xffff, v14  }
0x44: {  	v1 =	vld [tilespmem:$0x120];
	_ =	sdelay $0x6  }
0x45: {  	v15 =	vor.u32 $0x120, v0  }
0x46: {  	[tilespmem:v1+s30+$0x0] =	vst.idx.msk $0xffff, v15  }
0x47: {  	v1 =	vld [tilespmem:$0x130];
	_ =	sdelay $0x6  }
0x48: {  	v16 =	vor.u32 $0x130, v0  }
0x49: {  	[tilespmem:v1+s30+$0x0] =	vst.idx.msk $0xffff, v16  }
0x4a: {  	v1 =	vld [tilespmem:$0x140];
	_ =	sdelay $0x6  }
0x4b: {  	v17 =	vor.u32 $0x140, v0  }
0x4c: {  	[tilespmem:v1+s30+$0x0] =	vst.idx.msk $0xffff, v17  }
0x4d: {  	v1 =	vld [tilespmem:$0x150];
	_ =	sdelay $0x6  }
0x4e: {  	v18 =	vor.u32 $0x150, v0  }
0x4f: {  	[tilespmem:v1+s30+$0x0] =	vst.idx.msk $0xffff, v18  }
0x50: {  	v1 =	vld [tilespmem:$0x160];
	_ =	sdelay $0x6  }
0x51: {  	v19 =	vor.u32 $0x160, v0  }
0x52: {  	[tilespmem:v1+s30+$0x0] =	vst.idx.msk $0xffff, v19  }
0x53: {  	v1 =	vld [tilespmem:$0x170];
	_ =	sdelay $0x6  }
0x54: {  	v20 =	vor.u32 $0x170, v0  }
0x55: {  	[tilespmem:v1+s30+$0x0] =	vst.idx.msk $0xffff, v20  }
0x56: {  	v1 =	vld [tilespmem:$0x180];
	_ =	sdelay $0x6  }
0x57: {  	v21 =	vor.u32 $0x180, v0  }
0x58: {  	[tilespmem:v1+s30+$0x0] =	vst.idx.msk $0xffff, v21  }
0x59: {  	v1 =	vld [tilespmem:$0x190];
	_ =	sdelay $0x6  }
0x5a: {  	v22 =	vor.u32 $0x190, v0  }
0x5b: {  	[tilespmem:v1+s30+$0x0] =	vst.idx.msk $0xffff, v22  }
0x5c: {  	v1 =	vld [tilespmem:$0x1A0];
	_ =	sdelay $0x6  }
0x5d: {  	v23 =	vor.u32 $0x1A0, v0  }
0x5e: {  	[tilespmem:v1+s30+$0x0] =	vst.idx.msk $0xffff, v23  }
0x5f: {  	v1 =	vld [tilespmem:$0x1B0];
	_ =	sdelay $0x6  }
0x60: {  	v24 =	vor.u32 $0x1B0, v0  }
0x61: {  	[tilespmem:v1+s30+$0x0] =	vst.idx.msk $0xffff, v24  }
0x62: {  	v1 =	vld [tilespmem:$0x1C0];
	_ =	sdelay $0x6  }
0x63: {  	v25 =	vor.u32 $0x1C0, v0  }
0x64: {  	[tilespmem:v1+s30+$0x0] =	vst.idx.msk $0xffff, v25  }
0x65: {  	v1 =	vld [tilespmem:$0x1D0];
	_ =	sdelay $0x6  }
0x66: {  	v26 =	vor.u32 $0x1D0, v0  }
0x67: {  	[tilespmem:v1+s30+$0x0] =	vst.idx.msk $0xffff, v26  }
0x68: {  	v1 =	vld [tilespmem:$0x1E0];
	_ =	sdelay $0x6  }
0x69: {  	v27 =	vor.u32 $0x1E0, v0  }
0x6a: {  	[tilespmem:v1+s30+$0x0] =	vst.idx.msk $0xffff, v27  }
0x6b: {  	v1 =	vld [tilespmem:$0x1F0];
	_ =	sdelay $0x6  }
0x6c: {  	v28 =	vor.u32 $0x1F0, v0  }
0x6d: {  	[tilespmem:v1+s30+$0x0] =	vst.idx.msk $0xffff, v28  }
0x6e: {  	v1 =	vld [tilespmem:$0x200];
	_ =	sdelay $0x6  }
0x6f: {  	v29 =	vor.u32 $0x200, v0  }
0x70: {  	[tilespmem:v1+s30+$0x0] =	vst.idx.msk $0xffff, v29  }
0x71: {  	v1 =	vld [tilespmem:$0x210];
	_ =	sdelay $0x6  }
0x72: {  	v30 =	vor.u32 $0x210, v0  }
0x73: {  	[tilespmem:v1+s30+$0x0] =	vst.idx.msk $0xffff, v30  }
0x74: {  	v1 =	vld [tilespmem:$0x220];
	_ =	sdelay $0x6  }
0x75: {  	v31 =	vor.u32 $0x220, v0  }
0x76: {  	[tilespmem:v1+s30+$0x0] =	vst.idx.msk $0xffff, v31  }
0x77: {  	v1 =	vld [tilespmem:$0x230];
	_ =	sdelay $0x6  }
0x78: {  	v32 =	vor.u32 $0x230, v0  }
0x79: {  	[tilespmem:v1+s30+$0x0] =	vst.idx.msk $0xffff, v32  }
0x7a: {  	v1 =	vld [tilespmem:$0x240];
	_ =	sdelay $0x6  }
0x7b: {  	v33 =	vor.u32 $0x240, v0  }
0x7c: {  	[tilespmem:v1+s30+$0x0] =	vst.idx.msk $0xffff, v33  }
0x7d: {  	v1 =	vld [tilespmem:$0x250];
	_ =	sdelay $0x6  }
0x7e: {  	v34 =	vor.u32 $0x250, v0  }
0x7f: {  	[tilespmem:v1+s30+$0x0] =	vst.idx.msk $0xffff, v34  }
0x80: {  	v1 =	vld [tilespmem:$0x260];
	_ =	sdelay $0x6  }
0x81: {  	v35 =	vor.u32 $0x260, v0  }
0x82: {  	[tilespmem:v1+s30+$0x0] =	vst.idx.msk $0xffff, v35  }
0x83: {  	v1 =	vld [tilespmem:$0x270];
	_ =	sdelay $0x6  }
0x84: {  	v36 =	vor.u32 $0x270, v0  }
0x85: {  	[tilespmem:v1+s30+$0x0] =	vst.idx.msk $0xffff, v36  }
0x86: {  	v1 =	vld [tilespmem:$0x280];
	_ =	sdelay $0x6  }
0x87: {  	v37 =	vor.u32 $0x280, v0  }
0x88: {  	[tilespmem:v1+s30+$0x0] =	vst.idx.msk $0xffff, v37  }
0x89: {  	v1 =	vld [tilespmem:$0x290];
	_ =	sdelay $0x6  }
0x8a: {  	v38 =	vor.u32 $0x290, v0  }
0x8b: {  	[tilespmem:v1+s30+$0x0] =	vst.idx.msk $0xffff, v38  }
0x8c: {  	v1 =	vld [tilespmem:$0x2A0];
	_ =	sdelay $0x6  }
0x8d: {  	v39 =	vor.u32 $0x2A0, v0  }
0x8e: {  	[tilespmem:v1+s30+$0x0] =	vst.idx.msk $0xffff, v39  }
0x8f: {  	v1 =	vld [tilespmem:$0x2B0];
	_ =	sdelay $0x6  }
0x90: {  	v40 =	vor.u32 $0x2B0, v0  }
0x91: {  	[tilespmem:v1+s30+$0x0] =	vst.idx.msk $0xffff, v40  }
0x92: {  	v1 =	vld [tilespmem:$0x2C0];
	_ =	sdelay $0x6  }
0x93: {  	v41 =	vor.u32 $0x2C0, v0  }
0x94: {  	[tilespmem:v1+s30+$0x0] =	vst.idx.msk $0xffff, v41  }
0x95: {  	v1 =	vld [tilespmem:$0x2D0];
	_ =	sdelay $0x6  }
0x96: {  	v42 =	vor.u32 $0x2D0, v0  }
0x97: {  	[tilespmem:v1+s30+$0x0] =	vst.idx.msk $0xffff, v42  }
0x98: {  	v1 =	vld [tilespmem:$0x2E0];
	_ =	sdelay $0x6  }
0x99: {  	v43 =	vor.u32 $0x2E0, v0  }
0x9a: {  	[tilespmem:v1+s30+$0x0] =	vst.idx.msk $0xffff, v43  }
0x9b: {  	v1 =	vld [tilespmem:$0x2F0];
	_ =	sdelay $0x6  }
0x9c: {  	v44 =	vor.u32 $0x2F0, v0  }
0x9d: {  	[tilespmem:v1+s30+$0x0] =	vst.idx.msk $0xffff, v44  }
0x9e: {  	v1 =	vld [tilespmem:$0x300];
	_ =	sdelay $0x6  }
0x9f: {  	v45 =	vor.u32 $0x300, v0  }
0xa0: {  	[tilespmem:v1+s30+$0x0] =	vst.idx.msk $0xffff, v45  }
0xa1: {  	v1 =	vld [tilespmem:$0x310];
	_ =	sdelay $0x6  }
0xa2: {  	v46 =	vor.u32 $0x310, v0  }
0xa3: {  	[tilespmem:v1+s30+$0x0] =	vst.idx.msk $0xffff, v46  }
0xa4: {  	v1 =	vld [tilespmem:$0x320];
	_ =	sdelay $0x6  }
0xa5: {  	v47 =	vor.u32 $0x320, v0  }
0xa6: {  	[tilespmem:v1+s30+$0x0] =	vst.idx.msk $0xffff, v47  }
0xa7: {  	v1 =	vld [tilespmem:$0x330];
	_ =	sdelay $0x6  }
0xa8: {  	v48 =	vor.u32 $0x330, v0  }
0xa9: {  	[tilespmem:v1+s30+$0x0] =	vst.idx.msk $0xffff, v48  }
0xaa: {  	v1 =	vld [tilespmem:$0x340];
	_ =	sdelay $0x6  }
0xab: {  	v49 =	vor.u32 $0x340, v0  }
0xac: {  	[tilespmem:v1+s30+$0x0] =	vst.idx.msk $0xffff, v49  }
0xad: {  	v1 =	vld [tilespmem:$0x350];
	_ =	sdelay $0x6  }
0xae: {  	v50 =	vor.u32 $0x350, v0  }
0xaf: {  	[tilespmem:v1+s30+$0x0] =	vst.idx.msk $0xffff, v50  }
0xb0: {  	v1 =	vld [tilespmem:$0x360];
	_ =	sdelay $0x6  }
0xb1: {  	v51 =	vor.u32 $0x360, v0  }
0xb2: {  	[tilespmem:v1+s30+$0x0] =	vst.idx.msk $0xffff, v51  }
0xb3: {  	v1 =	vld [tilespmem:$0x370];
	_ =	sdelay $0x6  }
0xb4: {  	v52 =	vor.u32 $0x370, v0  }
0xb5: {  	[tilespmem:v1+s30+$0x0] =	vst.idx.msk $0xffff, v52  }
0xb6: {  	v1 =	vld [tilespmem:$0x380];
	_ =	sdelay $0x6  }
0xb7: {  	v53 =	vor.u32 $0x380, v0  }
0xb8: {  	[tilespmem:v1+s30+$0x0] =	vst.idx.msk $0xffff, v53  }
0xb9: {  	v1 =	vld [tilespmem:$0x390];
	_ =	sdelay $0x6  }
0xba: {  	v54 =	vor.u32 $0x390, v0  }
0xbb: {  	[tilespmem:v1+s30+$0x0] =	vst.idx.msk $0xffff, v54  }
0xbc: {  	v1 =	vld [tilespmem:$0x3A0];
	_ =	sdelay $0x6  }
0xbd: {  	v55 =	vor.u32 $0x3A0, v0  }
0xbe: {  	[tilespmem:v1+s30+$0x0] =	vst.idx.msk $0xffff, v55  }
0xbf: {  	v1 =	vld [tilespmem:$0x3B0];
	_ =	sdelay $0x6  }
0xc0: {  	v56 =	vor.u32 $0x3B0, v0  }
0xc1: {  	[tilespmem:v1+s30+$0x0] =	vst.idx.msk $0xffff, v56  }
0xc2: {  	v1 =	vld [tilespmem:$0x3C0];
	_ =	sdelay $0x6  }
0xc3: {  	v57 =	vor.u32 $0x3C0, v0  }
0xc4: {  	[tilespmem:v1+s30+$0x0] =	vst.idx.msk $0xffff, v57  }
0xc5: {  	v1 =	vld [tilespmem:$0x3D0];
	_ =	sdelay $0x6  }
0xc6: {  	v58 =	vor.u32 $0x3D0, v0  }
0xc7: {  	[tilespmem:v1+s30+$0x0] =	vst.idx.msk $0xffff, v58  }
0xc8: {  	v1 =	vld [tilespmem:$0x3E0];
	_ =	sdelay $0x6  }
0xc9: {  	v59 =	vor.u32 $0x3E0, v0  }
0xca: {  	[tilespmem:v1+s30+$0x0] =	vst.idx.msk $0xffff, v59  }
0xcb: {  	v1 =	vld [tilespmem:$0x3F0];
	_ =	sdelay $0x6  }
0xcc: {  	v60 =	vor.u32 $0x3F0, v0  }
0xcd: {  	[tilespmem:v1+s30+$0x0] =	vst.idx.msk $0xffff, v60  }
0xce: {  	v1 =	vld [tilespmem:$0x400];
	_ =	sdelay $0x6  }
0xcf: {  	v61 =	vor.u32 $0x400, v0  }
0xd0: {  	[tilespmem:v1+s30+$0x0] =	vst.idx.msk $0xffff, v61  }
0xd1: {  	v1 =	vld [tilespmem:$0x410];
	_ =	sdelay $0x6  }
0xd2: {  	v62 =	vor.u32 $0x410, v0  }
0xd3: {  	[tilespmem:v1+s30+$0x0] =	vst.idx.msk $0xffff, v62  }
0xd4: {  	v1 =	vld [tilespmem:$0x420];
	_ =	sdelay $0x6  }
0xd5: {  	v63 =	vor.u32 $0x420, v0  }
0xd6: {  	[tilespmem:v1+s30+$0x0] =	vst.idx.msk $0xffff, v63  }
0xd7: {  	v1 =	vld [tilespmem:$0x430];
	_ =	sdelay $0x6  }
0xd8: {  	v4 =	vor.u32 $0x430, v0  }
0xd9: {  	[tilespmem:v1+s30+$0x0] =	vst.idx.msk $0xffff, v4  }
0xda: {  	v1 =	vld [tilespmem:$0x440];
	_ =	sdelay $0x6  }
0xdb: {  	v5 =	vor.u32 $0x440, v0  }
0xdc: {  	[tilespmem:v1+s30+$0x0] =	vst.idx.msk $0xffff, v5  }
0xdd: {  	v1 =	vld [tilespmem:$0x450];
	_ =	sdelay $0x6  }
0xde: {  	v6 =	vor.u32 $0x450, v0  }
0xdf: {  	[tilespmem:v1+s30+$0x0] =	vst.idx.msk $0xffff, v6  }
0xe0: {  	v1 =	vld [tilespmem:$0x460];
	_ =	sdelay $0x6  }
0xe1: {  	v7 =	vor.u32 $0x460, v0  }
0xe2: {  	[tilespmem:v1+s30+$0x0] =	vst.idx.msk $0xffff, v7  }
0xe3: {  	v1 =	vld [tilespmem:$0x470];
	_ =	sdelay $0x6  }
0xe4: {  	v8 =	vor.u32 $0x470, v0  }
0xe5: {  	[tilespmem:v1+s30+$0x0] =	vst.idx.msk $0xffff, v8  }
0xe6: {  	v1 =	vld [tilespmem:$0x480];
	_ =	sdelay $0x6  }
0xe7: {  	v9 =	vor.u32 $0x480, v0  }
0xe8: {  	[tilespmem:v1+s30+$0x0] =	vst.idx.msk $0xffff, v9  }
0xe9: {  	v1 =	vld [tilespmem:$0x490];
	_ =	sdelay $0x6  }
0xea: {  	v10 =	vor.u32 $0x490, v0  }
0xeb: {  	[tilespmem:v1+s30+$0x0] =	vst.idx.msk $0xffff, v10  }
0xec: {  	v1 =	vld [tilespmem:$0x4A0];
	_ =	sdelay $0x6  }
0xed: {  	v11 =	vor.u32 $0x4A0, v0  }
0xee: {  	[tilespmem:v1+s30+$0x0] =	vst.idx.msk $0xffff, v11  }
0xef: {  	v1 =	vld [tilespmem:$0x4B0];
	_ =	sdelay $0x6  }
0xf0: {  	v12 =	vor.u32 $0x4B0, v0  }
0xf1: {  	[tilespmem:v1+s30+$0x0] =	vst.idx.msk $0xffff, v12  }
0xf2: {  	v1 =	vld [tilespmem:$0x4C0];
	_ =	sdelay $0x6  }
0xf3: {  	v13 =	vor.u32 $0x4C0, v0  }
0xf4: {  	[tilespmem:v1+s30+$0x0] =	vst.idx.msk $0xffff, v13  }
0xf5: {  	v1 =	vld [tilespmem:$0x4D0];
	_ =	sdelay $0x6  }
0xf6: {  	v14 =	vor.u32 $0x4D0, v0  }
0xf7: {  	[tilespmem:v1+s30+$0x0] =	vst.idx.msk $0xffff, v14  }
0xf8: {  	v1 =	vld [tilespmem:$0x4E0];
	_ =	sdelay $0x6  }
0xf9: {  	v15 =	vor.u32 $0x4E0, v0  }
0xfa: {  	[tilespmem:v1+s30+$0x0] =	vst.idx.msk $0xffff, v15  }
0xfb: {  	v1 =	vld [tilespmem:$0x4F0];
	_ =	sdelay $0x6  }
0xfc: {  	v16 =	vor.u32 $0x4F0, v0  }
0xfd: {  	[tilespmem:v1+s30+$0x0] =	vst.idx.msk $0xffff, v16  }
0xfe: {  	v1 =	vld [tilespmem:$0x500];
	_ =	sdelay $0x6  }
0xff: {  	v17 =	vor.u32 $0x500, v0  }
0x100: {  	[tilespmem:v1+s30+$0x0] =	vst.idx.msk $0xffff, v17  }
0x101: {  	v1 =	vld [tilespmem:$0x510];
	_ =	sdelay $0x6  }
0x102: {  	v18 =	vor.u32 $0x510, v0  }
0x103: {  	[tilespmem:v1+s30+$0x0] =	vst.idx.msk $0xffff, v18  }
0x104: {  	v1 =	vld [tilespmem:$0x520];
	_ =	sdelay $0x6  }
0x105: {  	v19 =	vor.u32 $0x520, v0  }
0x106: {  	[tilespmem:v1+s30+$0x0] =	vst.idx.msk $0xffff, v19  }
0x107: {  	v1 =	vld [tilespmem:$0x530];
	_ =	sdelay $0x6  }
0x108: {  	v20 =	vor.u32 $0x530, v0  }
0x109: {  	[tilespmem:v1+s30+$0x0] =	vst.idx.msk $0xffff, v20  }
0x10a: {  	v1 =	vld [tilespmem:$0x540];
	_ =	sdelay $0x6  }
0x10b: {  	v21 =	vor.u32 $0x540, v0  }
0x10c: {  	[tilespmem:v1+s30+$0x0] =	vst.idx.msk $0xffff, v21  }
0x10d: {  	v1 =	vld [tilespmem:$0x550];
	_ =	sdelay $0x6  }
0x10e: {  	v22 =	vor.u32 $0x550, v0  }
0x10f: {  	[tilespmem:v1+s30+$0x0] =	vst.idx.msk $0xffff, v22  }
0x110: {  	v1 =	vld [tilespmem:$0x560];
	_ =	sdelay $0x6  }
0x111: {  	v23 =	vor.u32 $0x560, v0  }
0x112: {  	[tilespmem:v1+s30+$0x0] =	vst.idx.msk $0xffff, v23  }
0x113: {  	v1 =	vld [tilespmem:$0x570];
	_ =	sdelay $0x6  }
0x114: {  	v24 =	vor.u32 $0x570, v0  }
0x115: {  	[tilespmem:v1+s30+$0x0] =	vst.idx.msk $0xffff, v24  }
0x116: {  	v1 =	vld [tilespmem:$0x580];
	_ =	sdelay $0x6  }
0x117: {  	v25 =	vor.u32 $0x580, v0  }
0x118: {  	[tilespmem:v1+s30+$0x0] =	vst.idx.msk $0xffff, v25  }
0x119: {  	v1 =	vld [tilespmem:$0x590];
	_ =	sdelay $0x6  }
0x11a: {  	v26 =	vor.u32 $0x590, v0  }
0x11b: {  	[tilespmem:v1+s30+$0x0] =	vst.idx.msk $0xffff, v26  }
0x11c: {  	v1 =	vld [tilespmem:$0x5A0];
	_ =	sdelay $0x6  }
0x11d: {  	v27 =	vor.u32 $0x5A0, v0  }
0x11e: {  	[tilespmem:v1+s30+$0x0] =	vst.idx.msk $0xffff, v27  }
0x11f: {  	v1 =	vld [tilespmem:$0x5B0];
	_ =	sdelay $0x6  }
0x120: {  	v28 =	vor.u32 $0x5B0, v0  }
0x121: {  	[tilespmem:v1+s30+$0x0] =	vst.idx.msk $0xffff, v28  }
0x122: {  	v1 =	vld [tilespmem:$0x5C0];
	_ =	sdelay $0x6  }
0x123: {  	v29 =	vor.u32 $0x5C0, v0  }
0x124: {  	[tilespmem:v1+s30+$0x0] =	vst.idx.msk $0xffff, v29  }
0x125: {  	v1 =	vld [tilespmem:$0x5D0];
	_ =	sdelay $0x6  }
0x126: {  	v30 =	vor.u32 $0x5D0, v0  }
0x127: {  	[tilespmem:v1+s30+$0x0] =	vst.idx.msk $0xffff, v30  }
0x128: {  	v1 =	vld [tilespmem:$0x5E0];
	_ =	sdelay $0x6  }
0x129: {  	v31 =	vor.u32 $0x5E0, v0  }
0x12a: {  	[tilespmem:v1+s30+$0x0] =	vst.idx.msk $0xffff, v31  }
0x12b: {  	v1 =	vld [tilespmem:$0x5F0];
	_ =	sdelay $0x6  }
0x12c: {  	v32 =	vor.u32 $0x5F0, v0  }
0x12d: {  	[tilespmem:v1+s30+$0x0] =	vst.idx.msk $0xffff, v32  }
0x12e: {  	v1 =	vld [tilespmem:$0x600];
	_ =	sdelay $0x6  }
0x12f: {  	v33 =	vor.u32 $0x600, v0  }
0x130: {  	[tilespmem:v1+s30+$0x0] =	vst.idx.msk $0xffff, v33  }
0x131: {  	v1 =	vld [tilespmem:$0x610];
	_ =	sdelay $0x6  }
0x132: {  	v34 =	vor.u32 $0x610, v0  }
0x133: {  	[tilespmem:v1+s30+$0x0] =	vst.idx.msk $0xffff, v34  }
0x134: {  	v1 =	vld [tilespmem:$0x620];
	_ =	sdelay $0x6  }
0x135: {  	v35 =	vor.u32 $0x620, v0  }
0x136: {  	[tilespmem:v1+s30+$0x0] =	vst.idx.msk $0xffff, v35  }
0x137: {  	v1 =	vld [tilespmem:$0x630];
	_ =	sdelay $0x6  }
0x138: {  	v36 =	vor.u32 $0x630, v0  }
0x139: {  	[tilespmem:v1+s30+$0x0] =	vst.idx.msk $0xffff, v36  }
0x13a: {  	v1 =	vld [tilespmem:$0x640];
	_ =	sdelay $0x6  }
0x13b: {  	v37 =	vor.u32 $0x640, v0  }
0x13c: {  	[tilespmem:v1+s30+$0x0] =	vst.idx.msk $0xffff, v37  }
0x13d: {  	v1 =	vld [tilespmem:$0x650];
	_ =	sdelay $0x6  }
0x13e: {  	v38 =	vor.u32 $0x650, v0  }
0x13f: {  	[tilespmem:v1+s30+$0x0] =	vst.idx.msk $0xffff, v38  }
0x140: {  	v1 =	vld [tilespmem:$0x660];
	_ =	sdelay $0x6  }
0x141: {  	v39 =	vor.u32 $0x660, v0  }
0x142: {  	[tilespmem:v1+s30+$0x0] =	vst.idx.msk $0xffff, v39  }
0x143: {  	v1 =	vld [tilespmem:$0x670];
	_ =	sdelay $0x6  }
0x144: {  	v40 =	vor.u32 $0x670, v0  }
0x145: {  	[tilespmem:v1+s30+$0x0] =	vst.idx.msk $0xffff, v40  }
0x146: {  	v1 =	vld [tilespmem:$0x680];
	_ =	sdelay $0x6  }
0x147: {  	v41 =	vor.u32 $0x680, v0  }
0x148: {  	[tilespmem:v1+s30+$0x0] =	vst.idx.msk $0xffff, v41  }
0x149: {  	v1 =	vld [tilespmem:$0x690];
	_ =	sdelay $0x6  }
0x14a: {  	v42 =	vor.u32 $0x690, v0  }
0x14b: {  	[tilespmem:v1+s30+$0x0] =	vst.idx.msk $0xffff, v42  }
0x14c: {  	v1 =	vld [tilespmem:$0x6A0];
	_ =	sdelay $0x6  }
0x14d: {  	v43 =	vor.u32 $0x6A0, v0  }
0x14e: {  	[tilespmem:v1+s30+$0x0] =	vst.idx.msk $0xffff, v43  }
0x14f: {  	v1 =	vld [tilespmem:$0x6B0];
	_ =	sdelay $0x6  }
0x150: {  	v44 =	vor.u32 $0x6B0, v0  }
0x151: {  	[tilespmem:v1+s30+$0x0] =	vst.idx.msk $0xffff, v44  }
0x152: {  	v1 =	vld [tilespmem:$0x6C0];
	_ =	sdelay $0x6  }
0x153: {  	v45 =	vor.u32 $0x6C0, v0  }
0x154: {  	[tilespmem:v1+s30+$0x0] =	vst.idx.msk $0xffff, v45  }
0x155: {  	v1 =	vld [tilespmem:$0x6D0];
	_ =	sdelay $0x6  }
0x156: {  	v46 =	vor.u32 $0x6D0, v0  }
0x157: {  	[tilespmem:v1+s30+$0x0] =	vst.idx.msk $0xffff, v46  }
0x158: {  	v1 =	vld [tilespmem:$0x6E0];
	_ =	sdelay $0x6  }
0x159: {  	v47 =	vor.u32 $0x6E0, v0  }
0x15a: {  	[tilespmem:v1+s30+$0x0] =	vst.idx.msk $0xffff, v47  }
0x15b: {  	v1 =	vld [tilespmem:$0x6F0];
	_ =	sdelay $0x6  }
0x15c: {  	v48 =	vor.u32 $0x6F0, v0  }
0x15d: {  	[tilespmem:v1+s30+$0x0] =	vst.idx.msk $0xffff, v48  }
0x15e: {  	v1 =	vld [tilespmem:$0x700];
	_ =	sdelay $0x6  }
0x15f: {  	v49 =	vor.u32 $0x700, v0  }
0x160: {  	[tilespmem:v1+s30+$0x0] =	vst.idx.msk $0xffff, v49  }
0x161: {  	v1 =	vld [tilespmem:$0x710];
	_ =	sdelay $0x6  }
0x162: {  	v50 =	vor.u32 $0x710, v0  }
0x163: {  	[tilespmem:v1+s30+$0x0] =	vst.idx.msk $0xffff, v50  }
0x164: {  	v1 =	vld [tilespmem:$0x720];
	_ =	sdelay $0x6  }
0x165: {  	v51 =	vor.u32 $0x720, v0  }
0x166: {  	[tilespmem:v1+s30+$0x0] =	vst.idx.msk $0xffff, v51  }
0x167: {  	v1 =	vld [tilespmem:$0x730];
	_ =	sdelay $0x6  }
0x168: {  	v52 =	vor.u32 $0x730, v0  }
0x169: {  	[tilespmem:v1+s30+$0x0] =	vst.idx.msk $0xffff, v52  }
0x16a: {  	v1 =	vld [tilespmem:$0x740];
	_ =	sdelay $0x6  }
0x16b: {  	v53 =	vor.u32 $0x740, v0  }
0x16c: {  	[tilespmem:v1+s30+$0x0] =	vst.idx.msk $0xffff, v53  }
0x16d: {  	v1 =	vld [tilespmem:$0x750];
	_ =	sdelay $0x6  }
0x16e: {  	v54 =	vor.u32 $0x750, v0  }
0x16f: {  	[tilespmem:v1+s30+$0x0] =	vst.idx.msk $0xffff, v54  }
0x170: {  	v1 =	vld [tilespmem:$0x760];
	_ =	sdelay $0x6  }
0x171: {  	v55 =	vor.u32 $0x760, v0  }
0x172: {  	[tilespmem:v1+s30+$0x0] =	vst.idx.msk $0xffff, v55  }
0x173: {  	v1 =	vld [tilespmem:$0x770];
	_ =	sdelay $0x6  }
0x174: {  	v56 =	vor.u32 $0x770, v0  }
0x175: {  	[tilespmem:v1+s30+$0x0] =	vst.idx.msk $0xffff, v56  }
0x176: {  	v1 =	vld [tilespmem:$0x780];
	_ =	sdelay $0x6  }
0x177: {  	v57 =	vor.u32 $0x780, v0  }
0x178: {  	[tilespmem:v1+s30+$0x0] =	vst.idx.msk $0xffff, v57  }
0x179: {  	v1 =	vld [tilespmem:$0x790];
	_ =	sdelay $0x6  }
0x17a: {  	v58 =	vor.u32 $0x790, v0  }
0x17b: {  	[tilespmem:v1+s30+$0x0] =	vst.idx.msk $0xffff, v58  }
0x17c: {  	v1 =	vld [tilespmem:$0x7A0];
	_ =	sdelay $0x6  }
0x17d: {  	v59 =	vor.u32 $0x7A0, v0  }
0x17e: {  	[tilespmem:v1+s30+$0x0] =	vst.idx.msk $0xffff, v59  }
0x17f: {  	v1 =	vld [tilespmem:$0x7B0];
	_ =	sdelay $0x6  }
0x180: {  	v60 =	vor.u32 $0x7B0, v0  }
0x181: {  	[tilespmem:v1+s30+$0x0] =	vst.idx.msk $0xffff, v60  }
0x182: {  	v1 =	vld [tilespmem:$0x7C0];
	_ =	sdelay $0x6  }
0x183: {  	v61 =	vor.u32 $0x7C0, v0  }
0x184: {  	[tilespmem:v1+s30+$0x0] =	vst.idx.msk $0xffff, v61  }
0x185: {  	v1 =	vld [tilespmem:$0x7D0];
	_ =	sdelay $0x6  }
0x186: {  	v62 =	vor.u32 $0x7D0, v0  }
0x187: {  	[tilespmem:v1+s30+$0x0] =	vst.idx.msk $0xffff, v62  }
0x188: {  	v1 =	vld [tilespmem:$0x7E0];
	_ =	sdelay $0x6  }
0x189: {  	v63 =	vor.u32 $0x7E0, v0  }
0x18a: {  	[tilespmem:v1+s30+$0x0] =	vst.idx.msk $0xffff, v63  }
0x18b: {  	v1 =	vld [tilespmem:$0x7F0];
	_ =	sdelay $0x6  }
0x18c: {  	v0 =	vor.u32 $0x7F0, v0  }
0x18d: {  	s31 =	simm.s32 $0xE00;
	s2 =	sadd.s32 s2, s5;
	[tilespmem:v1+s30+$0x0] =	vst.idx.msk $0xffff, v0  }
0x18e: {  	[hbm4b:s2+s28] =	stream.strided.scatter [tilespmem:s31], [sflag:$0x1], $0x200, s6, s28, $0x38;
	[tilespmem:$0x1000] =	vst v63  }
0x18f: {  	_ =	swait.ge [sflag:s29], $0x200  }
0x190: {  	[sflag:s29] =	ssyncset.done $0x0  }
0x191: {  	[sflag:s29] =	ssyncadd.s32 $0xFFFFFE00  }
.LBB2_2:
0x192: {  	_ =	sfence.sel $0x180000  }
0x193: {  	[bflag:$0x0] =	sbarrier.arrive $0xFFFF  }
0x194: {  	p0 =	sne.s32 s1, $0x0;
	_ =	strace $0x90000047  }
0x195: {  	s0 =	sadd.s32 @!p0 $0x100000, s0;
	[bflag:$0x2] =	sbarrier.arrive $0xFFFF  }
0x196: {  	[sflag:s0] =	ssyncadd.tile.s32 @!p0 $0x1;
	_ =	shalt  }
.Lfunc_end2:
_tile_overlayer_lowered:
.L_overlay_start_2:
0x197: {  	(tag) =	ssettag $0x2  }
0x198: {  	s0 =	rddreg [dreg:$0x0];
	s2 =	stileid.u32  }
0x199: {  	s1 =	rddreg [dreg:$0x1];
	p0 =	sne.s32 s2, $0x0  }
0x19a: {  	s3 =	rddreg [dreg:$0x2];
	[bflag:$0x3] =	sbarrier.arrive $0xFFFF;
	s2 =	simm.s32 @!p0 $0x1C01  }
0x19b: {  	[timem:s3], [sflag:s2] =	dma.local @!p0 [hbm:s0], s1  }
0x19c: {  	s0 =	simm.s32 @!p0 $0x1  }
0x19d: {  	_ =	swait.ge @!p0 [sflag:s0], s1  }
0x19e: {  	s1 =	ssub.s32 @!p0 $0x0, s1;
	[sflag:s0] =	ssyncset.done @!p0 $0x0  }
0x19f: {  	[sflag:s0] =	ssyncadd.s32 @!p0 s1  }
0x1a0: {  	[bflag:$0x3] =	sbarrier.arrive $0xFFFF  }
0x1a1: {  	_ =	shalt  }

</sc_bundles>
